<compile_context>
chip_gen: v7x
topology: tpu7x:2x2x1
jax: 0.10.2.dev20260603
libtpu: 0.0.44.dev20260713+nightly
codegen_flags: <defaults>
</compile_context>

<pallas_src>
import functools

import jax
import jax.numpy as jnp
from jax import lax
from jax.experimental import pallas as pl
from jax.experimental.pallas import tpu as pltpu
from jax.experimental.pallas import tpu_sc as plsc

WORD_DIM = 128
TAG_DIM = 32
PRED_SIZE = 16
AP_DIM = TAG_DIM + PRED_SIZE
OUT_DIM = WORD_DIM + AP_DIM
PAD_DIM = 256
TAG_NUM = 64

NUM_CORES = 2
NUM_SUBCORES = 16
NUM_WORKERS = NUM_CORES * NUM_SUBCORES
NBUF = 2
LANES = 16


@functools.partial(jax.jit, static_argnames=("B", "L"))
def _sc_embed(word_id, tag_id, predicate, word_table, tag_table,
              B: int, L: int):
    units_per_w = B // NUM_WORKERS
    g0 = (L // 2 + 7) // 8 * 8
    g1 = L - g0
    mesh = plsc.VectorSubcoreMesh(core_axis_name="c", subcore_axis_name="s")

    @functools.partial(
        pl.kernel,
        out_type=jax.ShapeDtypeStruct((B, L, PAD_DIM), jnp.float32),
        mesh=mesh,
        scratch_types=[
            [pltpu.VMEM((L,), jnp.int32)] * NBUF,
            [pltpu.VMEM((L,), jnp.int32)] * NBUF,
            [pltpu.VMEM((L,), jnp.int32)] * NBUF,
            [pltpu.VMEM((L, WORD_DIM), jnp.float32)] * NBUF,
            [pltpu.VMEM((L, WORD_DIM), jnp.float32)] * NBUF,
            pltpu.VMEM((TAG_NUM, TAG_DIM), jnp.float32),
            [pltpu.SemaphoreType.DMA] * NBUF,
            [pltpu.SemaphoreType.DMA] * NBUF,
            [pltpu.SemaphoreType.DMA] * NBUF,
        ],
    )
    def k(wid_hbm, tid_hbm, pid_hbm, wtab_hbm, ttab_hbm, out_hbm,
          widx, tidx, pidx, wrows, aprows, ttab_v, isem, gsem, wsem):
        w = lax.axis_index("s") * NUM_CORES + lax.axis_index("c")
        pltpu.sync_copy(ttab_hbm, ttab_v)

        def bat(c):
            return c * NUM_WORKERS + w

        def idx_copies(s, c):
            base = bat(c) * L
            return [
                pltpu.make_async_copy(wid_hbm.at[pl.ds(base, L)],
                                      widx[s], isem[s]),
                pltpu.make_async_copy(tid_hbm.at[pl.ds(base, L)],
                                      tidx[s], isem[s]),
                pltpu.make_async_copy(pid_hbm.at[pl.ds(base, L)],
                                      pidx[s], isem[s]),
            ]

        def gather_copies(s):
            cps = []
            for off, sz in ((0, g0), (g0, g1)):
                sl = pl.ds(off, sz)
                cps.append(pltpu.make_async_copy(
                    wtab_hbm.at[widx[s].at[sl]], wrows[s].at[sl, :], gsem[s]))
            return cps

        def write_copies(s, c):
            b = bat(c)
            return [
                pltpu.make_async_copy(
                    wrows[s], out_hbm.at[b, :, pl.ds(0, WORD_DIM)], wsem[s]),
                pltpu.make_async_copy(
                    aprows[s], out_hbm.at[b, :, pl.ds(WORD_DIM, WORD_DIM)],
                    wsem[s]),
            ]

        def compute_ap(s):
            ngroups = (L + LANES - 1) // LANES
            last_off = L - LANES

            def bgbody(bg, carry):
                roff = jnp.minimum(bg * LANES, last_off)
                tid16 = tidx[s][pl.ds(roff, LANES)]
                pid16 = pidx[s][pl.ds(roff, LANES)].astype(jnp.float32)
                for j in range(LANES):
                    r = roff + j
                    tid_r = tid16[j]
                    aprows[s][r, pl.ds(0, LANES)] = (
                        ttab_v[tid_r, pl.ds(0, LANES)])
                    aprows[s][r, pl.ds(LANES, LANES)] = (
                        ttab_v[tid_r, pl.ds(LANES, LANES)])
                    aprows[s][r, pl.ds(TAG_DIM, LANES)] = jnp.full(
                        (LANES,), pid16[j], jnp.float32)
                return carry

            lax.fori_loop(0, ngroups, bgbody, 0)

        def step(s, c):
            for cp in idx_copies(s, c):
                cp.wait()
            @pl.when(c >= NBUF)
            def _():
                for cp in write_copies(s, c - NBUF):
                    cp.wait()
            for cp in gather_copies(s):
                cp.start()
            compute_ap(s)
            @pl.when(c >= 1)
            def _():
                for cp in gather_copies(1 - s):
                    cp.wait()
                for cp in write_copies(1 - s, c - 1):
                    cp.start()

                @pl.when(c + 1 < units_per_w)
                def _():
                    for cp in idx_copies(1 - s, c + 1):
                        cp.start()

        for s in range(NBUF):
            for cp in idx_copies(s, s):
                cp.start()

        def body(p, carry):
            c = p * NBUF
            for s in range(NBUF):
                step(s, c + s)
            return carry

        lax.fori_loop(0, units_per_w // NBUF, body, 0)

        last = units_per_w - 1
        for cp in gather_copies(last % NBUF):
            cp.wait()
        for cp in write_copies(last % NBUF, last):
            cp.start()
        for s in range(NBUF):
            for cp in write_copies(s, last - (last % NBUF) + s):
                cp.wait()

    return k(word_id, tag_id, predicate, word_table, tag_table)


def kernel(word_id, tag_id, predicate, word_table, tag_table):
    B, L = word_id.shape
    out = _sc_embed(word_id.reshape(B * L), tag_id.reshape(B * L),
                    predicate.reshape(B * L), word_table, tag_table,
                    B=B, L=L)
    return out[:, :, :OUT_DIM]

# --- scband reference (transcript-rebuilt; emitter-appended) ---
"""Pipeline reference for scband-embedding-layer-63986422775837 (READ-ONLY COPY).

The authoritative reference and input builder live on the scoring server;
editing this copy changes nothing except your own understanding.
"""

import jax, jax.numpy as jnp
import numpy as np

VOCAB = 100000
WORD_DIM = 128
TAG_NUM = 64
TAG_DIM = 32
PRED_SIZE = 16
B, L = 4096, 200


def setup_inputs(seed: int = 0) -> dict:
    key = jax.random.key(seed)
    k1, k2, k3, k4, k5 = jax.random.split(key, 5)
    word_id = jax.random.randint(k1, (B, L), 0, VOCAB, dtype=jnp.int64 if jax.config.jax_enable_x64 else jnp.int32).astype(jnp.int32)
    tag_id = jax.random.randint(k2, (B, L), 0, TAG_NUM).astype(jnp.int32)
    predicate = jax.random.randint(k3, (B, L), 0, 2).astype(jnp.int32)
    word_table = jax.random.normal(k4, (VOCAB, WORD_DIM), dtype=jnp.float32) * 0.02
    tag_table = jax.random.normal(k5, (TAG_NUM, TAG_DIM), dtype=jnp.float32) * 0.02
    return {
        "word_id": word_id,
        "tag_id": tag_id,
        "predicate": predicate,
        "word_table": word_table,
        "tag_table": tag_table,
    }


def reference(word_id, tag_id, predicate, word_table, tag_table):
    # word embedding lookup (gather)
    word_embedded = jnp.take(word_table, word_id, axis=0)  # [B, L, WORD_DIM]
    # tag embedding lookup (gather)
    tag_embedded = jnp.take(tag_table, tag_id, axis=0)     # [B, L, TAG_DIM]
    # tile predicate indicator along feature dim and cast to float
    pred = jnp.tile(jnp.expand_dims(predicate, -1), (1, 1, PRED_SIZE)).astype(jnp.float32)  # [B, L, PRED_SIZE]
    outputs = jnp.concatenate([word_embedded, tag_embedded, pred], axis=-1)  # [B, L, WORD_DIM+TAG_DIM+PRED_SIZE]
    return outputs

if __name__ == "__main__":
    import jax
    _d = setup_inputs()
    print(jax.jit(kernel)(*tuple(_d.values())))

</pallas_src>

<mosaic_0001>
#map = affine_map<(d0, d1) -> (0)>
#map1 = affine_map<(d0, d1) -> (0, 0)>
#map2 = affine_map<(d0, d1) -> (0, 0, 0)>
module attributes {stable_mosaic.version = 14 : i64} {
  func.func @k(%arg0: i32, %arg1: i32, %arg2: memref<819200xi32, #tpu.memory_space<hbm>>, %arg3: memref<819200xi32, #tpu.memory_space<hbm>>, %arg4: memref<819200xi32, #tpu.memory_space<hbm>>, %arg5: memref<100000x128xf32, #tpu.memory_space<hbm>>, %arg6: memref<64x32xf32, #tpu.memory_space<hbm>>, %arg7: memref<4096x200x256xf32, #tpu.memory_space<hbm>>, %arg8: memref<200xi32, #tpu.memory_space<vmem>>, %arg9: memref<200xi32, #tpu.memory_space<vmem>>, %arg10: memref<200xi32, #tpu.memory_space<vmem>>, %arg11: memref<200xi32, #tpu.memory_space<vmem>>, %arg12: memref<200xi32, #tpu.memory_space<vmem>>, %arg13: memref<200xi32, #tpu.memory_space<vmem>>, %arg14: memref<200x128xf32, #tpu.memory_space<vmem>>, %arg15: memref<200x128xf32, #tpu.memory_space<vmem>>, %arg16: memref<200x128xf32, #tpu.memory_space<vmem>>, %arg17: memref<200x128xf32, #tpu.memory_space<vmem>>, %arg18: memref<64x32xf32, #tpu.memory_space<vmem>>, %arg19: memref<!tpu.dma_semaphore, #tpu.memory_space<semaphore_mem>>, %arg20: memref<!tpu.dma_semaphore, #tpu.memory_space<semaphore_mem>>, %arg21: memref<!tpu.dma_semaphore, #tpu.memory_space<semaphore_mem>>, %arg22: memref<!tpu.dma_semaphore, #tpu.memory_space<semaphore_mem>>, %arg23: memref<!tpu.dma_semaphore, #tpu.memory_space<semaphore_mem>>, %arg24: memref<!tpu.dma_semaphore, #tpu.memory_space<semaphore_mem>>) attributes {dimension_semantics = [#tpu.dimension_semantics<core_parallel>, #tpu.dimension_semantics<subcore_parallel>], iteration_bounds = array<i64: 2, 16>, scalar_prefetch = 0 : i64, scratch_operands = 17 : i64, tpu.core_type = #tpu.core_type<sc_vector_subcore>, window_params = [{transform_indices = #map}, {transform_indices = #map}, {transform_indices = #map}, {transform_indices = #map1}, {transform_indices = #map1}, {transform_indices = #map2}]} {
    %mul3A = arith.constant 2 : i32
    %mul3A_0 = arith.muli %arg1, %mul3A : i32
    %add3A = arith.addi %mul3A_0, %arg0 : i32
    "tpu.region"() ({
      %run_scoped3A = tpu.sem_alloc : memref<!tpu.dma_semaphore, #tpu.memory_space<semaphore_mem>>
      tpu.enqueue_dma source(%arg6 : memref<64x32xf32, #tpu.memory_space<hbm>>) target(%arg18 : memref<64x32xf32, #tpu.memory_space<vmem>>) target_semaphore(%run_scoped3A : memref<!tpu.dma_semaphore, #tpu.memory_space<semaphore_mem>>)
      tpu.wait_dma2 semaphore(%run_scoped3A : memref<!tpu.dma_semaphore, #tpu.memory_space<semaphore_mem>>) src(%arg6 : memref<64x32xf32, #tpu.memory_space<hbm>>) dst(%arg18 : memref<64x32xf32, #tpu.memory_space<vmem>>)
      tpu.yield
    }) : () -> ()
    %add3A_1 = arith.constant 0 : i32
    %add3A_2 = arith.addi %add3A_1, %add3A : i32
    %mul3A_3 = arith.constant 200 : i32
    %mul3A_4 = arith.muli %add3A_2, %mul3A_3 : i32
    %dma_start3A = tpu.memref_slice %arg2[%mul3A_4] : memref<819200xi32, #tpu.memory_space<hbm>> -> memref<200xi32, #tpu.memory_space<hbm>>
    %dma_start3A_5 = tpu.memref_slice %arg2[%mul3A_4] : memref<819200xi32, #tpu.memory_space<hbm>> -> memref<200xi32, #tpu.memory_space<hbm>>
    tpu.enqueue_dma source(%dma_start3A_5 : memref<200xi32, #tpu.memory_space<hbm>>) target(%arg8 : memref<200xi32, #tpu.memory_space<vmem>>) target_semaphore(%arg19 : memref<!tpu.dma_semaphore, #tpu.memory_space<semaphore_mem>>)
    %dma_start3A_6 = tpu.memref_slice %arg3[%mul3A_4] : memref<819200xi32, #tpu.memory_space<hbm>> -> memref<200xi32, #tpu.memory_space<hbm>>
    %dma_start3A_7 = tpu.memref_slice %arg3[%mul3A_4] : memref<819200xi32, #tpu.memory_space<hbm>> -> memref<200xi32, #tpu.memory_space<hbm>>
    tpu.enqueue_dma source(%dma_start3A_7 : memref<200xi32, #tpu.memory_space<hbm>>) target(%arg10 : memref<200xi32, #tpu.memory_space<vmem>>) target_semaphore(%arg19 : memref<!tpu.dma_semaphore, #tpu.memory_space<semaphore_mem>>)
    %dma_start3A_8 = tpu.memref_slice %arg4[%mul3A_4] : memref<819200xi32, #tpu.memory_space<hbm>> -> memref<200xi32, #tpu.memory_space<hbm>>
    %dma_start3A_9 = tpu.memref_slice %arg4[%mul3A_4] : memref<819200xi32, #tpu.memory_space<hbm>> -> memref<200xi32, #tpu.memory_space<hbm>>
    tpu.enqueue_dma source(%dma_start3A_9 : memref<200xi32, #tpu.memory_space<hbm>>) target(%arg12 : memref<200xi32, #tpu.memory_space<vmem>>) target_semaphore(%arg19 : memref<!tpu.dma_semaphore, #tpu.memory_space<semaphore_mem>>)
    %add3A_10 = arith.constant 32 : i32
    %add3A_11 = arith.addi %add3A_10, %add3A : i32
    %mul3A_12 = arith.constant 200 : i32
    %mul3A_13 = arith.muli %add3A_11, %mul3A_12 : i32
    %dma_start3A_14 = tpu.memref_slice %arg2[%mul3A_13] : memref<819200xi32, #tpu.memory_space<hbm>> -> memref<200xi32, #tpu.memory_space<hbm>>
    %dma_start3A_15 = tpu.memref_slice %arg2[%mul3A_13] : memref<819200xi32, #tpu.memory_space<hbm>> -> memref<200xi32, #tpu.memory_space<hbm>>
    tpu.enqueue_dma source(%dma_start3A_15 : memref<200xi32, #tpu.memory_space<hbm>>) target(%arg9 : memref<200xi32, #tpu.memory_space<vmem>>) target_semaphore(%arg20 : memref<!tpu.dma_semaphore, #tpu.memory_space<semaphore_mem>>)
    %dma_start3A_16 = tpu.memref_slice %arg3[%mul3A_13] : memref<819200xi32, #tpu.memory_space<hbm>> -> memref<200xi32, #tpu.memory_space<hbm>>
    %dma_start3A_17 = tpu.memref_slice %arg3[%mul3A_13] : memref<819200xi32, #tpu.memory_space<hbm>> -> memref<200xi32, #tpu.memory_space<hbm>>
    tpu.enqueue_dma source(%dma_start3A_17 : memref<200xi32, #tpu.memory_space<hbm>>) target(%arg11 : memref<200xi32, #tpu.memory_space<vmem>>) target_semaphore(%arg20 : memref<!tpu.dma_semaphore, #tpu.memory_space<semaphore_mem>>)
    %dma_start3A_18 = tpu.memref_slice %arg4[%mul3A_13] : memref<819200xi32, #tpu.memory_space<hbm>> -> memref<200xi32, #tpu.memory_space<hbm>>
    %dma_start3A_19 = tpu.memref_slice %arg4[%mul3A_13] : memref<819200xi32, #tpu.memory_space<hbm>> -> memref<200xi32, #tpu.memory_space<hbm>>
    tpu.enqueue_dma source(%dma_start3A_19 : memref<200xi32, #tpu.memory_space<hbm>>) target(%arg13 : memref<200xi32, #tpu.memory_space<vmem>>) target_semaphore(%arg20 : memref<!tpu.dma_semaphore, #tpu.memory_space<semaphore_mem>>)
    %scan3A = arith.constant 0 : i32
    %scan3A_20 = arith.constant 0 : i32
    %scan3A_21 = arith.constant 64 : i32
    %scan3A_22 = arith.addi %scan3A_20, %scan3A_21 : i32
    %scan3A_23 = arith.constant 1 : i32
    scf.for %scan3A_94 = %scan3A_20 to %scan3A_22 step %scan3A_23  : i32 {
      %mul3A_95 = arith.constant 2 : i32
      %mul3A_96 = arith.muli %scan3A_94, %mul3A_95 : i32
      %add3A_97 = arith.constant 0 : i32
      %add3A_98 = arith.addi %mul3A_96, %add3A_97 : i32
      %mul3A_99 = arith.constant 32 : i32
      %mul3A_100 = arith.muli %add3A_98, %mul3A_99 : i32
      %add3A_101 = arith.addi %mul3A_100, %add3A : i32
      %mul3A_102 = arith.constant 200 : i32
      %mul3A_103 = arith.muli %add3A_101, %mul3A_102 : i32
      %dma_wait3A_104 = tpu.memref_slice %arg2[%mul3A_103] : memref<819200xi32, #tpu.memory_space<hbm>> -> memref<200xi32, #tpu.memory_space<hbm>>
      %dma_wait3A_105 = tpu.memref_slice %arg2[%mul3A_103] : memref<819200xi32, #tpu.memory_space<hbm>> -> memref<200xi32, #tpu.memory_space<hbm>>
      tpu.wait_dma2 semaphore(%arg19 : memref<!tpu.dma_semaphore, #tpu.memory_space<semaphore_mem>>) src(%dma_wait3A_105 : memref<200xi32, #tpu.memory_space<hbm>>) dst(%arg8 : memref<200xi32, #tpu.memory_space<vmem>>)
      %dma_wait3A_106 = tpu.memref_slice %arg3[%mul3A_103] : memref<819200xi32, #tpu.memory_space<hbm>> -> memref<200xi32, #tpu.memory_space<hbm>>
      %dma_wait3A_107 = tpu.memref_slice %arg3[%mul3A_103] : memref<819200xi32, #tpu.memory_space<hbm>> -> memref<200xi32, #tpu.memory_space<hbm>>
      tpu.wait_dma2 semaphore(%arg19 : memref<!tpu.dma_semaphore, #tpu.memory_space<semaphore_mem>>) src(%dma_wait3A_107 : memref<200xi32, #tpu.memory_space<hbm>>) dst(%arg10 : memref<200xi32, #tpu.memory_space<vmem>>)
      %dma_wait3A_108 = tpu.memref_slice %arg4[%mul3A_103] : memref<819200xi32, #tpu.memory_space<hbm>> -> memref<200xi32, #tpu.memory_space<hbm>>
      %dma_wait3A_109 = tpu.memref_slice %arg4[%mul3A_103] : memref<819200xi32, #tpu.memory_space<hbm>> -> memref<200xi32, #tpu.memory_space<hbm>>
      tpu.wait_dma2 semaphore(%arg19 : memref<!tpu.dma_semaphore, #tpu.memory_space<semaphore_mem>>) src(%dma_wait3A_109 : memref<200xi32, #tpu.memory_space<hbm>>) dst(%arg12 : memref<200xi32, #tpu.memory_space<vmem>>)
      %ge3A = arith.constant 2 : i32
      %ge3A_110 = arith.cmpi sge, %add3A_98, %ge3A : i32
      %convert_element_type3A = arith.extui %ge3A_110 : i1 to i32
      %cond3A = arith.constant 0 : i32
      %cond3A_111 = arith.cmpi ne, %convert_element_type3A, %cond3A : i32
      scf.if %cond3A_111 {
        %sub3A = arith.constant 2 : i32
        %sub3A_184 = arith.subi %add3A_98, %sub3A : i32
        %mul3A_185 = arith.constant 32 : i32
        %mul3A_186 = arith.muli %sub3A_184, %mul3A_185 : i32
        %add3A_187 = arith.addi %mul3A_186, %add3A : i32
        %dma_wait3A_188 = arith.constant 0 : i32
        %dma_wait3A_189 = arith.constant 0 : i32
        %dma_wait3A_190 = tpu.memref_slice %arg7[%add3A_187, %dma_wait3A_188, %dma_wait3A_189] : memref<4096x200x256xf32, #tpu.memory_space<hbm>> -> memref<1x200x128xf32, #tpu.memory_space<hbm>>
        %dma_wait3A_191 = tpu.memref_squeeze %dma_wait3A_190 : memref<1x200x128xf32, #tpu.memory_space<hbm>> -> memref<200x128xf32, #tpu.memory_space<hbm>>
        %dma_wait3A_192 = arith.constant 0 : i32
        %dma_wait3A_193 = arith.constant 0 : i32
        %dma_wait3A_194 = tpu.memref_slice %arg7[%add3A_187, %dma_wait3A_192, %dma_wait3A_193] : memref<4096x200x256xf32, #tpu.memory_space<hbm>> -> memref<1x200x128xf32, #tpu.memory_space<hbm>>
        %dma_wait3A_195 = tpu.memref_squeeze %dma_wait3A_194 : memref<1x200x128xf32, #tpu.memory_space<hbm>> -> memref<200x128xf32, #tpu.memory_space<hbm>>
        tpu.wait_dma2 semaphore(%arg23 : memref<!tpu.dma_semaphore, #tpu.memory_space<semaphore_mem>>) src(%arg14 : memref<200x128xf32, #tpu.memory_space<vmem>>) dst(%dma_wait3A_195 : memref<200x128xf32, #tpu.memory_space<hbm>>)
        %dma_wait3A_196 = arith.constant 0 : i32
        %dma_wait3A_197 = arith.constant 128 : i32
        %dma_wait3A_198 = tpu.memref_slice %arg7[%add3A_187, %dma_wait3A_196, %dma_wait3A_197] : memref<4096x200x256xf32, #tpu.memory_space<hbm>> -> memref<1x200x128xf32, #tpu.memory_space<hbm>>
        %dma_wait3A_199 = tpu.memref_squeeze %dma_wait3A_198 : memref<1x200x128xf32, #tpu.memory_space<hbm>> -> memref<200x128xf32, #tpu.memory_space<hbm>>
        %dma_wait3A_200 = arith.constant 0 : i32
        %dma_wait3A_201 = arith.constant 128 : i32
        %dma_wait3A_202 = tpu.memref_slice %arg7[%add3A_187, %dma_wait3A_200, %dma_wait3A_201] : memref<4096x200x256xf32, #tpu.memory_space<hbm>> -> memref<1x200x128xf32, #tpu.memory_space<hbm>>
        %dma_wait3A_203 = tpu.memref_squeeze %dma_wait3A_202 : memref<1x200x128xf32, #tpu.memory_space<hbm>> -> memref<200x128xf32, #tpu.memory_space<hbm>>
        tpu.wait_dma2 semaphore(%arg23 : memref<!tpu.dma_semaphore, #tpu.memory_space<semaphore_mem>>) src(%arg16 : memref<200x128xf32, #tpu.memory_space<vmem>>) dst(%dma_wait3A_203 : memref<200x128xf32, #tpu.memory_space<hbm>>)
      } else {
      }
      %dma_start3A_112 = arith.constant 0 : i32
      %dma_start3A_113 = arith.constant 0 : i32
      %dma_start3A_114 = tpu.memref_slice %arg14[%dma_start3A_112, %dma_start3A_113] : memref<200x128xf32, #tpu.memory_space<vmem>> -> memref<104x128xf32, #tpu.memory_space<vmem>>
      %dma_start3A_115 = arith.constant 0 : i32
      %dma_start3A_116 = tpu.memref_slice %arg8[%dma_start3A_115] : memref<200xi32, #tpu.memory_space<vmem>> -> memref<104xi32, #tpu.memory_space<vmem>>
      %dma_start3A_117 = arith.constant 0 : i32
      %dma_start3A_118 = arith.constant 0 : i32
      %dma_start3A_119 = tpu.memref_slice %arg5[%dma_start3A_117, %dma_start3A_118] : memref<100000x128xf32, #tpu.memory_space<hbm>> -> memref<100000x128xf32, #tpu.memory_space<hbm>>
      tpu.enqueue_indirect_dma source(%dma_start3A_119 : memref<100000x128xf32, #tpu.memory_space<hbm>>) target(%dma_start3A_114 : memref<104x128xf32, #tpu.memory_space<vmem>>) offsets(%dma_start3A_116 : memref<104xi32, #tpu.memory_space<vmem>>) semaphore(%arg21 : memref<!tpu.dma_semaphore, #tpu.memory_space<semaphore_mem>>)
      %dma_start3A_120 = arith.constant 104 : i32
      %dma_start3A_121 = arith.constant 0 : i32
      %dma_start3A_122 = tpu.memref_slice %arg14[%dma_start3A_120, %dma_start3A_121] : memref<200x128xf32, #tpu.memory_space<vmem>> -> memref<96x128xf32, #tpu.memory_space<vmem>>
      %dma_start3A_123 = arith.constant 104 : i32
      %dma_start3A_124 = tpu.memref_slice %arg8[%dma_start3A_123] : memref<200xi32, #tpu.memory_space<vmem>> -> memref<96xi32, #tpu.memory_space<vmem>>
      %dma_start3A_125 = arith.constant 0 : i32
      %dma_start3A_126 = arith.constant 0 : i32
      %dma_start3A_127 = tpu.memref_slice %arg5[%dma_start3A_125, %dma_start3A_126] : memref<100000x128xf32, #tpu.memory_space<hbm>> -> memref<100000x128xf32, #tpu.memory_space<hbm>>
      tpu.enqueue_indirect_dma source(%dma_start3A_127 : memref<100000x128xf32, #tpu.memory_space<hbm>>) target(%dma_start3A_122 : memref<96x128xf32, #tpu.memory_space<vmem>>) offsets(%dma_start3A_124 : memref<96xi32, #tpu.memory_space<vmem>>) semaphore(%arg21 : memref<!tpu.dma_semaphore, #tpu.memory_space<semaphore_mem>>)
      %scan3A_128 = arith.constant 0 : i32
      %scan3A_129 = arith.constant 0 : i32
      %scan3A_130 = arith.constant 13 : i32
      %scan3A_131 = arith.addi %scan3A_129, %scan3A_130 : i32
      %scan3A_132 = arith.constant 1 : i32
      scf.for %scan3A_184 = %scan3A_129 to %scan3A_131 step %scan3A_132  : i32 {
        %mul3A_185 = arith.constant 16 : i32
        %mul3A_186 = arith.muli %scan3A_184, %mul3A_185 : i32
        %min3A = arith.constant 184 : i32
        %min3A_187 = arith.minsi %mul3A_186, %min3A : i32
        %get3A = arith.index_cast %min3A_187 : i32 to index
        %get3A_188 = tpu.vector_load %arg10[%get3A] {strides = array<i32>} : memref<200xi32, #tpu.memory_space<vmem>>, vector<16xi32>,
        %get3A_189 = vector.shape_cast %get3A_188 : vector<16xi32> to vector<16xi32>
        %get3A_190 = arith.index_cast %min3A_187 : i32 to index
        %get3A_191 = tpu.vector_load %arg12[%get3A_190] {strides = array<i32>} : memref<200xi32, #tpu.memory_space<vmem>>, vector<16xi32>,
        %get3A_192 = vector.shape_cast %get3A_191 : vector<16xi32> to vector<16xi32>
        %convert_element_type3A_193 = arith.sitofp %get3A_192 : vector<16xi32> to vector<16xf32>
        %add3A_194 = arith.constant 0 : i32
        %add3A_195 = arith.addi %min3A_187, %add3A_194 : i32
        %slice3A = vector.extract_strided_slice %get3A_189 {offsets = [0], sizes = [1], strides = [1]} : vector<16xi32> to vector<1xi32>
        %squeeze3A = vector.extract %slice3A[0] : i32 from vector<1xi32>
        %get3A_196 = arith.index_cast %squeeze3A : i32 to index
        %get3A_197 = arith.constant 0 : index
        %get3A_198 = tpu.vector_load %arg18[%get3A_196, %get3A_197] {strides = array<i32>} : memref<64x32xf32, #tpu.memory_space<vmem>>, vector<1x16xf32>,
        %get3A_199 = vector.shape_cast %get3A_198 : vector<1x16xf32> to vector<16xf32>
        %swap3A = arith.index_cast %add3A_195 : i32 to index
        %swap3A_200 = arith.constant 0 : index
        %swap3A_201 = tpu.vector_load %arg16[%swap3A, %swap3A_200] {strides = array<i32>} : memref<200x128xf32, #tpu.memory_space<vmem>>, vector<1x16xf32>,
        %swap3A_202 = vector.shape_cast %swap3A_201 : vector<1x16xf32> to vector<16xf32>
        %swap3A_203 = vector.shape_cast %get3A_199 : vector<16xf32> to vector<1x16xf32>
        tpu.vector_store %arg16[%swap3A, %swap3A_200], %swap3A_203 {strides = array<i32>} : memref<200x128xf32, #tpu.memory_space<vmem>>, vector<1x16xf32>,
        %get3A_204 = arith.index_cast %squeeze3A : i32 to index
        %get3A_205 = arith.constant 16 : index
        %get3A_206 = tpu.vector_load %arg18[%get3A_204, %get3A_205] {strides = array<i32>} : memref<64x32xf32, #tpu.memory_space<vmem>>, vector<1x16xf32>,
        %get3A_207 = vector.shape_cast %get3A_206 : vector<1x16xf32> to vector<16xf32>
        %swap3A_208 = arith.index_cast %add3A_195 : i32 to index
        %swap3A_209 = arith.constant 16 : index
        %swap3A_210 = tpu.vector_load %arg16[%swap3A_208, %swap3A_209] {strides = array<i32>} : memref<200x128xf32, #tpu.memory_space<vmem>>, vector<1x16xf32>,
        %swap3A_211 = vector.shape_cast %swap3A_210 : vector<1x16xf32> to vector<16xf32>
        %swap3A_212 = vector.shape_cast %get3A_207 : vector<16xf32> to vector<1x16xf32>
        tpu.vector_store %arg16[%swap3A_208, %swap3A_209], %swap3A_212 {strides = array<i32>} : memref<200x128xf32, #tpu.memory_space<vmem>>, vector<1x16xf32>,
        %slice3A_213 = vector.extract_strided_slice %convert_element_type3A_193 {offsets = [0], sizes = [1], strides = [1]} : vector<16xf32> to vector<1xf32>
        %squeeze3A_214 = vector.extract %slice3A_213[0] : f32 from vector<1xf32>
        %broadcast_in_dim3A = vector.broadcast %squeeze3A_214 : f32 to vector<16xf32>
        %swap3A_215 = arith.index_cast %add3A_195 : i32 to index
        %swap3A_216 = arith.constant 32 : index
        %swap3A_217 = tpu.vector_load %arg16[%swap3A_215, %swap3A_216] {strides = array<i32>} : memref<200x128xf32, #tpu.memory_space<vmem>>, vector<1x16xf32>,
        %swap3A_218 = vector.shape_cast %swap3A_217 : vector<1x16xf32> to vector<16xf32>
        %swap3A_219 = vector.shape_cast %broadcast_in_dim3A : vector<16xf32> to vector<1x16xf32>
        tpu.vector_store %arg16[%swap3A_215, %swap3A_216], %swap3A_219 {strides = array<i32>} : memref<200x128xf32, #tpu.memory_space<vmem>>, vector<1x16xf32>,
        %add3A_220 = arith.constant 1 : i32
        %add3A_221 = arith.addi %min3A_187, %add3A_220 : i32
        %slice3A_222 = vector.extract_strided_slice %get3A_189 {offsets = [1], sizes = [1], strides = [1]} : vector<16xi32> to vector<1xi32>
        %squeeze3A_223 = vector.extract %slice3A_222[0] : i32 from vector<1xi32>
        %get3A_224 = arith.index_cast %squeeze3A_223 : i32 to index
        %get3A_225 = arith.constant 0 : index
        %get3A_226 = tpu.vector_load %arg18[%get3A_224, %get3A_225] {strides = array<i32>} : memref<64x32xf32, #tpu.memory_space<vmem>>, vector<1x16xf32>,
        %get3A_227 = vector.shape_cast %get3A_226 : vector<1x16xf32> to vector<16xf32>
        %swap3A_228 = arith.index_cast %add3A_221 : i32 to index
        %swap3A_229 = arith.constant 0 : index
        %swap3A_230 = tpu.vector_load %arg16[%swap3A_228, %swap3A_229] {strides = array<i32>} : memref<200x128xf32, #tpu.memory_space<vmem>>, vector<1x16xf32>,
        %swap3A_231 = vector.shape_cast %swap3A_230 : vector<1x16xf32> to vector<16xf32>
        %swap3A_232 = vector.shape_cast %get3A_227 : vector<16xf32> to vector<1x16xf32>
        tpu.vector_store %arg16[%swap3A_228, %swap3A_229], %swap3A_232 {strides = array<i32>} : memref<200x128xf32, #tpu.memory_space<vmem>>, vector<1x16xf32>,
        %get3A_233 = arith.index_cast %squeeze3A_223 : i32 to index
        %get3A_234 = arith.constant 16 : index
        %get3A_235 = tpu.vector_load %arg18[%get3A_233, %get3A_234] {strides = array<i32>} : memref<64x32xf32, #tpu.memory_space<vmem>>, vector<1x16xf32>,
        %get3A_236 = vector.shape_cast %get3A_235 : vector<1x16xf32> to vector<16xf32>
        %swap3A_237 = arith.index_cast %add3A_221 : i32 to index
        %swap3A_238 = arith.constant 16 : index
        %swap3A_239 = tpu.vector_load %arg16[%swap3A_237, %swap3A_238] {strides = array<i32>} : memref<200x128xf32, #tpu.memory_space<vmem>>, vector<1x16xf32>,
        %swap3A_240 = vector.shape_cast %swap3A_239 : vector<1x16xf32> to vector<16xf32>
        %swap3A_241 = vector.shape_cast %get3A_236 : vector<16xf32> to vector<1x16xf32>
        tpu.vector_store %arg16[%swap3A_237, %swap3A_238], %swap3A_241 {strides = array<i32>} : memref<200x128xf32, #tpu.memory_space<vmem>>, vector<1x16xf32>,
        %slice3A_242 = vector.extract_strided_slice %convert_element_type3A_193 {offsets = [1], sizes = [1], strides = [1]} : vector<16xf32> to vector<1xf32>
        %squeeze3A_243 = vector.extract %slice3A_242[0] : f32 from vector<1xf32>
        %broadcast_in_dim3A_244 = vector.broadcast %squeeze3A_243 : f32 to vector<16xf32>
        %swap3A_245 = arith.index_cast %add3A_221 : i32 to index
        %swap3A_246 = arith.constant 32 : index
        %swap3A_247 = tpu.vector_load %arg16[%swap3A_245, %swap3A_246] {strides = array<i32>} : memref<200x128xf32, #tpu.memory_space<vmem>>, vector<1x16xf32>,
        %swap3A_248 = vector.shape_cast %swap3A_247 : vector<1x16xf32> to vector<16xf32>
        %swap3A_249 = vector.shape_cast %broadcast_in_dim3A_244 : vector<16xf32> to vector<1x16xf32>
        tpu.vector_store %arg16[%swap3A_245, %swap3A_246], %swap3A_249 {strides = array<i32>} : memref<200x128xf32, #tpu.memory_space<vmem>>, vector<1x16xf32>,
        %add3A_250 = arith.constant 2 : i32
        %add3A_251 = arith.addi %min3A_187, %add3A_250 : i32
        %slice3A_252 = vector.extract_strided_slice %get3A_189 {offsets = [2], sizes = [1], strides = [1]} : vector<16xi32> to vector<1xi32>
        %squeeze3A_253 = vector.extract %slice3A_252[0] : i32 from vector<1xi32>
        %get3A_254 = arith.index_cast %squeeze3A_253 : i32 to index
        %get3A_255 = arith.constant 0 : index
        %get3A_256 = tpu.vector_load %arg18[%get3A_254, %get3A_255] {strides = array<i32>} : memref<64x32xf32, #tpu.memory_space<vmem>>, vector<1x16xf32>,
        %get3A_257 = vector.shape_cast %get3A_256 : vector<1x16xf32> to vector<16xf32>
        %swap3A_258 = arith.index_cast %add3A_251 : i32 to index
        %swap3A_259 = arith.constant 0 : index
        %swap3A_260 = tpu.vector_load %arg16[%swap3A_258, %swap3A_259] {strides = array<i32>} : memref<200x128xf32, #tpu.memory_space<vmem>>, vector<1x16xf32>,
        %swap3A_261 = vector.shape_cast %swap3A_260 : vector<1x16xf32> to vector<16xf32>
        %swap3A_262 = vector.shape_cast %get3A_257 : vector<16xf32> to vector<1x16xf32>
        tpu.vector_store %arg16[%swap3A_258, %swap3A_259], %swap3A_262 {strides = array<i32>} : memref<200x128xf32, #tpu.memory_space<vmem>>, vector<1x16xf32>,
        %get3A_263 = arith.index_cast %squeeze3A_253 : i32 to index
        %get3A_264 = arith.constant 16 : index
        %get3A_265 = tpu.vector_load %arg18[%get3A_263, %get3A_264] {strides = array<i32>} : memref<64x32xf32, #tpu.memory_space<vmem>>, vector<1x16xf32>,
        %get3A_266 = vector.shape_cast %get3A_265 : vector<1x16xf32> to vector<16xf32>
        %swap3A_267 = arith.index_cast %add3A_251 : i32 to index
        %swap3A_268 = arith.constant 16 : index
        %swap3A_269 = tpu.vector_load %arg16[%swap3A_267, %swap3A_268] {strides = array<i32>} : memref<200x128xf32, #tpu.memory_space<vmem>>, vector<1x16xf32>,
        %swap3A_270 = vector.shape_cast %swap3A_269 : vector<1x16xf32> to vector<16xf32>
        %swap3A_271 = vector.shape_cast %get3A_266 : vector<16xf32> to vector<1x16xf32>
        tpu.vector_store %arg16[%swap3A_267, %swap3A_268], %swap3A_271 {strides = array<i32>} : memref<200x128xf32, #tpu.memory_space<vmem>>, vector<1x16xf32>,
        %slice3A_272 = vector.extract_strided_slice %convert_element_type3A_193 {offsets = [2], sizes = [1], strides = [1]} : vector<16xf32> to vector<1xf32>
        %squeeze3A_273 = vector.extract %slice3A_272[0] : f32 from vector<1xf32>
        %broadcast_in_dim3A_274 = vector.broadcast %squeeze3A_273 : f32 to vector<16xf32>
        %swap3A_275 = arith.index_cast %add3A_251 : i32 to index
        %swap3A_276 = arith.constant 32 : index
        %swap3A_277 = tpu.vector_load %arg16[%swap3A_275, %swap3A_276] {strides = array<i32>} : memref<200x128xf32, #tpu.memory_space<vmem>>, vector<1x16xf32>,
        %swap3A_278 = vector.shape_cast %swap3A_277 : vector<1x16xf32> to vector<16xf32>
        %swap3A_279 = vector.shape_cast %broadcast_in_dim3A_274 : vector<16xf32> to vector<1x16xf32>
        tpu.vector_store %arg16[%swap3A_275, %swap3A_276], %swap3A_279 {strides = array<i32>} : memref<200x128xf32, #tpu.memory_space<vmem>>, vector<1x16xf32>,
        %add3A_280 = arith.constant 3 : i32
        %add3A_281 = arith.addi %min3A_187, %add3A_280 : i32
        %slice3A_282 = vector.extract_strided_slice %get3A_189 {offsets = [3], sizes = [1], strides = [1]} : vector<16xi32> to vector<1xi32>
        %squeeze3A_283 = vector.extract %slice3A_282[0] : i32 from vector<1xi32>
        %get3A_284 = arith.index_cast %squeeze3A_283 : i32 to index
        %get3A_285 = arith.constant 0 : index
        %get3A_286 = tpu.vector_load %arg18[%get3A_284, %get3A_285] {strides = array<i32>} : memref<64x32xf32, #tpu.memory_space<vmem>>, vector<1x16xf32>,
        %get3A_287 = vector.shape_cast %get3A_286 : vector<1x16xf32> to vector<16xf32>
        %swap3A_288 = arith.index_cast %add3A_281 : i32 to index
        %swap3A_289 = arith.constant 0 : index
        %swap3A_290 = tpu.vector_load %arg16[%swap3A_288, %swap3A_289] {strides = array<i32>} : memref<200x128xf32, #tpu.memory_space<vmem>>, vector<1x16xf32>,
        %swap3A_291 = vector.shape_cast %swap3A_290 : vector<1x16xf32> to vector<16xf32>
        %swap3A_292 = vector.shape_cast %get3A_287 : vector<16xf32> to vector<1x16xf32>
        tpu.vector_store %arg16[%swap3A_288, %swap3A_289], %swap3A_292 {strides = array<i32>} : memref<200x128xf32, #tpu.memory_space<vmem>>, vector<1x16xf32>,
        %get3A_293 = arith.index_cast %squeeze3A_283 : i32 to index
        %get3A_294 = arith.constant 16 : index
        %get3A_295 = tpu.vector_load %arg18[%get3A_293, %get3A_294] {strides = array<i32>} : memref<64x32xf32, #tpu.memory_space<vmem>>, vector<1x16xf32>,
        %get3A_296 = vector.shape_cast %get3A_295 : vector<1x16xf32> to vector<16xf32>
        %swap3A_297 = arith.index_cast %add3A_281 : i32 to index
        %swap3A_298 = arith.constant 16 : index
        %swap3A_299 = tpu.vector_load %arg16[%swap3A_297, %swap3A_298] {strides = array<i32>} : memref<200x128xf32, #tpu.memory_space<vmem>>, vector<1x16xf32>,
        %swap3A_300 = vector.shape_cast %swap3A_299 : vector<1x16xf32> to vector<16xf32>
        %swap3A_301 = vector.shape_cast %get3A_296 : vector<16xf32> to vector<1x16xf32>
        tpu.vector_store %arg16[%swap3A_297, %swap3A_298], %swap3A_301 {strides = array<i32>} : memref<200x128xf32, #tpu.memory_space<vmem>>, vector<1x16xf32>,
        %slice3A_302 = vector.extract_strided_slice %convert_element_type3A_193 {offsets = [3], sizes = [1], strides = [1]} : vector<16xf32> to vector<1xf32>
        %squeeze3A_303 = vector.extract %slice3A_302[0] : f32 from vector<1xf32>
        %broadcast_in_dim3A_304 = vector.broadcast %squeeze3A_303 : f32 to vector<16xf32>
        %swap3A_305 = arith.index_cast %add3A_281 : i32 to index
        %swap3A_306 = arith.constant 32 : index
        %swap3A_307 = tpu.vector_load %arg16[%swap3A_305, %swap3A_306] {strides = array<i32>} : memref<200x128xf32, #tpu.memory_space<vmem>>, vector<1x16xf32>,
        %swap3A_308 = vector.shape_cast %swap3A_307 : vector<1x16xf32> to vector<16xf32>
        %swap3A_309 = vector.shape_cast %broadcast_in_dim3A_304 : vector<16xf32> to vector<1x16xf32>
        tpu.vector_store %arg16[%swap3A_305, %swap3A_306], %swap3A_309 {strides = array<i32>} : memref<200x128xf32, #tpu.memory_space<vmem>>, vector<1x16xf32>,
        %add3A_310 = arith.constant 4 : i32
        %add3A_311 = arith.addi %min3A_187, %add3A_310 : i32
        %slice3A_312 = vector.extract_strided_slice %get3A_189 {offsets = [4], sizes = [1], strides = [1]} : vector<16xi32> to vector<1xi32>
        %squeeze3A_313 = vector.extract %slice3A_312[0] : i32 from vector<1xi32>
        %get3A_314 = arith.index_cast %squeeze3A_313 : i32 to index
        %get3A_315 = arith.constant 0 : index
        %get3A_316 = tpu.vector_load %arg18[%get3A_314, %get3A_315] {strides = array<i32>} : memref<64x32xf32, #tpu.memory_space<vmem>>, vector<1x16xf32>,
        %get3A_317 = vector.shape_cast %get3A_316 : vector<1x16xf32> to vector<16xf32>
        %swap3A_318 = arith.index_cast %add3A_311 : i32 to index
        %swap3A_319 = arith.constant 0 : index
        %swap3A_320 = tpu.vector_load %arg16[%swap3A_318, %swap3A_319] {strides = array<i32>} : memref<200x128xf32, #tpu.memory_space<vmem>>, vector<1x16xf32>,
        %swap3A_321 = vector.shape_cast %swap3A_320 : vector<1x16xf32> to vector<16xf32>
        %swap3A_322 = vector.shape_cast %get3A_317 : vector<16xf32> to vector<1x16xf32>
        tpu.vector_store %arg16[%swap3A_318, %swap3A_319], %swap3A_322 {strides = array<i32>} : memref<200x128xf32, #tpu.memory_space<vmem>>, vector<1x16xf32>,
        %get3A_323 = arith.index_cast %squeeze3A_313 : i32 to index
        %get3A_324 = arith.constant 16 : index
        %get3A_325 = tpu.vector_load %arg18[%get3A_323, %get3A_324] {strides = array<i32>} : memref<64x32xf32, #tpu.memory_space<vmem>>, vector<1x16xf32>,
        %get3A_326 = vector.shape_cast %get3A_325 : vector<1x16xf32> to vector<16xf32>
        %swap3A_327 = arith.index_cast %add3A_311 : i32 to index
        %swap3A_328 = arith.constant 16 : index
        %swap3A_329 = tpu.vector_load %arg16[%swap3A_327, %swap3A_328] {strides = array<i32>} : memref<200x128xf32, #tpu.memory_space<vmem>>, vector<1x16xf32>,
        %swap3A_330 = vector.shape_cast %swap3A_329 : vector<1x16xf32> to vector<16xf32>
        %swap3A_331 = vector.shape_cast %get3A_326 : vector<16xf32> to vector<1x16xf32>
        tpu.vector_store %arg16[%swap3A_327, %swap3A_328], %swap3A_331 {strides = array<i32>} : memref<200x128xf32, #tpu.memory_space<vmem>>, vector<1x16xf32>,
        %slice3A_332 = vector.extract_strided_slice %convert_element_type3A_193 {offsets = [4], sizes = [1], strides = [1]} : vector<16xf32> to vector<1xf32>
        %squeeze3A_333 = vector.extract %slice3A_332[0] : f32 from vector<1xf32>
        %broadcast_in_dim3A_334 = vector.broadcast %squeeze3A_333 : f32 to vector<16xf32>
        %swap3A_335 = arith.index_cast %add3A_311 : i32 to index
        %swap3A_336 = arith.constant 32 : index
        %swap3A_337 = tpu.vector_load %arg16[%swap3A_335, %swap3A_336] {strides = array<i32>} : memref<200x128xf32, #tpu.memory_space<vmem>>, vector<1x16xf32>,
        %swap3A_338 = vector.shape_cast %swap3A_337 : vector<1x16xf32> to vector<16xf32>
        %swap3A_339 = vector.shape_cast %broadcast_in_dim3A_334 : vector<16xf32> to vector<1x16xf32>
        tpu.vector_store %arg16[%swap3A_335, %swap3A_336], %swap3A_339 {strides = array<i32>} : memref<200x128xf32, #tpu.memory_space<vmem>>, vector<1x16xf32>,
        %add3A_340 = arith.constant 5 : i32
        %add3A_341 = arith.addi %min3A_187, %add3A_340 : i32
        %slice3A_342 = vector.extract_strided_slice %get3A_189 {offsets = [5], sizes = [1], strides = [1]} : vector<16xi32> to vector<1xi32>
        %squeeze3A_343 = vector.extract %slice3A_342[0] : i32 from vector<1xi32>
        %get3A_344 = arith.index_cast %squeeze3A_343 : i32 to index
        %get3A_345 = arith.constant 0 : index
        %get3A_346 = tpu.vector_load %arg18[%get3A_344, %get3A_345] {strides = array<i32>} : memref<64x32xf32, #tpu.memory_space<vmem>>, vector<1x16xf32>,
        %get3A_347 = vector.shape_cast %get3A_346 : vector<1x16xf32> to vector<16xf32>
        %swap3A_348 = arith.index_cast %add3A_341 : i32 to index
        %swap3A_349 = arith.constant 0 : index
        %swap3A_350 = tpu.vector_load %arg16[%swap3A_348, %swap3A_349] {strides = array<i32>} : memref<200x128xf32, #tpu.memory_space<vmem>>, vector<1x16xf32>,
        %swap3A_351 = vector.shape_cast %swap3A_350 : vector<1x16xf32> to vector<16xf32>
        %swap3A_352 = vector.shape_cast %get3A_347 : vector<16xf32> to vector<1x16xf32>
        tpu.vector_store %arg16[%swap3A_348, %swap3A_349], %swap3A_352 {strides = array<i32>} : memref<200x128xf32, #tpu.memory_space<vmem>>, vector<1x16xf32>,
        %get3A_353 = arith.index_cast %squeeze3A_343 : i32 to index
        %get3A_354 = arith.constant 16 : index
        %get3A_355 = tpu.vector_load %arg18[%get3A_353, %get3A_354] {strides = array<i32>} : memref<64x32xf32, #tpu.memory_space<vmem>>, vector<1x16xf32>,
        %get3A_356 = vector.shape_cast %get3A_355 : vector<1x16xf32> to vector<16xf32>
        %swap3A_357 = arith.index_cast %add3A_341 : i32 to index
        %swap3A_358 = arith.constant 16 : index
        %swap3A_359 = tpu.vector_load %arg16[%swap3A_357, %swap3A_358] {strides = array<i32>} : memref<200x128xf32, #tpu.memory_space<vmem>>, vector<1x16xf32>,
        %swap3A_360 = vector.shape_cast %swap3A_359 : vector<1x16xf32> to vector<16xf32>
        %swap3A_361 = vector.shape_cast %get3A_356 : vector<16xf32> to vector<1x16xf32>
        tpu.vector_store %arg16[%swap3A_357, %swap3A_358], %swap3A_361 {strides = array<i32>} : memref<200x128xf32, #tpu.memory_space<vmem>>, vector<1x16xf32>,
        %slice3A_362 = vector.extract_strided_slice %convert_element_type3A_193 {offsets = [5], sizes = [1], strides = [1]} : vector<16xf32> to vector<1xf32>
        %squeeze3A_363 = vector.extract %slice3A_362[0] : f32 from vector<1xf32>
        %broadcast_in_dim3A_364 = vector.broadcast %squeeze3A_363 : f32 to vector<16xf32>
        %swap3A_365 = arith.index_cast %add3A_341 : i32 to index
        %swap3A_366 = arith.constant 32 : index
        %swap3A_367 = tpu.vector_load %arg16[%swap3A_365, %swap3A_366] {strides = array<i32>} : memref<200x128xf32, #tpu.memory_space<vmem>>, vector<1x16xf32>,
        %swap3A_368 = vector.shape_cast %swap3A_367 : vector<1x16xf32> to vector<16xf32>
        %swap3A_369 = vector.shape_cast %broadcast_in_dim3A_364 : vector<16xf32> to vector<1x16xf32>
        tpu.vector_store %arg16[%swap3A_365, %swap3A_366], %swap3A_369 {strides = array<i32>} : memref<200x128xf32, #tpu.memory_space<vmem>>, vector<1x16xf32>,
        %add3A_370 = arith.constant 6 : i32
        %add3A_371 = arith.addi %min3A_187, %add3A_370 : i32
        %slice3A_372 = vector.extract_strided_slice %get3A_189 {offsets = [6], sizes = [1], strides = [1]} : vector<16xi32> to vector<1xi32>
        %squeeze3A_373 = vector.extract %slice3A_372[0] : i32 from vector<1xi32>
        %get3A_374 = arith.index_cast %squeeze3A_373 : i32 to index
        %get3A_375 = arith.constant 0 : index
        %get3A_376 = tpu.vector_load %arg18[%get3A_374, %get3A_375] {strides = array<i32>} : memref<64x32xf32, #tpu.memory_space<vmem>>, vector<1x16xf32>,
        %get3A_377 = vector.shape_cast %get3A_376 : vector<1x16xf32> to vector<16xf32>
        %swap3A_378 = arith.index_cast %add3A_371 : i32 to index
        %swap3A_379 = arith.constant 0 : index
        %swap3A_380 = tpu.vector_load %arg16[%swap3A_378, %swap3A_379] {strides = array<i32>} : memref<200x128xf32, #tpu.memory_space<vmem>>, vector<1x16xf32>,
        %swap3A_381 = vector.shape_cast %swap3A_380 : vector<1x16xf32> to vector<16xf32>
        %swap3A_382 = vector.shape_cast %get3A_377 : vector<16xf32> to vector<1x16xf32>
        tpu.vector_store %arg16[%swap3A_378, %swap3A_379], %swap3A_382 {strides = array<i32>} : memref<200x128xf32, #tpu.memory_space<vmem>>, vector<1x16xf32>,
        %get3A_383 = arith.index_cast %squeeze3A_373 : i32 to index
        %get3A_384 = arith.constant 16 : index
        %get3A_385 = tpu.vector_load %arg18[%get3A_383, %get3A_384] {strides = array<i32>} : memref<64x32xf32, #tpu.memory_space<vmem>>, vector<1x16xf32>,
        %get3A_386 = vector.shape_cast %get3A_385 : vector<1x16xf32> to vector<16xf32>
        %swap3A_387 = arith.index_cast %add3A_371 : i32 to index
        %swap3A_388 = arith.constant 16 : index
        %swap3A_389 = tpu.vector_load %arg16[%swap3A_387, %swap3A_388] {strides = array<i32>} : memref<200x128xf32, #tpu.memory_space<vmem>>, vector<1x16xf32>,
        %swap3A_390 = vector.shape_cast %swap3A_389 : vector<1x16xf32> to vector<16xf32>
        %swap3A_391 = vector.shape_cast %get3A_386 : vector<16xf32> to vector<1x16xf32>
        tpu.vector_store %arg16[%swap3A_387, %swap3A_388], %swap3A_391 {strides = array<i32>} : memref<200x128xf32, #tpu.memory_space<vmem>>, vector<1x16xf32>,
        %slice3A_392 = vector.extract_strided_slice %convert_element_type3A_193 {offsets = [6], sizes = [1], strides = [1]} : vector<16xf32> to vector<1xf32>
        %squeeze3A_393 = vector.extract %slice3A_392[0] : f32 from vector<1xf32>
        %broadcast_in_dim3A_394 = vector.broadcast %squeeze3A_393 : f32 to vector<16xf32>
        %swap3A_395 = arith.index_cast %add3A_371 : i32 to index
        %swap3A_396 = arith.constant 32 : index
        %swap3A_397 = tpu.vector_load %arg16[%swap3A_395, %swap3A_396] {strides = array<i32>} : memref<200x128xf32, #tpu.memory_space<vmem>>, vector<1x16xf32>,
        %swap3A_398 = vector.shape_cast %swap3A_397 : vector<1x16xf32> to vector<16xf32>
        %swap3A_399 = vector.shape_cast %broadcast_in_dim3A_394 : vector<16xf32> to vector<1x16xf32>
        tpu.vector_store %arg16[%swap3A_395, %swap3A_396], %swap3A_399 {strides = array<i32>} : memref<200x128xf32, #tpu.memory_space<vmem>>, vector<1x16xf32>,
        %add3A_400 = arith.constant 7 : i32
        %add3A_401 = arith.addi %min3A_187, %add3A_400 : i32
        %slice3A_402 = vector.extract_strided_slice %get3A_189 {offsets = [7], sizes = [1], strides = [1]} : vector<16xi32> to vector<1xi32>
        %squeeze3A_403 = vector.extract %slice3A_402[0] : i32 from vector<1xi32>
        %get3A_404 = arith.index_cast %squeeze3A_403 : i32 to index
        %get3A_405 = arith.constant 0 : index
        %get3A_406 = tpu.vector_load %arg18[%get3A_404, %get3A_405] {strides = array<i32>} : memref<64x32xf32, #tpu.memory_space<vmem>>, vector<1x16xf32>,
        %get3A_407 = vector.shape_cast %get3A_406 : vector<1x16xf32> to vector<16xf32>
        %swap3A_408 = arith.index_cast %add3A_401 : i32 to index
        %swap3A_409 = arith.constant 0 : index
        %swap3A_410 = tpu.vector_load %arg16[%swap3A_408, %swap3A_409] {strides = array<i32>} : memref<200x128xf32, #tpu.memory_space<vmem>>, vector<1x16xf32>,
        %swap3A_411 = vector.shape_cast %swap3A_410 : vector<1x16xf32> to vector<16xf32>
        %swap3A_412 = vector.shape_cast %get3A_407 : vector<16xf32> to vector<1x16xf32>
        tpu.vector_store %arg16[%swap3A_408, %swap3A_409], %swap3A_412 {strides = array<i32>} : memref<200x128xf32, #tpu.memory_space<vmem>>, vector<1x16xf32>,
        %get3A_413 = arith.index_cast %squeeze3A_403 : i32 to index
        %get3A_414 = arith.constant 16 : index
        %get3A_415 = tpu.vector_load %arg18[%get3A_413, %get3A_414] {strides = array<i32>} : memref<64x32xf32, #tpu.memory_space<vmem>>, vector<1x16xf32>,
        %get3A_416 = vector.shape_cast %get3A_415 : vector<1x16xf32> to vector<16xf32>
        %swap3A_417 = arith.index_cast %add3A_401 : i32 to index
        %swap3A_418 = arith.constant 16 : index
        %swap3A_419 = tpu.vector_load %arg16[%swap3A_417, %swap3A_418] {strides = array<i32>} : memref<200x128xf32, #tpu.memory_space<vmem>>, vector<1x16xf32>,
        %swap3A_420 = vector.shape_cast %swap3A_419 : vector<1x16xf32> to vector<16xf32>
        %swap3A_421 = vector.shape_cast %get3A_416 : vector<16xf32> to vector<1x16xf32>
        tpu.vector_store %arg16[%swap3A_417, %swap3A_418], %swap3A_421 {strides = array<i32>} : memref<200x128xf32, #tpu.memory_space<vmem>>, vector<1x16xf32>,
        %slice3A_422 = vector.extract_strided_slice %convert_element_type3A_193 {offsets = [7], sizes = [1], strides = [1]} : vector<16xf32> to vector<1xf32>
        %squeeze3A_423 = vector.extract %slice3A_422[0] : f32 from vector<1xf32>
        %broadcast_in_dim3A_424 = vector.broadcast %squeeze3A_423 : f32 to vector<16xf32>
        %swap3A_425 = arith.index_cast %add3A_401 : i32 to index
        %swap3A_426 = arith.constant 32 : index
        %swap3A_427 = tpu.vector_load %arg16[%swap3A_425, %swap3A_426] {strides = array<i32>} : memref<200x128xf32, #tpu.memory_space<vmem>>, vector<1x16xf32>,
        %swap3A_428 = vector.shape_cast %swap3A_427 : vector<1x16xf32> to vector<16xf32>
        %swap3A_429 = vector.shape_cast %broadcast_in_dim3A_424 : vector<16xf32> to vector<1x16xf32>
        tpu.vector_store %arg16[%swap3A_425, %swap3A_426], %swap3A_429 {strides = array<i32>} : memref<200x128xf32, #tpu.memory_space<vmem>>, vector<1x16xf32>,
        %add3A_430 = arith.constant 8 : i32
        %add3A_431 = arith.addi %min3A_187, %add3A_430 : i32
        %slice3A_432 = vector.extract_strided_slice %get3A_189 {offsets = [8], sizes = [1], strides = [1]} : vector<16xi32> to vector<1xi32>
        %squeeze3A_433 = vector.extract %slice3A_432[0] : i32 from vector<1xi32>
        %get3A_434 = arith.index_cast %squeeze3A_433 : i32 to index
        %get3A_435 = arith.constant 0 : index
        %get3A_436 = tpu.vector_load %arg18[%get3A_434, %get3A_435] {strides = array<i32>} : memref<64x32xf32, #tpu.memory_space<vmem>>, vector<1x16xf32>,
        %get3A_437 = vector.shape_cast %get3A_436 : vector<1x16xf32> to vector<16xf32>
        %swap3A_438 = arith.index_cast %add3A_431 : i32 to index
        %swap3A_439 = arith.constant 0 : index
        %swap3A_440 = tpu.vector_load %arg16[%swap3A_438, %swap3A_439] {strides = array<i32>} : memref<200x128xf32, #tpu.memory_space<vmem>>, vector<1x16xf32>,
        %swap3A_441 = vector.shape_cast %swap3A_440 : vector<1x16xf32> to vector<16xf32>
        %swap3A_442 = vector.shape_cast %get3A_437 : vector<16xf32> to vector<1x16xf32>
        tpu.vector_store %arg16[%swap3A_438, %swap3A_439], %swap3A_442 {strides = array<i32>} : memref<200x128xf32, #tpu.memory_space<vmem>>, vector<1x16xf32>,
        %get3A_443 = arith.index_cast %squeeze3A_433 : i32 to index
        %get3A_444 = arith.constant 16 : index
        %get3A_445 = tpu.vector_load %arg18[%get3A_443, %get3A_444] {strides = array<i32>} : memref<64x32xf32, #tpu.memory_space<vmem>>, vector<1x16xf32>,
        %get3A_446 = vector.shape_cast %get3A_445 : vector<1x16xf32> to vector<16xf32>
        %swap3A_447 = arith.index_cast %add3A_431 : i32 to index
        %swap3A_448 = arith.constant 16 : index
        %swap3A_449 = tpu.vector_load %arg16[%swap3A_447, %swap3A_448] {strides = array<i32>} : memref<200x128xf32, #tpu.memory_space<vmem>>, vector<1x16xf32>,
        %swap3A_450 = vector.shape_cast %swap3A_449 : vector<1x16xf32> to vector<16xf32>
        %swap3A_451 = vector.shape_cast %get3A_446 : vector<16xf32> to vector<1x16xf32>
        tpu.vector_store %arg16[%swap3A_447, %swap3A_448], %swap3A_451 {strides = array<i32>} : memref<200x128xf32, #tpu.memory_space<vmem>>, vector<1x16xf32>,
        %slice3A_452 = vector.extract_strided_slice %convert_element_type3A_193 {offsets = [8], sizes = [1], strides = [1]} : vector<16xf32> to vector<1xf32>
        %squeeze3A_453 = vector.extract %slice3A_452[0] : f32 from vector<1xf32>
        %broadcast_in_dim3A_454 = vector.broadcast %squeeze3A_453 : f32 to vector<16xf32>
        %swap3A_455 = arith.index_cast %add3A_431 : i32 to index
        %swap3A_456 = arith.constant 32 : index
        %swap3A_457 = tpu.vector_load %arg16[%swap3A_455, %swap3A_456] {strides = array<i32>} : memref<200x128xf32, #tpu.memory_space<vmem>>, vector<1x16xf32>,
        %swap3A_458 = vector.shape_cast %swap3A_457 : vector<1x16xf32> to vector<16xf32>
        %swap3A_459 = vector.shape_cast %broadcast_in_dim3A_454 : vector<16xf32> to vector<1x16xf32>
        tpu.vector_store %arg16[%swap3A_455, %swap3A_456], %swap3A_459 {strides = array<i32>} : memref<200x128xf32, #tpu.memory_space<vmem>>, vector<1x16xf32>,
        %add3A_460 = arith.constant 9 : i32
        %add3A_461 = arith.addi %min3A_187, %add3A_460 : i32
        %slice3A_462 = vector.extract_strided_slice %get3A_189 {offsets = [9], sizes = [1], strides = [1]} : vector<16xi32> to vector<1xi32>
        %squeeze3A_463 = vector.extract %slice3A_462[0] : i32 from vector<1xi32>
        %get3A_464 = arith.index_cast %squeeze3A_463 : i32 to index
        %get3A_465 = arith.constant 0 : index
        %get3A_466 = tpu.vector_load %arg18[%get3A_464, %get3A_465] {strides = array<i32>} : memref<64x32xf32, #tpu.memory_space<vmem>>, vector<1x16xf32>,
        %get3A_467 = vector.shape_cast %get3A_466 : vector<1x16xf32> to vector<16xf32>
        %swap3A_468 = arith.index_cast %add3A_461 : i32 to index
        %swap3A_469 = arith.constant 0 : index
        %swap3A_470 = tpu.vector_load %arg16[%swap3A_468, %swap3A_469] {strides = array<i32>} : memref<200x128xf32, #tpu.memory_space<vmem>>, vector<1x16xf32>,
        %swap3A_471 = vector.shape_cast %swap3A_470 : vector<1x16xf32> to vector<16xf32>
        %swap3A_472 = vector.shape_cast %get3A_467 : vector<16xf32> to vector<1x16xf32>
        tpu.vector_store %arg16[%swap3A_468, %swap3A_469], %swap3A_472 {strides = array<i32>} : memref<200x128xf32, #tpu.memory_space<vmem>>, vector<1x16xf32>,
        %get3A_473 = arith.index_cast %squeeze3A_463 : i32 to index
        %get3A_474 = arith.constant 16 : index
        %get3A_475 = tpu.vector_load %arg18[%get3A_473, %get3A_474] {strides = array<i32>} : memref<64x32xf32, #tpu.memory_space<vmem>>, vector<1x16xf32>,
        %get3A_476 = vector.shape_cast %get3A_475 : vector<1x16xf32> to vector<16xf32>
        %swap3A_477 = arith.index_cast %add3A_461 : i32 to index
        %swap3A_478 = arith.constant 16 : index
        %swap3A_479 = tpu.vector_load %arg16[%swap3A_477, %swap3A_478] {strides = array<i32>} : memref<200x128xf32, #tpu.memory_space<vmem>>, vector<1x16xf32>,
        %swap3A_480 = vector.shape_cast %swap3A_479 : vector<1x16xf32> to vector<16xf32>
        %swap3A_481 = vector.shape_cast %get3A_476 : vector<16xf32> to vector<1x16xf32>
        tpu.vector_store %arg16[%swap3A_477, %swap3A_478], %swap3A_481 {strides = array<i32>} : memref<200x128xf32, #tpu.memory_space<vmem>>, vector<1x16xf32>,
        %slice3A_482 = vector.extract_strided_slice %convert_element_type3A_193 {offsets = [9], sizes = [1], strides = [1]} : vector<16xf32> to vector<1xf32>
        %squeeze3A_483 = vector.extract %slice3A_482[0] : f32 from vector<1xf32>
        %broadcast_in_dim3A_484 = vector.broadcast %squeeze3A_483 : f32 to vector<16xf32>
        %swap3A_485 = arith.index_cast %add3A_461 : i32 to index
        %swap3A_486 = arith.constant 32 : index
        %swap3A_487 = tpu.vector_load %arg16[%swap3A_485, %swap3A_486] {strides = array<i32>} : memref<200x128xf32, #tpu.memory_space<vmem>>, vector<1x16xf32>,
        %swap3A_488 = vector.shape_cast %swap3A_487 : vector<1x16xf32> to vector<16xf32>
        %swap3A_489 = vector.shape_cast %broadcast_in_dim3A_484 : vector<16xf32> to vector<1x16xf32>
        tpu.vector_store %arg16[%swap3A_485, %swap3A_486], %swap3A_489 {strides = array<i32>} : memref<200x128xf32, #tpu.memory_space<vmem>>, vector<1x16xf32>,
        %add3A_490 = arith.constant 10 : i32
        %add3A_491 = arith.addi %min3A_187, %add3A_490 : i32
        %slice3A_492 = vector.extract_strided_slice %get3A_189 {offsets = [10], sizes = [1], strides = [1]} : vector<16xi32> to vector<1xi32>
        %squeeze3A_493 = vector.extract %slice3A_492[0] : i32 from vector<1xi32>
        %get3A_494 = arith.index_cast %squeeze3A_493 : i32 to index
        %get3A_495 = arith.constant 0 : index
        %get3A_496 = tpu.vector_load %arg18[%get3A_494, %get3A_495] {strides = array<i32>} : memref<64x32xf32, #tpu.memory_space<vmem>>, vector<1x16xf32>,
        %get3A_497 = vector.shape_cast %get3A_496 : vector<1x16xf32> to vector<16xf32>
        %swap3A_498 = arith.index_cast %add3A_491 : i32 to index
        %swap3A_499 = arith.constant 0 : index
        %swap3A_500 = tpu.vector_load %arg16[%swap3A_498, %swap3A_499] {strides = array<i32>} : memref<200x128xf32, #tpu.memory_space<vmem>>, vector<1x16xf32>,
        %swap3A_501 = vector.shape_cast %swap3A_500 : vector<1x16xf32> to vector<16xf32>
        %swap3A_502 = vector.shape_cast %get3A_497 : vector<16xf32> to vector<1x16xf32>
        tpu.vector_store %arg16[%swap3A_498, %swap3A_499], %swap3A_502 {strides = array<i32>} : memref<200x128xf32, #tpu.memory_space<vmem>>, vector<1x16xf32>,
        %get3A_503 = arith.index_cast %squeeze3A_493 : i32 to index
        %get3A_504 = arith.constant 16 : index
        %get3A_505 = tpu.vector_load %arg18[%get3A_503, %get3A_504] {strides = array<i32>} : memref<64x32xf32, #tpu.memory_space<vmem>>, vector<1x16xf32>,
        %get3A_506 = vector.shape_cast %get3A_505 : vector<1x16xf32> to vector<16xf32>
        %swap3A_507 = arith.index_cast %add3A_491 : i32 to index
        %swap3A_508 = arith.constant 16 : index
        %swap3A_509 = tpu.vector_load %arg16[%swap3A_507, %swap3A_508] {strides = array<i32>} : memref<200x128xf32, #tpu.memory_space<vmem>>, vector<1x16xf32>,
        %swap3A_510 = vector.shape_cast %swap3A_509 : vector<1x16xf32> to vector<16xf32>
        %swap3A_511 = vector.shape_cast %get3A_506 : vector<16xf32> to vector<1x16xf32>
        tpu.vector_store %arg16[%swap3A_507, %swap3A_508], %swap3A_511 {strides = array<i32>} : memref<200x128xf32, #tpu.memory_space<vmem>>, vector<1x16xf32>,
        %slice3A_512 = vector.extract_strided_slice %convert_element_type3A_193 {offsets = [10], sizes = [1], strides = [1]} : vector<16xf32> to vector<1xf32>
        %squeeze3A_513 = vector.extract %slice3A_512[0] : f32 from vector<1xf32>
        %broadcast_in_dim3A_514 = vector.broadcast %squeeze3A_513 : f32 to vector<16xf32>
        %swap3A_515 = arith.index_cast %add3A_491 : i32 to index
        %swap3A_516 = arith.constant 32 : index
        %swap3A_517 = tpu.vector_load %arg16[%swap3A_515, %swap3A_516] {strides = array<i32>} : memref<200x128xf32, #tpu.memory_space<vmem>>, vector<1x16xf32>,
        %swap3A_518 = vector.shape_cast %swap3A_517 : vector<1x16xf32> to vector<16xf32>
        %swap3A_519 = vector.shape_cast %broadcast_in_dim3A_514 : vector<16xf32> to vector<1x16xf32>
        tpu.vector_store %arg16[%swap3A_515, %swap3A_516], %swap3A_519 {strides = array<i32>} : memref<200x128xf32, #tpu.memory_space<vmem>>, vector<1x16xf32>,
        %add3A_520 = arith.constant 11 : i32
        %add3A_521 = arith.addi %min3A_187, %add3A_520 : i32
        %slice3A_522 = vector.extract_strided_slice %get3A_189 {offsets = [11], sizes = [1], strides = [1]} : vector<16xi32> to vector<1xi32>
        %squeeze3A_523 = vector.extract %slice3A_522[0] : i32 from vector<1xi32>
        %get3A_524 = arith.index_cast %squeeze3A_523 : i32 to index
        %get3A_525 = arith.constant 0 : index
        %get3A_526 = tpu.vector_load %arg18[%get3A_524, %get3A_525] {strides = array<i32>} : memref<64x32xf32, #tpu.memory_space<vmem>>, vector<1x16xf32>,
        %get3A_527 = vector.shape_cast %get3A_526 : vector<1x16xf32> to vector<16xf32>
        %swap3A_528 = arith.index_cast %add3A_521 : i32 to index
        %swap3A_529 = arith.constant 0 : index
        %swap3A_530 = tpu.vector_load %arg16[%swap3A_528, %swap3A_529] {strides = array<i32>} : memref<200x128xf32, #tpu.memory_space<vmem>>, vector<1x16xf32>,
        %swap3A_531 = vector.shape_cast %swap3A_530 : vector<1x16xf32> to vector<16xf32>
        %swap3A_532 = vector.shape_cast %get3A_527 : vector<16xf32> to vector<1x16xf32>
        tpu.vector_store %arg16[%swap3A_528, %swap3A_529], %swap3A_532 {strides = array<i32>} : memref<200x128xf32, #tpu.memory_space<vmem>>, vector<1x16xf32>,
        %get3A_533 = arith.index_cast %squeeze3A_523 : i32 to index
        %get3A_534 = arith.constant 16 : index
        %get3A_535 = tpu.vector_load %arg18[%get3A_533, %get3A_534] {strides = array<i32>} : memref<64x32xf32, #tpu.memory_space<vmem>>, vector<1x16xf32>,
        %get3A_536 = vector.shape_cast %get3A_535 : vector<1x16xf32> to vector<16xf32>
        %swap3A_537 = arith.index_cast %add3A_521 : i32 to index
        %swap3A_538 = arith.constant 16 : index
        %swap3A_539 = tpu.vector_load %arg16[%swap3A_537, %swap3A_538] {strides = array<i32>} : memref<200x128xf32, #tpu.memory_space<vmem>>, vector<1x16xf32>,
        %swap3A_540 = vector.shape_cast %swap3A_539 : vector<1x16xf32> to vector<16xf32>
        %swap3A_541 = vector.shape_cast %get3A_536 : vector<16xf32> to vector<1x16xf32>
        tpu.vector_store %arg16[%swap3A_537, %swap3A_538], %swap3A_541 {strides = array<i32>} : memref<200x128xf32, #tpu.memory_space<vmem>>, vector<1x16xf32>,
        %slice3A_542 = vector.extract_strided_slice %convert_element_type3A_193 {offsets = [11], sizes = [1], strides = [1]} : vector<16xf32> to vector<1xf32>
        %squeeze3A_543 = vector.extract %slice3A_542[0] : f32 from vector<1xf32>
        %broadcast_in_dim3A_544 = vector.broadcast %squeeze3A_543 : f32 to vector<16xf32>
        %swap3A_545 = arith.index_cast %add3A_521 : i32 to index
        %swap3A_546 = arith.constant 32 : index
        %swap3A_547 = tpu.vector_load %arg16[%swap3A_545, %swap3A_546] {strides = array<i32>} : memref<200x128xf32, #tpu.memory_space<vmem>>, vector<1x16xf32>,
        %swap3A_548 = vector.shape_cast %swap3A_547 : vector<1x16xf32> to vector<16xf32>
        %swap3A_549 = vector.shape_cast %broadcast_in_dim3A_544 : vector<16xf32> to vector<1x16xf32>
        tpu.vector_store %arg16[%swap3A_545, %swap3A_546], %swap3A_549 {strides = array<i32>} : memref<200x128xf32, #tpu.memory_space<vmem>>, vector<1x16xf32>,
        %add3A_550 = arith.constant 12 : i32
        %add3A_551 = arith.addi %min3A_187, %add3A_550 : i32
        %slice3A_552 = vector.extract_strided_slice %get3A_189 {offsets = [12], sizes = [1], strides = [1]} : vector<16xi32> to vector<1xi32>
        %squeeze3A_553 = vector.extract %slice3A_552[0] : i32 from vector<1xi32>
        %get3A_554 = arith.index_cast %squeeze3A_553 : i32 to index
        %get3A_555 = arith.constant 0 : index
        %get3A_556 = tpu.vector_load %arg18[%get3A_554, %get3A_555] {strides = array<i32>} : memref<64x32xf32, #tpu.memory_space<vmem>>, vector<1x16xf32>,
        %get3A_557 = vector.shape_cast %get3A_556 : vector<1x16xf32> to vector<16xf32>
        %swap3A_558 = arith.index_cast %add3A_551 : i32 to index
        %swap3A_559 = arith.constant 0 : index
        %swap3A_560 = tpu.vector_load %arg16[%swap3A_558, %swap3A_559] {strides = array<i32>} : memref<200x128xf32, #tpu.memory_space<vmem>>, vector<1x16xf32>,
        %swap3A_561 = vector.shape_cast %swap3A_560 : vector<1x16xf32> to vector<16xf32>
        %swap3A_562 = vector.shape_cast %get3A_557 : vector<16xf32> to vector<1x16xf32>
        tpu.vector_store %arg16[%swap3A_558, %swap3A_559], %swap3A_562 {strides = array<i32>} : memref<200x128xf32, #tpu.memory_space<vmem>>, vector<1x16xf32>,
        %get3A_563 = arith.index_cast %squeeze3A_553 : i32 to index
        %get3A_564 = arith.constant 16 : index
        %get3A_565 = tpu.vector_load %arg18[%get3A_563, %get3A_564] {strides = array<i32>} : memref<64x32xf32, #tpu.memory_space<vmem>>, vector<1x16xf32>,
        %get3A_566 = vector.shape_cast %get3A_565 : vector<1x16xf32> to vector<16xf32>
        %swap3A_567 = arith.index_cast %add3A_551 : i32 to index
        %swap3A_568 = arith.constant 16 : index
        %swap3A_569 = tpu.vector_load %arg16[%swap3A_567, %swap3A_568] {strides = array<i32>} : memref<200x128xf32, #tpu.memory_space<vmem>>, vector<1x16xf32>,
        %swap3A_570 = vector.shape_cast %swap3A_569 : vector<1x16xf32> to vector<16xf32>
        %swap3A_571 = vector.shape_cast %get3A_566 : vector<16xf32> to vector<1x16xf32>
        tpu.vector_store %arg16[%swap3A_567, %swap3A_568], %swap3A_571 {strides = array<i32>} : memref<200x128xf32, #tpu.memory_space<vmem>>, vector<1x16xf32>,
        %slice3A_572 = vector.extract_strided_slice %convert_element_type3A_193 {offsets = [12], sizes = [1], strides = [1]} : vector<16xf32> to vector<1xf32>
        %squeeze3A_573 = vector.extract %slice3A_572[0] : f32 from vector<1xf32>
        %broadcast_in_dim3A_574 = vector.broadcast %squeeze3A_573 : f32 to vector<16xf32>
        %swap3A_575 = arith.index_cast %add3A_551 : i32 to index
        %swap3A_576 = arith.constant 32 : index
        %swap3A_577 = tpu.vector_load %arg16[%swap3A_575, %swap3A_576] {strides = array<i32>} : memref<200x128xf32, #tpu.memory_space<vmem>>, vector<1x16xf32>,
        %swap3A_578 = vector.shape_cast %swap3A_577 : vector<1x16xf32> to vector<16xf32>
        %swap3A_579 = vector.shape_cast %broadcast_in_dim3A_574 : vector<16xf32> to vector<1x16xf32>
        tpu.vector_store %arg16[%swap3A_575, %swap3A_576], %swap3A_579 {strides = array<i32>} : memref<200x128xf32, #tpu.memory_space<vmem>>, vector<1x16xf32>,
        %add3A_580 = arith.constant 13 : i32
        %add3A_581 = arith.addi %min3A_187, %add3A_580 : i32
        %slice3A_582 = vector.extract_strided_slice %get3A_189 {offsets = [13], sizes = [1], strides = [1]} : vector<16xi32> to vector<1xi32>
        %squeeze3A_583 = vector.extract %slice3A_582[0] : i32 from vector<1xi32>
        %get3A_584 = arith.index_cast %squeeze3A_583 : i32 to index
        %get3A_585 = arith.constant 0 : index
        %get3A_586 = tpu.vector_load %arg18[%get3A_584, %get3A_585] {strides = array<i32>} : memref<64x32xf32, #tpu.memory_space<vmem>>, vector<1x16xf32>,
        %get3A_587 = vector.shape_cast %get3A_586 : vector<1x16xf32> to vector<16xf32>
        %swap3A_588 = arith.index_cast %add3A_581 : i32 to index
        %swap3A_589 = arith.constant 0 : index
        %swap3A_590 = tpu.vector_load %arg16[%swap3A_588, %swap3A_589] {strides = array<i32>} : memref<200x128xf32, #tpu.memory_space<vmem>>, vector<1x16xf32>,
        %swap3A_591 = vector.shape_cast %swap3A_590 : vector<1x16xf32> to vector<16xf32>
        %swap3A_592 = vector.shape_cast %get3A_587 : vector<16xf32> to vector<1x16xf32>
        tpu.vector_store %arg16[%swap3A_588, %swap3A_589], %swap3A_592 {strides = array<i32>} : memref<200x128xf32, #tpu.memory_space<vmem>>, vector<1x16xf32>,
        %get3A_593 = arith.index_cast %squeeze3A_583 : i32 to index
        %get3A_594 = arith.constant 16 : index
        %get3A_595 = tpu.vector_load %arg18[%get3A_593, %get3A_594] {strides = array<i32>} : memref<64x32xf32, #tpu.memory_space<vmem>>, vector<1x16xf32>,
        %get3A_596 = vector.shape_cast %get3A_595 : vector<1x16xf32> to vector<16xf32>
        %swap3A_597 = arith.index_cast %add3A_581 : i32 to index
        %swap3A_598 = arith.constant 16 : index
        %swap3A_599 = tpu.vector_load %arg16[%swap3A_597, %swap3A_598] {strides = array<i32>} : memref<200x128xf32, #tpu.memory_space<vmem>>, vector<1x16xf32>,
        %swap3A_600 = vector.shape_cast %swap3A_599 : vector<1x16xf32> to vector<16xf32>
        %swap3A_601 = vector.shape_cast %get3A_596 : vector<16xf32> to vector<1x16xf32>
        tpu.vector_store %arg16[%swap3A_597, %swap3A_598], %swap3A_601 {strides = array<i32>} : memref<200x128xf32, #tpu.memory_space<vmem>>, vector<1x16xf32>,
        %slice3A_602 = vector.extract_strided_slice %convert_element_type3A_193 {offsets = [13], sizes = [1], strides = [1]} : vector<16xf32> to vector<1xf32>
        %squeeze3A_603 = vector.extract %slice3A_602[0] : f32 from vector<1xf32>
        %broadcast_in_dim3A_604 = vector.broadcast %squeeze3A_603 : f32 to vector<16xf32>
        %swap3A_605 = arith.index_cast %add3A_581 : i32 to index
        %swap3A_606 = arith.constant 32 : index
        %swap3A_607 = tpu.vector_load %arg16[%swap3A_605, %swap3A_606] {strides = array<i32>} : memref<200x128xf32, #tpu.memory_space<vmem>>, vector<1x16xf32>,
        %swap3A_608 = vector.shape_cast %swap3A_607 : vector<1x16xf32> to vector<16xf32>
        %swap3A_609 = vector.shape_cast %broadcast_in_dim3A_604 : vector<16xf32> to vector<1x16xf32>
        tpu.vector_store %arg16[%swap3A_605, %swap3A_606], %swap3A_609 {strides = array<i32>} : memref<200x128xf32, #tpu.memory_space<vmem>>, vector<1x16xf32>,
        %add3A_610 = arith.constant 14 : i32
        %add3A_611 = arith.addi %min3A_187, %add3A_610 : i32
        %slice3A_612 = vector.extract_strided_slice %get3A_189 {offsets = [14], sizes = [1], strides = [1]} : vector<16xi32> to vector<1xi32>
        %squeeze3A_613 = vector.extract %slice3A_612[0] : i32 from vector<1xi32>
        %get3A_614 = arith.index_cast %squeeze3A_613 : i32 to index
        %get3A_615 = arith.constant 0 : index
        %get3A_616 = tpu.vector_load %arg18[%get3A_614, %get3A_615] {strides = array<i32>} : memref<64x32xf32, #tpu.memory_space<vmem>>, vector<1x16xf32>,
        %get3A_617 = vector.shape_cast %get3A_616 : vector<1x16xf32> to vector<16xf32>
        %swap3A_618 = arith.index_cast %add3A_611 : i32 to index
        %swap3A_619 = arith.constant 0 : index
        %swap3A_620 = tpu.vector_load %arg16[%swap3A_618, %swap3A_619] {strides = array<i32>} : memref<200x128xf32, #tpu.memory_space<vmem>>, vector<1x16xf32>,
        %swap3A_621 = vector.shape_cast %swap3A_620 : vector<1x16xf32> to vector<16xf32>
        %swap3A_622 = vector.shape_cast %get3A_617 : vector<16xf32> to vector<1x16xf32>
        tpu.vector_store %arg16[%swap3A_618, %swap3A_619], %swap3A_622 {strides = array<i32>} : memref<200x128xf32, #tpu.memory_space<vmem>>, vector<1x16xf32>,
        %get3A_623 = arith.index_cast %squeeze3A_613 : i32 to index
        %get3A_624 = arith.constant 16 : index
        %get3A_625 = tpu.vector_load %arg18[%get3A_623, %get3A_624] {strides = array<i32>} : memref<64x32xf32, #tpu.memory_space<vmem>>, vector<1x16xf32>,
        %get3A_626 = vector.shape_cast %get3A_625 : vector<1x16xf32> to vector<16xf32>
        %swap3A_627 = arith.index_cast %add3A_611 : i32 to index
        %swap3A_628 = arith.constant 16 : index
        %swap3A_629 = tpu.vector_load %arg16[%swap3A_627, %swap3A_628] {strides = array<i32>} : memref<200x128xf32, #tpu.memory_space<vmem>>, vector<1x16xf32>,
        %swap3A_630 = vector.shape_cast %swap3A_629 : vector<1x16xf32> to vector<16xf32>
        %swap3A_631 = vector.shape_cast %get3A_626 : vector<16xf32> to vector<1x16xf32>
        tpu.vector_store %arg16[%swap3A_627, %swap3A_628], %swap3A_631 {strides = array<i32>} : memref<200x128xf32, #tpu.memory_space<vmem>>, vector<1x16xf32>,
        %slice3A_632 = vector.extract_strided_slice %convert_element_type3A_193 {offsets = [14], sizes = [1], strides = [1]} : vector<16xf32> to vector<1xf32>
        %squeeze3A_633 = vector.extract %slice3A_632[0] : f32 from vector<1xf32>
        %broadcast_in_dim3A_634 = vector.broadcast %squeeze3A_633 : f32 to vector<16xf32>
        %swap3A_635 = arith.index_cast %add3A_611 : i32 to index
        %swap3A_636 = arith.constant 32 : index
        %swap3A_637 = tpu.vector_load %arg16[%swap3A_635, %swap3A_636] {strides = array<i32>} : memref<200x128xf32, #tpu.memory_space<vmem>>, vector<1x16xf32>,
        %swap3A_638 = vector.shape_cast %swap3A_637 : vector<1x16xf32> to vector<16xf32>
        %swap3A_639 = vector.shape_cast %broadcast_in_dim3A_634 : vector<16xf32> to vector<1x16xf32>
        tpu.vector_store %arg16[%swap3A_635, %swap3A_636], %swap3A_639 {strides = array<i32>} : memref<200x128xf32, #tpu.memory_space<vmem>>, vector<1x16xf32>,
        %add3A_640 = arith.constant 15 : i32
        %add3A_641 = arith.addi %min3A_187, %add3A_640 : i32
        %slice3A_642 = vector.extract_strided_slice %get3A_189 {offsets = [15], sizes = [1], strides = [1]} : vector<16xi32> to vector<1xi32>
        %squeeze3A_643 = vector.extract %slice3A_642[0] : i32 from vector<1xi32>
        %get3A_644 = arith.index_cast %squeeze3A_643 : i32 to index
        %get3A_645 = arith.constant 0 : index
        %get3A_646 = tpu.vector_load %arg18[%get3A_644, %get3A_645] {strides = array<i32>} : memref<64x32xf32, #tpu.memory_space<vmem>>, vector<1x16xf32>,
        %get3A_647 = vector.shape_cast %get3A_646 : vector<1x16xf32> to vector<16xf32>
        %swap3A_648 = arith.index_cast %add3A_641 : i32 to index
        %swap3A_649 = arith.constant 0 : index
        %swap3A_650 = tpu.vector_load %arg16[%swap3A_648, %swap3A_649] {strides = array<i32>} : memref<200x128xf32, #tpu.memory_space<vmem>>, vector<1x16xf32>,
        %swap3A_651 = vector.shape_cast %swap3A_650 : vector<1x16xf32> to vector<16xf32>
        %swap3A_652 = vector.shape_cast %get3A_647 : vector<16xf32> to vector<1x16xf32>
        tpu.vector_store %arg16[%swap3A_648, %swap3A_649], %swap3A_652 {strides = array<i32>} : memref<200x128xf32, #tpu.memory_space<vmem>>, vector<1x16xf32>,
        %get3A_653 = arith.index_cast %squeeze3A_643 : i32 to index
        %get3A_654 = arith.constant 16 : index
        %get3A_655 = tpu.vector_load %arg18[%get3A_653, %get3A_654] {strides = array<i32>} : memref<64x32xf32, #tpu.memory_space<vmem>>, vector<1x16xf32>,
        %get3A_656 = vector.shape_cast %get3A_655 : vector<1x16xf32> to vector<16xf32>
        %swap3A_657 = arith.index_cast %add3A_641 : i32 to index
        %swap3A_658 = arith.constant 16 : index
        %swap3A_659 = tpu.vector_load %arg16[%swap3A_657, %swap3A_658] {strides = array<i32>} : memref<200x128xf32, #tpu.memory_space<vmem>>, vector<1x16xf32>,
        %swap3A_660 = vector.shape_cast %swap3A_659 : vector<1x16xf32> to vector<16xf32>
        %swap3A_661 = vector.shape_cast %get3A_656 : vector<16xf32> to vector<1x16xf32>
        tpu.vector_store %arg16[%swap3A_657, %swap3A_658], %swap3A_661 {strides = array<i32>} : memref<200x128xf32, #tpu.memory_space<vmem>>, vector<1x16xf32>,
        %slice3A_662 = vector.extract_strided_slice %convert_element_type3A_193 {offsets = [15], sizes = [1], strides = [1]} : vector<16xf32> to vector<1xf32>
        %squeeze3A_663 = vector.extract %slice3A_662[0] : f32 from vector<1xf32>
        %broadcast_in_dim3A_664 = vector.broadcast %squeeze3A_663 : f32 to vector<16xf32>
        %swap3A_665 = arith.index_cast %add3A_641 : i32 to index
        %swap3A_666 = arith.constant 32 : index
        %swap3A_667 = tpu.vector_load %arg16[%swap3A_665, %swap3A_666] {strides = array<i32>} : memref<200x128xf32, #tpu.memory_space<vmem>>, vector<1x16xf32>,
        %swap3A_668 = vector.shape_cast %swap3A_667 : vector<1x16xf32> to vector<16xf32>
        %swap3A_669 = vector.shape_cast %broadcast_in_dim3A_664 : vector<16xf32> to vector<1x16xf32>
        tpu.vector_store %arg16[%swap3A_665, %swap3A_666], %swap3A_669 {strides = array<i32>} : memref<200x128xf32, #tpu.memory_space<vmem>>, vector<1x16xf32>,
      }
      %scan3A_133 = arith.constant 13 : i32
      %ge3A_134 = arith.constant 1 : i32
      %ge3A_135 = arith.cmpi sge, %add3A_98, %ge3A_134 : i32
      %convert_element_type3A_136 = arith.extui %ge3A_135 : i1 to i32
      %cond3A_137 = arith.constant 0 : i32
      %cond3A_138 = arith.cmpi ne, %convert_element_type3A_136, %cond3A_137 : i32
      scf.if %cond3A_138 {
        %dma_wait3A_184 = arith.constant 0 : i32
        %dma_wait3A_185 = arith.constant 0 : i32
        %dma_wait3A_186 = tpu.memref_slice %arg15[%dma_wait3A_184, %dma_wait3A_185] : memref<200x128xf32, #tpu.memory_space<vmem>> -> memref<104x128xf32, #tpu.memory_space<vmem>>
        %dma_wait3A_187 = arith.constant 0 : i32
        %dma_wait3A_188 = tpu.memref_slice %arg9[%dma_wait3A_187] : memref<200xi32, #tpu.memory_space<vmem>> -> memref<104xi32, #tpu.memory_space<vmem>>
        %dma_wait3A_189 = arith.constant 0 : i32
        %dma_wait3A_190 = arith.constant 0 : i32
        %dma_wait3A_191 = tpu.memref_slice %arg5[%dma_wait3A_189, %dma_wait3A_190] : memref<100000x128xf32, #tpu.memory_space<hbm>> -> memref<100000x128xf32, #tpu.memory_space<hbm>>
        tpu.wait_indirect_dma semaphore(%arg22 : memref<!tpu.dma_semaphore, #tpu.memory_space<semaphore_mem>>) src(%dma_wait3A_191 : memref<100000x128xf32, #tpu.memory_space<hbm>>) dst(%dma_wait3A_186 : memref<104x128xf32, #tpu.memory_space<vmem>>)
        %dma_wait3A_192 = arith.constant 104 : i32
        %dma_wait3A_193 = arith.constant 0 : i32
        %dma_wait3A_194 = tpu.memref_slice %arg15[%dma_wait3A_192, %dma_wait3A_193] : memref<200x128xf32, #tpu.memory_space<vmem>> -> memref<96x128xf32, #tpu.memory_space<vmem>>
        %dma_wait3A_195 = arith.constant 104 : i32
        %dma_wait3A_196 = tpu.memref_slice %arg9[%dma_wait3A_195] : memref<200xi32, #tpu.memory_space<vmem>> -> memref<96xi32, #tpu.memory_space<vmem>>
        %dma_wait3A_197 = arith.constant 0 : i32
        %dma_wait3A_198 = arith.constant 0 : i32
        %dma_wait3A_199 = tpu.memref_slice %arg5[%dma_wait3A_197, %dma_wait3A_198] : memref<100000x128xf32, #tpu.memory_space<hbm>> -> memref<100000x128xf32, #tpu.memory_space<hbm>>
        tpu.wait_indirect_dma semaphore(%arg22 : memref<!tpu.dma_semaphore, #tpu.memory_space<semaphore_mem>>) src(%dma_wait3A_199 : memref<100000x128xf32, #tpu.memory_space<hbm>>) dst(%dma_wait3A_194 : memref<96x128xf32, #tpu.memory_space<vmem>>)
        %sub3A = arith.constant 1 : i32
        %sub3A_200 = arith.subi %add3A_98, %sub3A : i32
        %mul3A_201 = arith.constant 32 : i32
        %mul3A_202 = arith.muli %sub3A_200, %mul3A_201 : i32
        %add3A_203 = arith.addi %mul3A_202, %add3A : i32
        %dma_start3A_204 = arith.constant 0 : i32
        %dma_start3A_205 = arith.constant 0 : i32
        %dma_start3A_206 = tpu.memref_slice %arg7[%add3A_203, %dma_start3A_204, %dma_start3A_205] : memref<4096x200x256xf32, #tpu.memory_space<hbm>> -> memref<1x200x128xf32, #tpu.memory_space<hbm>>
        %dma_start3A_207 = tpu.memref_squeeze %dma_start3A_206 : memref<1x200x128xf32, #tpu.memory_space<hbm>> -> memref<200x128xf32, #tpu.memory_space<hbm>>
        %dma_start3A_208 = arith.constant 0 : i32
        %dma_start3A_209 = arith.constant 0 : i32
        %dma_start3A_210 = tpu.memref_slice %arg7[%add3A_203, %dma_start3A_208, %dma_start3A_209] : memref<4096x200x256xf32, #tpu.memory_space<hbm>> -> memref<1x200x128xf32, #tpu.memory_space<hbm>>
        %dma_start3A_211 = tpu.memref_squeeze %dma_start3A_210 : memref<1x200x128xf32, #tpu.memory_space<hbm>> -> memref<200x128xf32, #tpu.memory_space<hbm>>
        tpu.enqueue_dma source(%arg15 : memref<200x128xf32, #tpu.memory_space<vmem>>) target(%dma_start3A_211 : memref<200x128xf32, #tpu.memory_space<hbm>>) target_semaphore(%arg24 : memref<!tpu.dma_semaphore, #tpu.memory_space<semaphore_mem>>)
        %dma_start3A_212 = arith.constant 0 : i32
        %dma_start3A_213 = arith.constant 128 : i32
        %dma_start3A_214 = tpu.memref_slice %arg7[%add3A_203, %dma_start3A_212, %dma_start3A_213] : memref<4096x200x256xf32, #tpu.memory_space<hbm>> -> memref<1x200x128xf32, #tpu.memory_space<hbm>>
        %dma_start3A_215 = tpu.memref_squeeze %dma_start3A_214 : memref<1x200x128xf32, #tpu.memory_space<hbm>> -> memref<200x128xf32, #tpu.memory_space<hbm>>
        %dma_start3A_216 = arith.constant 0 : i32
        %dma_start3A_217 = arith.constant 128 : i32
        %dma_start3A_218 = tpu.memref_slice %arg7[%add3A_203, %dma_start3A_216, %dma_start3A_217] : memref<4096x200x256xf32, #tpu.memory_space<hbm>> -> memref<1x200x128xf32, #tpu.memory_space<hbm>>
        %dma_start3A_219 = tpu.memref_squeeze %dma_start3A_218 : memref<1x200x128xf32, #tpu.memory_space<hbm>> -> memref<200x128xf32, #tpu.memory_space<hbm>>
        tpu.enqueue_dma source(%arg17 : memref<200x128xf32, #tpu.memory_space<vmem>>) target(%dma_start3A_219 : memref<200x128xf32, #tpu.memory_space<hbm>>) target_semaphore(%arg24 : memref<!tpu.dma_semaphore, #tpu.memory_space<semaphore_mem>>)
        %add3A_220 = arith.constant 1 : i32
        %add3A_221 = arith.addi %add3A_98, %add3A_220 : i32
        %lt3A = arith.constant 128 : i32
        %lt3A_222 = arith.cmpi slt, %add3A_221, %lt3A : i32
        %convert_element_type3A_223 = arith.extui %lt3A_222 : i1 to i32
        %cond3A_224 = arith.constant 0 : i32
        %cond3A_225 = arith.cmpi ne, %convert_element_type3A_223, %cond3A_224 : i32
        scf.if %cond3A_225 {
          %add3A_226 = arith.constant 1 : i32
          %add3A_227 = arith.addi %add3A_98, %add3A_226 : i32
          %mul3A_228 = arith.constant 32 : i32
          %mul3A_229 = arith.muli %add3A_227, %mul3A_228 : i32
          %add3A_230 = arith.addi %mul3A_229, %add3A : i32
          %mul3A_231 = arith.constant 200 : i32
          %mul3A_232 = arith.muli %add3A_230, %mul3A_231 : i32
          %dma_start3A_233 = tpu.memref_slice %arg2[%mul3A_232] : memref<819200xi32, #tpu.memory_space<hbm>> -> memref<200xi32, #tpu.memory_space<hbm>>
          %dma_start3A_234 = tpu.memref_slice %arg2[%mul3A_232] : memref<819200xi32, #tpu.memory_space<hbm>> -> memref<200xi32, #tpu.memory_space<hbm>>
          tpu.enqueue_dma source(%dma_start3A_234 : memref<200xi32, #tpu.memory_space<hbm>>) target(%arg9 : memref<200xi32, #tpu.memory_space<vmem>>) target_semaphore(%arg20 : memref<!tpu.dma_semaphore, #tpu.memory_space<semaphore_mem>>)
          %dma_start3A_235 = tpu.memref_slice %arg3[%mul3A_232] : memref<819200xi32, #tpu.memory_space<hbm>> -> memref<200xi32, #tpu.memory_space<hbm>>
          %dma_start3A_236 = tpu.memref_slice %arg3[%mul3A_232] : memref<819200xi32, #tpu.memory_space<hbm>> -> memref<200xi32, #tpu.memory_space<hbm>>
          tpu.enqueue_dma source(%dma_start3A_236 : memref<200xi32, #tpu.memory_space<hbm>>) target(%arg11 : memref<200xi32, #tpu.memory_space<vmem>>) target_semaphore(%arg20 : memref<!tpu.dma_semaphore, #tpu.memory_space<semaphore_mem>>)
          %dma_start3A_237 = tpu.memref_slice %arg4[%mul3A_232] : memref<819200xi32, #tpu.memory_space<hbm>> -> memref<200xi32, #tpu.memory_space<hbm>>
          %dma_start3A_238 = tpu.memref_slice %arg4[%mul3A_232] : memref<819200xi32, #tpu.memory_space<hbm>> -> memref<200xi32, #tpu.memory_space<hbm>>
          tpu.enqueue_dma source(%dma_start3A_238 : memref<200xi32, #tpu.memory_space<hbm>>) target(%arg13 : memref<200xi32, #tpu.memory_space<vmem>>) target_semaphore(%arg20 : memref<!tpu.dma_semaphore, #tpu.memory_space<semaphore_mem>>)
        } else {
        }
      } else {
      }
      %add3A_139 = arith.constant 1 : i32
      %add3A_140 = arith.addi %mul3A_96, %add3A_139 : i32
      %mul3A_141 = arith.constant 32 : i32
      %mul3A_142 = arith.muli %add3A_140, %mul3A_141 : i32
      %add3A_143 = arith.addi %mul3A_142, %add3A : i32
      %mul3A_144 = arith.constant 200 : i32
      %mul3A_145 = arith.muli %add3A_143, %mul3A_144 : i32
      %dma_wait3A_146 = tpu.memref_slice %arg2[%mul3A_145] : memref<819200xi32, #tpu.memory_space<hbm>> -> memref<200xi32, #tpu.memory_space<hbm>>
      %dma_wait3A_147 = tpu.memref_slice %arg2[%mul3A_145] : memref<819200xi32, #tpu.memory_space<hbm>> -> memref<200xi32, #tpu.memory_space<hbm>>
      tpu.wait_dma2 semaphore(%arg20 : memref<!tpu.dma_semaphore, #tpu.memory_space<semaphore_mem>>) src(%dma_wait3A_147 : memref<200xi32, #tpu.memory_space<hbm>>) dst(%arg9 : memref<200xi32, #tpu.memory_space<vmem>>)
      %dma_wait3A_148 = tpu.memref_slice %arg3[%mul3A_145] : memref<819200xi32, #tpu.memory_space<hbm>> -> memref<200xi32, #tpu.memory_space<hbm>>
      %dma_wait3A_149 = tpu.memref_slice %arg3[%mul3A_145] : memref<819200xi32, #tpu.memory_space<hbm>> -> memref<200xi32, #tpu.memory_space<hbm>>
      tpu.wait_dma2 semaphore(%arg20 : memref<!tpu.dma_semaphore, #tpu.memory_space<semaphore_mem>>) src(%dma_wait3A_149 : memref<200xi32, #tpu.memory_space<hbm>>) dst(%arg11 : memref<200xi32, #tpu.memory_space<vmem>>)
      %dma_wait3A_150 = tpu.memref_slice %arg4[%mul3A_145] : memref<819200xi32, #tpu.memory_space<hbm>> -> memref<200xi32, #tpu.memory_space<hbm>>
      %dma_wait3A_151 = tpu.memref_slice %arg4[%mul3A_145] : memref<819200xi32, #tpu.memory_space<hbm>> -> memref<200xi32, #tpu.memory_space<hbm>>
      tpu.wait_dma2 semaphore(%arg20 : memref<!tpu.dma_semaphore, #tpu.memory_space<semaphore_mem>>) src(%dma_wait3A_151 : memref<200xi32, #tpu.memory_space<hbm>>) dst(%arg13 : memref<200xi32, #tpu.memory_space<vmem>>)
      %ge3A_152 = arith.constant 2 : i32
      %ge3A_153 = arith.cmpi sge, %add3A_140, %ge3A_152 : i32
      %convert_element_type3A_154 = arith.extui %ge3A_153 : i1 to i32
      %cond3A_155 = arith.constant 0 : i32
      %cond3A_156 = arith.cmpi ne, %convert_element_type3A_154, %cond3A_155 : i32
      scf.if %cond3A_156 {
        %sub3A = arith.constant 2 : i32
        %sub3A_184 = arith.subi %add3A_140, %sub3A : i32
        %mul3A_185 = arith.constant 32 : i32
        %mul3A_186 = arith.muli %sub3A_184, %mul3A_185 : i32
        %add3A_187 = arith.addi %mul3A_186, %add3A : i32
        %dma_wait3A_188 = arith.constant 0 : i32
        %dma_wait3A_189 = arith.constant 0 : i32
        %dma_wait3A_190 = tpu.memref_slice %arg7[%add3A_187, %dma_wait3A_188, %dma_wait3A_189] : memref<4096x200x256xf32, #tpu.memory_space<hbm>> -> memref<1x200x128xf32, #tpu.memory_space<hbm>>
        %dma_wait3A_191 = tpu.memref_squeeze %dma_wait3A_190 : memref<1x200x128xf32, #tpu.memory_space<hbm>> -> memref<200x128xf32, #tpu.memory_space<hbm>>
        %dma_wait3A_192 = arith.constant 0 : i32
        %dma_wait3A_193 = arith.constant 0 : i32
        %dma_wait3A_194 = tpu.memref_slice %arg7[%add3A_187, %dma_wait3A_192, %dma_wait3A_193] : memref<4096x200x256xf32, #tpu.memory_space<hbm>> -> memref<1x200x128xf32, #tpu.memory_space<hbm>>
        %dma_wait3A_195 = tpu.memref_squeeze %dma_wait3A_194 : memref<1x200x128xf32, #tpu.memory_space<hbm>> -> memref<200x128xf32, #tpu.memory_space<hbm>>
        tpu.wait_dma2 semaphore(%arg24 : memref<!tpu.dma_semaphore, #tpu.memory_space<semaphore_mem>>) src(%arg15 : memref<200x128xf32, #tpu.memory_space<vmem>>) dst(%dma_wait3A_195 : memref<200x128xf32, #tpu.memory_space<hbm>>)
        %dma_wait3A_196 = arith.constant 0 : i32
        %dma_wait3A_197 = arith.constant 128 : i32
        %dma_wait3A_198 = tpu.memref_slice %arg7[%add3A_187, %dma_wait3A_196, %dma_wait3A_197] : memref<4096x200x256xf32, #tpu.memory_space<hbm>> -> memref<1x200x128xf32, #tpu.memory_space<hbm>>
        %dma_wait3A_199 = tpu.memref_squeeze %dma_wait3A_198 : memref<1x200x128xf32, #tpu.memory_space<hbm>> -> memref<200x128xf32, #tpu.memory_space<hbm>>
        %dma_wait3A_200 = arith.constant 0 : i32
        %dma_wait3A_201 = arith.constant 128 : i32
        %dma_wait3A_202 = tpu.memref_slice %arg7[%add3A_187, %dma_wait3A_200, %dma_wait3A_201] : memref<4096x200x256xf32, #tpu.memory_space<hbm>> -> memref<1x200x128xf32, #tpu.memory_space<hbm>>
        %dma_wait3A_203 = tpu.memref_squeeze %dma_wait3A_202 : memref<1x200x128xf32, #tpu.memory_space<hbm>> -> memref<200x128xf32, #tpu.memory_space<hbm>>
        tpu.wait_dma2 semaphore(%arg24 : memref<!tpu.dma_semaphore, #tpu.memory_space<semaphore_mem>>) src(%arg17 : memref<200x128xf32, #tpu.memory_space<vmem>>) dst(%dma_wait3A_203 : memref<200x128xf32, #tpu.memory_space<hbm>>)
      } else {
      }
      %dma_start3A_157 = arith.constant 0 : i32
      %dma_start3A_158 = arith.constant 0 : i32
      %dma_start3A_159 = tpu.memref_slice %arg15[%dma_start3A_157, %dma_start3A_158] : memref<200x128xf32, #tpu.memory_space<vmem>> -> memref<104x128xf32, #tpu.memory_space<vmem>>
      %dma_start3A_160 = arith.constant 0 : i32
      %dma_start3A_161 = tpu.memref_slice %arg9[%dma_start3A_160] : memref<200xi32, #tpu.memory_space<vmem>> -> memref<104xi32, #tpu.memory_space<vmem>>
      %dma_start3A_162 = arith.constant 0 : i32
      %dma_start3A_163 = arith.constant 0 : i32
      %dma_start3A_164 = tpu.memref_slice %arg5[%dma_start3A_162, %dma_start3A_163] : memref<100000x128xf32, #tpu.memory_space<hbm>> -> memref<100000x128xf32, #tpu.memory_space<hbm>>
      tpu.enqueue_indirect_dma source(%dma_start3A_164 : memref<100000x128xf32, #tpu.memory_space<hbm>>) target(%dma_start3A_159 : memref<104x128xf32, #tpu.memory_space<vmem>>) offsets(%dma_start3A_161 : memref<104xi32, #tpu.memory_space<vmem>>) semaphore(%arg22 : memref<!tpu.dma_semaphore, #tpu.memory_space<semaphore_mem>>)
      %dma_start3A_165 = arith.constant 104 : i32
      %dma_start3A_166 = arith.constant 0 : i32
      %dma_start3A_167 = tpu.memref_slice %arg15[%dma_start3A_165, %dma_start3A_166] : memref<200x128xf32, #tpu.memory_space<vmem>> -> memref<96x128xf32, #tpu.memory_space<vmem>>
      %dma_start3A_168 = arith.constant 104 : i32
      %dma_start3A_169 = tpu.memref_slice %arg9[%dma_start3A_168] : memref<200xi32, #tpu.memory_space<vmem>> -> memref<96xi32, #tpu.memory_space<vmem>>
      %dma_start3A_170 = arith.constant 0 : i32
      %dma_start3A_171 = arith.constant 0 : i32
      %dma_start3A_172 = tpu.memref_slice %arg5[%dma_start3A_170, %dma_start3A_171] : memref<100000x128xf32, #tpu.memory_space<hbm>> -> memref<100000x128xf32, #tpu.memory_space<hbm>>
      tpu.enqueue_indirect_dma source(%dma_start3A_172 : memref<100000x128xf32, #tpu.memory_space<hbm>>) target(%dma_start3A_167 : memref<96x128xf32, #tpu.memory_space<vmem>>) offsets(%dma_start3A_169 : memref<96xi32, #tpu.memory_space<vmem>>) semaphore(%arg22 : memref<!tpu.dma_semaphore, #tpu.memory_space<semaphore_mem>>)
      %scan3A_173 = arith.constant 0 : i32
      %scan3A_174 = arith.constant 0 : i32
      %scan3A_175 = arith.constant 13 : i32
      %scan3A_176 = arith.addi %scan3A_174, %scan3A_175 : i32
      %scan3A_177 = arith.constant 1 : i32
      scf.for %scan3A_184 = %scan3A_174 to %scan3A_176 step %scan3A_177  : i32 {
        %mul3A_185 = arith.constant 16 : i32
        %mul3A_186 = arith.muli %scan3A_184, %mul3A_185 : i32
        %min3A = arith.constant 184 : i32
        %min3A_187 = arith.minsi %mul3A_186, %min3A : i32
        %get3A = arith.index_cast %min3A_187 : i32 to index
        %get3A_188 = tpu.vector_load %arg11[%get3A] {strides = array<i32>} : memref<200xi32, #tpu.memory_space<vmem>>, vector<16xi32>,
        %get3A_189 = vector.shape_cast %get3A_188 : vector<16xi32> to vector<16xi32>
        %get3A_190 = arith.index_cast %min3A_187 : i32 to index
        %get3A_191 = tpu.vector_load %arg13[%get3A_190] {strides = array<i32>} : memref<200xi32, #tpu.memory_space<vmem>>, vector<16xi32>,
        %get3A_192 = vector.shape_cast %get3A_191 : vector<16xi32> to vector<16xi32>
        %convert_element_type3A_193 = arith.sitofp %get3A_192 : vector<16xi32> to vector<16xf32>
        %add3A_194 = arith.constant 0 : i32
        %add3A_195 = arith.addi %min3A_187, %add3A_194 : i32
        %slice3A = vector.extract_strided_slice %get3A_189 {offsets = [0], sizes = [1], strides = [1]} : vector<16xi32> to vector<1xi32>
        %squeeze3A = vector.extract %slice3A[0] : i32 from vector<1xi32>
        %get3A_196 = arith.index_cast %squeeze3A : i32 to index
        %get3A_197 = arith.constant 0 : index
        %get3A_198 = tpu.vector_load %arg18[%get3A_196, %get3A_197] {strides = array<i32>} : memref<64x32xf32, #tpu.memory_space<vmem>>, vector<1x16xf32>,
        %get3A_199 = vector.shape_cast %get3A_198 : vector<1x16xf32> to vector<16xf32>
        %swap3A = arith.index_cast %add3A_195 : i32 to index
        %swap3A_200 = arith.constant 0 : index
        %swap3A_201 = tpu.vector_load %arg17[%swap3A, %swap3A_200] {strides = array<i32>} : memref<200x128xf32, #tpu.memory_space<vmem>>, vector<1x16xf32>,
        %swap3A_202 = vector.shape_cast %swap3A_201 : vector<1x16xf32> to vector<16xf32>
        %swap3A_203 = vector.shape_cast %get3A_199 : vector<16xf32> to vector<1x16xf32>
        tpu.vector_store %arg17[%swap3A, %swap3A_200], %swap3A_203 {strides = array<i32>} : memref<200x128xf32, #tpu.memory_space<vmem>>, vector<1x16xf32>,
        %get3A_204 = arith.index_cast %squeeze3A : i32 to index
        %get3A_205 = arith.constant 16 : index
        %get3A_206 = tpu.vector_load %arg18[%get3A_204, %get3A_205] {strides = array<i32>} : memref<64x32xf32, #tpu.memory_space<vmem>>, vector<1x16xf32>,
        %get3A_207 = vector.shape_cast %get3A_206 : vector<1x16xf32> to vector<16xf32>
        %swap3A_208 = arith.index_cast %add3A_195 : i32 to index
        %swap3A_209 = arith.constant 16 : index
        %swap3A_210 = tpu.vector_load %arg17[%swap3A_208, %swap3A_209] {strides = array<i32>} : memref<200x128xf32, #tpu.memory_space<vmem>>, vector<1x16xf32>,
        %swap3A_211 = vector.shape_cast %swap3A_210 : vector<1x16xf32> to vector<16xf32>
        %swap3A_212 = vector.shape_cast %get3A_207 : vector<16xf32> to vector<1x16xf32>
        tpu.vector_store %arg17[%swap3A_208, %swap3A_209], %swap3A_212 {strides = array<i32>} : memref<200x128xf32, #tpu.memory_space<vmem>>, vector<1x16xf32>,
        %slice3A_213 = vector.extract_strided_slice %convert_element_type3A_193 {offsets = [0], sizes = [1], strides = [1]} : vector<16xf32> to vector<1xf32>
        %squeeze3A_214 = vector.extract %slice3A_213[0] : f32 from vector<1xf32>
        %broadcast_in_dim3A = vector.broadcast %squeeze3A_214 : f32 to vector<16xf32>
        %swap3A_215 = arith.index_cast %add3A_195 : i32 to index
        %swap3A_216 = arith.constant 32 : index
        %swap3A_217 = tpu.vector_load %arg17[%swap3A_215, %swap3A_216] {strides = array<i32>} : memref<200x128xf32, #tpu.memory_space<vmem>>, vector<1x16xf32>,
        %swap3A_218 = vector.shape_cast %swap3A_217 : vector<1x16xf32> to vector<16xf32>
        %swap3A_219 = vector.shape_cast %broadcast_in_dim3A : vector<16xf32> to vector<1x16xf32>
        tpu.vector_store %arg17[%swap3A_215, %swap3A_216], %swap3A_219 {strides = array<i32>} : memref<200x128xf32, #tpu.memory_space<vmem>>, vector<1x16xf32>,
        %add3A_220 = arith.constant 1 : i32
        %add3A_221 = arith.addi %min3A_187, %add3A_220 : i32
        %slice3A_222 = vector.extract_strided_slice %get3A_189 {offsets = [1], sizes = [1], strides = [1]} : vector<16xi32> to vector<1xi32>
        %squeeze3A_223 = vector.extract %slice3A_222[0] : i32 from vector<1xi32>
        %get3A_224 = arith.index_cast %squeeze3A_223 : i32 to index
        %get3A_225 = arith.constant 0 : index
        %get3A_226 = tpu.vector_load %arg18[%get3A_224, %get3A_225] {strides = array<i32>} : memref<64x32xf32, #tpu.memory_space<vmem>>, vector<1x16xf32>,
        %get3A_227 = vector.shape_cast %get3A_226 : vector<1x16xf32> to vector<16xf32>
        %swap3A_228 = arith.index_cast %add3A_221 : i32 to index
        %swap3A_229 = arith.constant 0 : index
        %swap3A_230 = tpu.vector_load %arg17[%swap3A_228, %swap3A_229] {strides = array<i32>} : memref<200x128xf32, #tpu.memory_space<vmem>>, vector<1x16xf32>,
        %swap3A_231 = vector.shape_cast %swap3A_230 : vector<1x16xf32> to vector<16xf32>
        %swap3A_232 = vector.shape_cast %get3A_227 : vector<16xf32> to vector<1x16xf32>
        tpu.vector_store %arg17[%swap3A_228, %swap3A_229], %swap3A_232 {strides = array<i32>} : memref<200x128xf32, #tpu.memory_space<vmem>>, vector<1x16xf32>,
        %get3A_233 = arith.index_cast %squeeze3A_223 : i32 to index
        %get3A_234 = arith.constant 16 : index
        %get3A_235 = tpu.vector_load %arg18[%get3A_233, %get3A_234] {strides = array<i32>} : memref<64x32xf32, #tpu.memory_space<vmem>>, vector<1x16xf32>,
        %get3A_236 = vector.shape_cast %get3A_235 : vector<1x16xf32> to vector<16xf32>
        %swap3A_237 = arith.index_cast %add3A_221 : i32 to index
        %swap3A_238 = arith.constant 16 : index
        %swap3A_239 = tpu.vector_load %arg17[%swap3A_237, %swap3A_238] {strides = array<i32>} : memref<200x128xf32, #tpu.memory_space<vmem>>, vector<1x16xf32>,
        %swap3A_240 = vector.shape_cast %swap3A_239 : vector<1x16xf32> to vector<16xf32>
        %swap3A_241 = vector.shape_cast %get3A_236 : vector<16xf32> to vector<1x16xf32>
        tpu.vector_store %arg17[%swap3A_237, %swap3A_238], %swap3A_241 {strides = array<i32>} : memref<200x128xf32, #tpu.memory_space<vmem>>, vector<1x16xf32>,
        %slice3A_242 = vector.extract_strided_slice %convert_element_type3A_193 {offsets = [1], sizes = [1], strides = [1]} : vector<16xf32> to vector<1xf32>
        %squeeze3A_243 = vector.extract %slice3A_242[0] : f32 from vector<1xf32>
        %broadcast_in_dim3A_244 = vector.broadcast %squeeze3A_243 : f32 to vector<16xf32>
        %swap3A_245 = arith.index_cast %add3A_221 : i32 to index
        %swap3A_246 = arith.constant 32 : index
        %swap3A_247 = tpu.vector_load %arg17[%swap3A_245, %swap3A_246] {strides = array<i32>} : memref<200x128xf32, #tpu.memory_space<vmem>>, vector<1x16xf32>,
        %swap3A_248 = vector.shape_cast %swap3A_247 : vector<1x16xf32> to vector<16xf32>
        %swap3A_249 = vector.shape_cast %broadcast_in_dim3A_244 : vector<16xf32> to vector<1x16xf32>
        tpu.vector_store %arg17[%swap3A_245, %swap3A_246], %swap3A_249 {strides = array<i32>} : memref<200x128xf32, #tpu.memory_space<vmem>>, vector<1x16xf32>,
        %add3A_250 = arith.constant 2 : i32
        %add3A_251 = arith.addi %min3A_187, %add3A_250 : i32
        %slice3A_252 = vector.extract_strided_slice %get3A_189 {offsets = [2], sizes = [1], strides = [1]} : vector<16xi32> to vector<1xi32>
        %squeeze3A_253 = vector.extract %slice3A_252[0] : i32 from vector<1xi32>
        %get3A_254 = arith.index_cast %squeeze3A_253 : i32 to index
        %get3A_255 = arith.constant 0 : index
        %get3A_256 = tpu.vector_load %arg18[%get3A_254, %get3A_255] {strides = array<i32>} : memref<64x32xf32, #tpu.memory_space<vmem>>, vector<1x16xf32>,
        %get3A_257 = vector.shape_cast %get3A_256 : vector<1x16xf32> to vector<16xf32>
        %swap3A_258 = arith.index_cast %add3A_251 : i32 to index
        %swap3A_259 = arith.constant 0 : index
        %swap3A_260 = tpu.vector_load %arg17[%swap3A_258, %swap3A_259] {strides = array<i32>} : memref<200x128xf32, #tpu.memory_space<vmem>>, vector<1x16xf32>,
        %swap3A_261 = vector.shape_cast %swap3A_260 : vector<1x16xf32> to vector<16xf32>
        %swap3A_262 = vector.shape_cast %get3A_257 : vector<16xf32> to vector<1x16xf32>
        tpu.vector_store %arg17[%swap3A_258, %swap3A_259], %swap3A_262 {strides = array<i32>} : memref<200x128xf32, #tpu.memory_space<vmem>>, vector<1x16xf32>,
        %get3A_263 = arith.index_cast %squeeze3A_253 : i32 to index
        %get3A_264 = arith.constant 16 : index
        %get3A_265 = tpu.vector_load %arg18[%get3A_263, %get3A_264] {strides = array<i32>} : memref<64x32xf32, #tpu.memory_space<vmem>>, vector<1x16xf32>,
        %get3A_266 = vector.shape_cast %get3A_265 : vector<1x16xf32> to vector<16xf32>
        %swap3A_267 = arith.index_cast %add3A_251 : i32 to index
        %swap3A_268 = arith.constant 16 : index
        %swap3A_269 = tpu.vector_load %arg17[%swap3A_267, %swap3A_268] {strides = array<i32>} : memref<200x128xf32, #tpu.memory_space<vmem>>, vector<1x16xf32>,
        %swap3A_270 = vector.shape_cast %swap3A_269 : vector<1x16xf32> to vector<16xf32>
        %swap3A_271 = vector.shape_cast %get3A_266 : vector<16xf32> to vector<1x16xf32>
        tpu.vector_store %arg17[%swap3A_267, %swap3A_268], %swap3A_271 {strides = array<i32>} : memref<200x128xf32, #tpu.memory_space<vmem>>, vector<1x16xf32>,
        %slice3A_272 = vector.extract_strided_slice %convert_element_type3A_193 {offsets = [2], sizes = [1], strides = [1]} : vector<16xf32> to vector<1xf32>
        %squeeze3A_273 = vector.extract %slice3A_272[0] : f32 from vector<1xf32>
        %broadcast_in_dim3A_274 = vector.broadcast %squeeze3A_273 : f32 to vector<16xf32>
        %swap3A_275 = arith.index_cast %add3A_251 : i32 to index
        %swap3A_276 = arith.constant 32 : index
        %swap3A_277 = tpu.vector_load %arg17[%swap3A_275, %swap3A_276] {strides = array<i32>} : memref<200x128xf32, #tpu.memory_space<vmem>>, vector<1x16xf32>,
        %swap3A_278 = vector.shape_cast %swap3A_277 : vector<1x16xf32> to vector<16xf32>
        %swap3A_279 = vector.shape_cast %broadcast_in_dim3A_274 : vector<16xf32> to vector<1x16xf32>
        tpu.vector_store %arg17[%swap3A_275, %swap3A_276], %swap3A_279 {strides = array<i32>} : memref<200x128xf32, #tpu.memory_space<vmem>>, vector<1x16xf32>,
        %add3A_280 = arith.constant 3 : i32
        %add3A_281 = arith.addi %min3A_187, %add3A_280 : i32
        %slice3A_282 = vector.extract_strided_slice %get3A_189 {offsets = [3], sizes = [1], strides = [1]} : vector<16xi32> to vector<1xi32>
        %squeeze3A_283 = vector.extract %slice3A_282[0] : i32 from vector<1xi32>
        %get3A_284 = arith.index_cast %squeeze3A_283 : i32 to index
        %get3A_285 = arith.constant 0 : index
        %get3A_286 = tpu.vector_load %arg18[%get3A_284, %get3A_285] {strides = array<i32>} : memref<64x32xf32, #tpu.memory_space<vmem>>, vector<1x16xf32>,
        %get3A_287 = vector.shape_cast %get3A_286 : vector<1x16xf32> to vector<16xf32>
        %swap3A_288 = arith.index_cast %add3A_281 : i32 to index
        %swap3A_289 = arith.constant 0 : index
        %swap3A_290 = tpu.vector_load %arg17[%swap3A_288, %swap3A_289] {strides = array<i32>} : memref<200x128xf32, #tpu.memory_space<vmem>>, vector<1x16xf32>,
        %swap3A_291 = vector.shape_cast %swap3A_290 : vector<1x16xf32> to vector<16xf32>
        %swap3A_292 = vector.shape_cast %get3A_287 : vector<16xf32> to vector<1x16xf32>
        tpu.vector_store %arg17[%swap3A_288, %swap3A_289], %swap3A_292 {strides = array<i32>} : memref<200x128xf32, #tpu.memory_space<vmem>>, vector<1x16xf32>,
        %get3A_293 = arith.index_cast %squeeze3A_283 : i32 to index
        %get3A_294 = arith.constant 16 : index
        %get3A_295 = tpu.vector_load %arg18[%get3A_293, %get3A_294] {strides = array<i32>} : memref<64x32xf32, #tpu.memory_space<vmem>>, vector<1x16xf32>,
        %get3A_296 = vector.shape_cast %get3A_295 : vector<1x16xf32> to vector<16xf32>
        %swap3A_297 = arith.index_cast %add3A_281 : i32 to index
        %swap3A_298 = arith.constant 16 : index
        %swap3A_299 = tpu.vector_load %arg17[%swap3A_297, %swap3A_298] {strides = array<i32>} : memref<200x128xf32, #tpu.memory_space<vmem>>, vector<1x16xf32>,
        %swap3A_300 = vector.shape_cast %swap3A_299 : vector<1x16xf32> to vector<16xf32>
        %swap3A_301 = vector.shape_cast %get3A_296 : vector<16xf32> to vector<1x16xf32>
        tpu.vector_store %arg17[%swap3A_297, %swap3A_298], %swap3A_301 {strides = array<i32>} : memref<200x128xf32, #tpu.memory_space<vmem>>, vector<1x16xf32>,
        %slice3A_302 = vector.extract_strided_slice %convert_element_type3A_193 {offsets = [3], sizes = [1], strides = [1]} : vector<16xf32> to vector<1xf32>
        %squeeze3A_303 = vector.extract %slice3A_302[0] : f32 from vector<1xf32>
        %broadcast_in_dim3A_304 = vector.broadcast %squeeze3A_303 : f32 to vector<16xf32>
        %swap3A_305 = arith.index_cast %add3A_281 : i32 to index
        %swap3A_306 = arith.constant 32 : index
        %swap3A_307 = tpu.vector_load %arg17[%swap3A_305, %swap3A_306] {strides = array<i32>} : memref<200x128xf32, #tpu.memory_space<vmem>>, vector<1x16xf32>,
        %swap3A_308 = vector.shape_cast %swap3A_307 : vector<1x16xf32> to vector<16xf32>
        %swap3A_309 = vector.shape_cast %broadcast_in_dim3A_304 : vector<16xf32> to vector<1x16xf32>
        tpu.vector_store %arg17[%swap3A_305, %swap3A_306], %swap3A_309 {strides = array<i32>} : memref<200x128xf32, #tpu.memory_space<vmem>>, vector<1x16xf32>,
        %add3A_310 = arith.constant 4 : i32
        %add3A_311 = arith.addi %min3A_187, %add3A_310 : i32
        %slice3A_312 = vector.extract_strided_slice %get3A_189 {offsets = [4], sizes = [1], strides = [1]} : vector<16xi32> to vector<1xi32>
        %squeeze3A_313 = vector.extract %slice3A_312[0] : i32 from vector<1xi32>
        %get3A_314 = arith.index_cast %squeeze3A_313 : i32 to index
        %get3A_315 = arith.constant 0 : index
        %get3A_316 = tpu.vector_load %arg18[%get3A_314, %get3A_315] {strides = array<i32>} : memref<64x32xf32, #tpu.memory_space<vmem>>, vector<1x16xf32>,
        %get3A_317 = vector.shape_cast %get3A_316 : vector<1x16xf32> to vector<16xf32>
        %swap3A_318 = arith.index_cast %add3A_311 : i32 to index
        %swap3A_319 = arith.constant 0 : index
        %swap3A_320 = tpu.vector_load %arg17[%swap3A_318, %swap3A_319] {strides = array<i32>} : memref<200x128xf32, #tpu.memory_space<vmem>>, vector<1x16xf32>,
        %swap3A_321 = vector.shape_cast %swap3A_320 : vector<1x16xf32> to vector<16xf32>
        %swap3A_322 = vector.shape_cast %get3A_317 : vector<16xf32> to vector<1x16xf32>
        tpu.vector_store %arg17[%swap3A_318, %swap3A_319], %swap3A_322 {strides = array<i32>} : memref<200x128xf32, #tpu.memory_space<vmem>>, vector<1x16xf32>,
        %get3A_323 = arith.index_cast %squeeze3A_313 : i32 to index
        %get3A_324 = arith.constant 16 : index
        %get3A_325 = tpu.vector_load %arg18[%get3A_323, %get3A_324] {strides = array<i32>} : memref<64x32xf32, #tpu.memory_space<vmem>>, vector<1x16xf32>,
        %get3A_326 = vector.shape_cast %get3A_325 : vector<1x16xf32> to vector<16xf32>
        %swap3A_327 = arith.index_cast %add3A_311 : i32 to index
        %swap3A_328 = arith.constant 16 : index
        %swap3A_329 = tpu.vector_load %arg17[%swap3A_327, %swap3A_328] {strides = array<i32>} : memref<200x128xf32, #tpu.memory_space<vmem>>, vector<1x16xf32>,
        %swap3A_330 = vector.shape_cast %swap3A_329 : vector<1x16xf32> to vector<16xf32>
        %swap3A_331 = vector.shape_cast %get3A_326 : vector<16xf32> to vector<1x16xf32>
        tpu.vector_store %arg17[%swap3A_327, %swap3A_328], %swap3A_331 {strides = array<i32>} : memref<200x128xf32, #tpu.memory_space<vmem>>, vector<1x16xf32>,
        %slice3A_332 = vector.extract_strided_slice %convert_element_type3A_193 {offsets = [4], sizes = [1], strides = [1]} : vector<16xf32> to vector<1xf32>
        %squeeze3A_333 = vector.extract %slice3A_332[0] : f32 from vector<1xf32>
        %broadcast_in_dim3A_334 = vector.broadcast %squeeze3A_333 : f32 to vector<16xf32>
        %swap3A_335 = arith.index_cast %add3A_311 : i32 to index
        %swap3A_336 = arith.constant 32 : index
        %swap3A_337 = tpu.vector_load %arg17[%swap3A_335, %swap3A_336] {strides = array<i32>} : memref<200x128xf32, #tpu.memory_space<vmem>>, vector<1x16xf32>,
        %swap3A_338 = vector.shape_cast %swap3A_337 : vector<1x16xf32> to vector<16xf32>
        %swap3A_339 = vector.shape_cast %broadcast_in_dim3A_334 : vector<16xf32> to vector<1x16xf32>
        tpu.vector_store %arg17[%swap3A_335, %swap3A_336], %swap3A_339 {strides = array<i32>} : memref<200x128xf32, #tpu.memory_space<vmem>>, vector<1x16xf32>,
        %add3A_340 = arith.constant 5 : i32
        %add3A_341 = arith.addi %min3A_187, %add3A_340 : i32
        %slice3A_342 = vector.extract_strided_slice %get3A_189 {offsets = [5], sizes = [1], strides = [1]} : vector<16xi32> to vector<1xi32>
        %squeeze3A_343 = vector.extract %slice3A_342[0] : i32 from vector<1xi32>
        %get3A_344 = arith.index_cast %squeeze3A_343 : i32 to index
        %get3A_345 = arith.constant 0 : index
        %get3A_346 = tpu.vector_load %arg18[%get3A_344, %get3A_345] {strides = array<i32>} : memref<64x32xf32, #tpu.memory_space<vmem>>, vector<1x16xf32>,
        %get3A_347 = vector.shape_cast %get3A_346 : vector<1x16xf32> to vector<16xf32>
        %swap3A_348 = arith.index_cast %add3A_341 : i32 to index
        %swap3A_349 = arith.constant 0 : index
        %swap3A_350 = tpu.vector_load %arg17[%swap3A_348, %swap3A_349] {strides = array<i32>} : memref<200x128xf32, #tpu.memory_space<vmem>>, vector<1x16xf32>,
        %swap3A_351 = vector.shape_cast %swap3A_350 : vector<1x16xf32> to vector<16xf32>
        %swap3A_352 = vector.shape_cast %get3A_347 : vector<16xf32> to vector<1x16xf32>
        tpu.vector_store %arg17[%swap3A_348, %swap3A_349], %swap3A_352 {strides = array<i32>} : memref<200x128xf32, #tpu.memory_space<vmem>>, vector<1x16xf32>,
        %get3A_353 = arith.index_cast %squeeze3A_343 : i32 to index
        %get3A_354 = arith.constant 16 : index
        %get3A_355 = tpu.vector_load %arg18[%get3A_353, %get3A_354] {strides = array<i32>} : memref<64x32xf32, #tpu.memory_space<vmem>>, vector<1x16xf32>,
        %get3A_356 = vector.shape_cast %get3A_355 : vector<1x16xf32> to vector<16xf32>
        %swap3A_357 = arith.index_cast %add3A_341 : i32 to index
        %swap3A_358 = arith.constant 16 : index
        %swap3A_359 = tpu.vector_load %arg17[%swap3A_357, %swap3A_358] {strides = array<i32>} : memref<200x128xf32, #tpu.memory_space<vmem>>, vector<1x16xf32>,
        %swap3A_360 = vector.shape_cast %swap3A_359 : vector<1x16xf32> to vector<16xf32>
        %swap3A_361 = vector.shape_cast %get3A_356 : vector<16xf32> to vector<1x16xf32>
        tpu.vector_store %arg17[%swap3A_357, %swap3A_358], %swap3A_361 {strides = array<i32>} : memref<200x128xf32, #tpu.memory_space<vmem>>, vector<1x16xf32>,
        %slice3A_362 = vector.extract_strided_slice %convert_element_type3A_193 {offsets = [5], sizes = [1], strides = [1]} : vector<16xf32> to vector<1xf32>
        %squeeze3A_363 = vector.extract %slice3A_362[0] : f32 from vector<1xf32>
        %broadcast_in_dim3A_364 = vector.broadcast %squeeze3A_363 : f32 to vector<16xf32>
        %swap3A_365 = arith.index_cast %add3A_341 : i32 to index
        %swap3A_366 = arith.constant 32 : index
        %swap3A_367 = tpu.vector_load %arg17[%swap3A_365, %swap3A_366] {strides = array<i32>} : memref<200x128xf32, #tpu.memory_space<vmem>>, vector<1x16xf32>,
        %swap3A_368 = vector.shape_cast %swap3A_367 : vector<1x16xf32> to vector<16xf32>
        %swap3A_369 = vector.shape_cast %broadcast_in_dim3A_364 : vector<16xf32> to vector<1x16xf32>
        tpu.vector_store %arg17[%swap3A_365, %swap3A_366], %swap3A_369 {strides = array<i32>} : memref<200x128xf32, #tpu.memory_space<vmem>>, vector<1x16xf32>,
        %add3A_370 = arith.constant 6 : i32
        %add3A_371 = arith.addi %min3A_187, %add3A_370 : i32
        %slice3A_372 = vector.extract_strided_slice %get3A_189 {offsets = [6], sizes = [1], strides = [1]} : vector<16xi32> to vector<1xi32>
        %squeeze3A_373 = vector.extract %slice3A_372[0] : i32 from vector<1xi32>
        %get3A_374 = arith.index_cast %squeeze3A_373 : i32 to index
        %get3A_375 = arith.constant 0 : index
        %get3A_376 = tpu.vector_load %arg18[%get3A_374, %get3A_375] {strides = array<i32>} : memref<64x32xf32, #tpu.memory_space<vmem>>, vector<1x16xf32>,
        %get3A_377 = vector.shape_cast %get3A_376 : vector<1x16xf32> to vector<16xf32>
        %swap3A_378 = arith.index_cast %add3A_371 : i32 to index
        %swap3A_379 = arith.constant 0 : index
        %swap3A_380 = tpu.vector_load %arg17[%swap3A_378, %swap3A_379] {strides = array<i32>} : memref<200x128xf32, #tpu.memory_space<vmem>>, vector<1x16xf32>,
        %swap3A_381 = vector.shape_cast %swap3A_380 : vector<1x16xf32> to vector<16xf32>
        %swap3A_382 = vector.shape_cast %get3A_377 : vector<16xf32> to vector<1x16xf32>
        tpu.vector_store %arg17[%swap3A_378, %swap3A_379], %swap3A_382 {strides = array<i32>} : memref<200x128xf32, #tpu.memory_space<vmem>>, vector<1x16xf32>,
        %get3A_383 = arith.index_cast %squeeze3A_373 : i32 to index
        %get3A_384 = arith.constant 16 : index
        %get3A_385 = tpu.vector_load %arg18[%get3A_383, %get3A_384] {strides = array<i32>} : memref<64x32xf32, #tpu.memory_space<vmem>>, vector<1x16xf32>,
        %get3A_386 = vector.shape_cast %get3A_385 : vector<1x16xf32> to vector<16xf32>
        %swap3A_387 = arith.index_cast %add3A_371 : i32 to index
        %swap3A_388 = arith.constant 16 : index
        %swap3A_389 = tpu.vector_load %arg17[%swap3A_387, %swap3A_388] {strides = array<i32>} : memref<200x128xf32, #tpu.memory_space<vmem>>, vector<1x16xf32>,
        %swap3A_390 = vector.shape_cast %swap3A_389 : vector<1x16xf32> to vector<16xf32>
        %swap3A_391 = vector.shape_cast %get3A_386 : vector<16xf32> to vector<1x16xf32>
        tpu.vector_store %arg17[%swap3A_387, %swap3A_388], %swap3A_391 {strides = array<i32>} : memref<200x128xf32, #tpu.memory_space<vmem>>, vector<1x16xf32>,
        %slice3A_392 = vector.extract_strided_slice %convert_element_type3A_193 {offsets = [6], sizes = [1], strides = [1]} : vector<16xf32> to vector<1xf32>
        %squeeze3A_393 = vector.extract %slice3A_392[0] : f32 from vector<1xf32>
        %broadcast_in_dim3A_394 = vector.broadcast %squeeze3A_393 : f32 to vector<16xf32>
        %swap3A_395 = arith.index_cast %add3A_371 : i32 to index
        %swap3A_396 = arith.constant 32 : index
        %swap3A_397 = tpu.vector_load %arg17[%swap3A_395, %swap3A_396] {strides = array<i32>} : memref<200x128xf32, #tpu.memory_space<vmem>>, vector<1x16xf32>,
        %swap3A_398 = vector.shape_cast %swap3A_397 : vector<1x16xf32> to vector<16xf32>
        %swap3A_399 = vector.shape_cast %broadcast_in_dim3A_394 : vector<16xf32> to vector<1x16xf32>
        tpu.vector_store %arg17[%swap3A_395, %swap3A_396], %swap3A_399 {strides = array<i32>} : memref<200x128xf32, #tpu.memory_space<vmem>>, vector<1x16xf32>,
        %add3A_400 = arith.constant 7 : i32
        %add3A_401 = arith.addi %min3A_187, %add3A_400 : i32
        %slice3A_402 = vector.extract_strided_slice %get3A_189 {offsets = [7], sizes = [1], strides = [1]} : vector<16xi32> to vector<1xi32>
        %squeeze3A_403 = vector.extract %slice3A_402[0] : i32 from vector<1xi32>
        %get3A_404 = arith.index_cast %squeeze3A_403 : i32 to index
        %get3A_405 = arith.constant 0 : index
        %get3A_406 = tpu.vector_load %arg18[%get3A_404, %get3A_405] {strides = array<i32>} : memref<64x32xf32, #tpu.memory_space<vmem>>, vector<1x16xf32>,
        %get3A_407 = vector.shape_cast %get3A_406 : vector<1x16xf32> to vector<16xf32>
        %swap3A_408 = arith.index_cast %add3A_401 : i32 to index
        %swap3A_409 = arith.constant 0 : index
        %swap3A_410 = tpu.vector_load %arg17[%swap3A_408, %swap3A_409] {strides = array<i32>} : memref<200x128xf32, #tpu.memory_space<vmem>>, vector<1x16xf32>,
        %swap3A_411 = vector.shape_cast %swap3A_410 : vector<1x16xf32> to vector<16xf32>
        %swap3A_412 = vector.shape_cast %get3A_407 : vector<16xf32> to vector<1x16xf32>
        tpu.vector_store %arg17[%swap3A_408, %swap3A_409], %swap3A_412 {strides = array<i32>} : memref<200x128xf32, #tpu.memory_space<vmem>>, vector<1x16xf32>,
        %get3A_413 = arith.index_cast %squeeze3A_403 : i32 to index
        %get3A_414 = arith.constant 16 : index
        %get3A_415 = tpu.vector_load %arg18[%get3A_413, %get3A_414] {strides = array<i32>} : memref<64x32xf32, #tpu.memory_space<vmem>>, vector<1x16xf32>,
        %get3A_416 = vector.shape_cast %get3A_415 : vector<1x16xf32> to vector<16xf32>
        %swap3A_417 = arith.index_cast %add3A_401 : i32 to index
        %swap3A_418 = arith.constant 16 : index
        %swap3A_419 = tpu.vector_load %arg17[%swap3A_417, %swap3A_418] {strides = array<i32>} : memref<200x128xf32, #tpu.memory_space<vmem>>, vector<1x16xf32>,
        %swap3A_420 = vector.shape_cast %swap3A_419 : vector<1x16xf32> to vector<16xf32>
        %swap3A_421 = vector.shape_cast %get3A_416 : vector<16xf32> to vector<1x16xf32>
        tpu.vector_store %arg17[%swap3A_417, %swap3A_418], %swap3A_421 {strides = array<i32>} : memref<200x128xf32, #tpu.memory_space<vmem>>, vector<1x16xf32>,
        %slice3A_422 = vector.extract_strided_slice %convert_element_type3A_193 {offsets = [7], sizes = [1], strides = [1]} : vector<16xf32> to vector<1xf32>
        %squeeze3A_423 = vector.extract %slice3A_422[0] : f32 from vector<1xf32>
        %broadcast_in_dim3A_424 = vector.broadcast %squeeze3A_423 : f32 to vector<16xf32>
        %swap3A_425 = arith.index_cast %add3A_401 : i32 to index
        %swap3A_426 = arith.constant 32 : index
        %swap3A_427 = tpu.vector_load %arg17[%swap3A_425, %swap3A_426] {strides = array<i32>} : memref<200x128xf32, #tpu.memory_space<vmem>>, vector<1x16xf32>,
        %swap3A_428 = vector.shape_cast %swap3A_427 : vector<1x16xf32> to vector<16xf32>
        %swap3A_429 = vector.shape_cast %broadcast_in_dim3A_424 : vector<16xf32> to vector<1x16xf32>
        tpu.vector_store %arg17[%swap3A_425, %swap3A_426], %swap3A_429 {strides = array<i32>} : memref<200x128xf32, #tpu.memory_space<vmem>>, vector<1x16xf32>,
        %add3A_430 = arith.constant 8 : i32
        %add3A_431 = arith.addi %min3A_187, %add3A_430 : i32
        %slice3A_432 = vector.extract_strided_slice %get3A_189 {offsets = [8], sizes = [1], strides = [1]} : vector<16xi32> to vector<1xi32>
        %squeeze3A_433 = vector.extract %slice3A_432[0] : i32 from vector<1xi32>
        %get3A_434 = arith.index_cast %squeeze3A_433 : i32 to index
        %get3A_435 = arith.constant 0 : index
        %get3A_436 = tpu.vector_load %arg18[%get3A_434, %get3A_435] {strides = array<i32>} : memref<64x32xf32, #tpu.memory_space<vmem>>, vector<1x16xf32>,
        %get3A_437 = vector.shape_cast %get3A_436 : vector<1x16xf32> to vector<16xf32>
        %swap3A_438 = arith.index_cast %add3A_431 : i32 to index
        %swap3A_439 = arith.constant 0 : index
        %swap3A_440 = tpu.vector_load %arg17[%swap3A_438, %swap3A_439] {strides = array<i32>} : memref<200x128xf32, #tpu.memory_space<vmem>>, vector<1x16xf32>,
        %swap3A_441 = vector.shape_cast %swap3A_440 : vector<1x16xf32> to vector<16xf32>
        %swap3A_442 = vector.shape_cast %get3A_437 : vector<16xf32> to vector<1x16xf32>
        tpu.vector_store %arg17[%swap3A_438, %swap3A_439], %swap3A_442 {strides = array<i32>} : memref<200x128xf32, #tpu.memory_space<vmem>>, vector<1x16xf32>,
        %get3A_443 = arith.index_cast %squeeze3A_433 : i32 to index
        %get3A_444 = arith.constant 16 : index
        %get3A_445 = tpu.vector_load %arg18[%get3A_443, %get3A_444] {strides = array<i32>} : memref<64x32xf32, #tpu.memory_space<vmem>>, vector<1x16xf32>,
        %get3A_446 = vector.shape_cast %get3A_445 : vector<1x16xf32> to vector<16xf32>
        %swap3A_447 = arith.index_cast %add3A_431 : i32 to index
        %swap3A_448 = arith.constant 16 : index
        %swap3A_449 = tpu.vector_load %arg17[%swap3A_447, %swap3A_448] {strides = array<i32>} : memref<200x128xf32, #tpu.memory_space<vmem>>, vector<1x16xf32>,
        %swap3A_450 = vector.shape_cast %swap3A_449 : vector<1x16xf32> to vector<16xf32>
        %swap3A_451 = vector.shape_cast %get3A_446 : vector<16xf32> to vector<1x16xf32>
        tpu.vector_store %arg17[%swap3A_447, %swap3A_448], %swap3A_451 {strides = array<i32>} : memref<200x128xf32, #tpu.memory_space<vmem>>, vector<1x16xf32>,
        %slice3A_452 = vector.extract_strided_slice %convert_element_type3A_193 {offsets = [8], sizes = [1], strides = [1]} : vector<16xf32> to vector<1xf32>
        %squeeze3A_453 = vector.extract %slice3A_452[0] : f32 from vector<1xf32>
        %broadcast_in_dim3A_454 = vector.broadcast %squeeze3A_453 : f32 to vector<16xf32>
        %swap3A_455 = arith.index_cast %add3A_431 : i32 to index
        %swap3A_456 = arith.constant 32 : index
        %swap3A_457 = tpu.vector_load %arg17[%swap3A_455, %swap3A_456] {strides = array<i32>} : memref<200x128xf32, #tpu.memory_space<vmem>>, vector<1x16xf32>,
        %swap3A_458 = vector.shape_cast %swap3A_457 : vector<1x16xf32> to vector<16xf32>
        %swap3A_459 = vector.shape_cast %broadcast_in_dim3A_454 : vector<16xf32> to vector<1x16xf32>
        tpu.vector_store %arg17[%swap3A_455, %swap3A_456], %swap3A_459 {strides = array<i32>} : memref<200x128xf32, #tpu.memory_space<vmem>>, vector<1x16xf32>,
        %add3A_460 = arith.constant 9 : i32
        %add3A_461 = arith.addi %min3A_187, %add3A_460 : i32
        %slice3A_462 = vector.extract_strided_slice %get3A_189 {offsets = [9], sizes = [1], strides = [1]} : vector<16xi32> to vector<1xi32>
        %squeeze3A_463 = vector.extract %slice3A_462[0] : i32 from vector<1xi32>
        %get3A_464 = arith.index_cast %squeeze3A_463 : i32 to index
        %get3A_465 = arith.constant 0 : index
        %get3A_466 = tpu.vector_load %arg18[%get3A_464, %get3A_465] {strides = array<i32>} : memref<64x32xf32, #tpu.memory_space<vmem>>, vector<1x16xf32>,
        %get3A_467 = vector.shape_cast %get3A_466 : vector<1x16xf32> to vector<16xf32>
        %swap3A_468 = arith.index_cast %add3A_461 : i32 to index
        %swap3A_469 = arith.constant 0 : index
        %swap3A_470 = tpu.vector_load %arg17[%swap3A_468, %swap3A_469] {strides = array<i32>} : memref<200x128xf32, #tpu.memory_space<vmem>>, vector<1x16xf32>,
        %swap3A_471 = vector.shape_cast %swap3A_470 : vector<1x16xf32> to vector<16xf32>
        %swap3A_472 = vector.shape_cast %get3A_467 : vector<16xf32> to vector<1x16xf32>
        tpu.vector_store %arg17[%swap3A_468, %swap3A_469], %swap3A_472 {strides = array<i32>} : memref<200x128xf32, #tpu.memory_space<vmem>>, vector<1x16xf32>,
        %get3A_473 = arith.index_cast %squeeze3A_463 : i32 to index
        %get3A_474 = arith.constant 16 : index
        %get3A_475 = tpu.vector_load %arg18[%get3A_473, %get3A_474] {strides = array<i32>} : memref<64x32xf32, #tpu.memory_space<vmem>>, vector<1x16xf32>,
        %get3A_476 = vector.shape_cast %get3A_475 : vector<1x16xf32> to vector<16xf32>
        %swap3A_477 = arith.index_cast %add3A_461 : i32 to index
        %swap3A_478 = arith.constant 16 : index
        %swap3A_479 = tpu.vector_load %arg17[%swap3A_477, %swap3A_478] {strides = array<i32>} : memref<200x128xf32, #tpu.memory_space<vmem>>, vector<1x16xf32>,
        %swap3A_480 = vector.shape_cast %swap3A_479 : vector<1x16xf32> to vector<16xf32>
        %swap3A_481 = vector.shape_cast %get3A_476 : vector<16xf32> to vector<1x16xf32>
        tpu.vector_store %arg17[%swap3A_477, %swap3A_478], %swap3A_481 {strides = array<i32>} : memref<200x128xf32, #tpu.memory_space<vmem>>, vector<1x16xf32>,
        %slice3A_482 = vector.extract_strided_slice %convert_element_type3A_193 {offsets = [9], sizes = [1], strides = [1]} : vector<16xf32> to vector<1xf32>
        %squeeze3A_483 = vector.extract %slice3A_482[0] : f32 from vector<1xf32>
        %broadcast_in_dim3A_484 = vector.broadcast %squeeze3A_483 : f32 to vector<16xf32>
        %swap3A_485 = arith.index_cast %add3A_461 : i32 to index
        %swap3A_486 = arith.constant 32 : index
        %swap3A_487 = tpu.vector_load %arg17[%swap3A_485, %swap3A_486] {strides = array<i32>} : memref<200x128xf32, #tpu.memory_space<vmem>>, vector<1x16xf32>,
        %swap3A_488 = vector.shape_cast %swap3A_487 : vector<1x16xf32> to vector<16xf32>
        %swap3A_489 = vector.shape_cast %broadcast_in_dim3A_484 : vector<16xf32> to vector<1x16xf32>
        tpu.vector_store %arg17[%swap3A_485, %swap3A_486], %swap3A_489 {strides = array<i32>} : memref<200x128xf32, #tpu.memory_space<vmem>>, vector<1x16xf32>,
        %add3A_490 = arith.constant 10 : i32
        %add3A_491 = arith.addi %min3A_187, %add3A_490 : i32
        %slice3A_492 = vector.extract_strided_slice %get3A_189 {offsets = [10], sizes = [1], strides = [1]} : vector<16xi32> to vector<1xi32>
        %squeeze3A_493 = vector.extract %slice3A_492[0] : i32 from vector<1xi32>
        %get3A_494 = arith.index_cast %squeeze3A_493 : i32 to index
        %get3A_495 = arith.constant 0 : index
        %get3A_496 = tpu.vector_load %arg18[%get3A_494, %get3A_495] {strides = array<i32>} : memref<64x32xf32, #tpu.memory_space<vmem>>, vector<1x16xf32>,
        %get3A_497 = vector.shape_cast %get3A_496 : vector<1x16xf32> to vector<16xf32>
        %swap3A_498 = arith.index_cast %add3A_491 : i32 to index
        %swap3A_499 = arith.constant 0 : index
        %swap3A_500 = tpu.vector_load %arg17[%swap3A_498, %swap3A_499] {strides = array<i32>} : memref<200x128xf32, #tpu.memory_space<vmem>>, vector<1x16xf32>,
        %swap3A_501 = vector.shape_cast %swap3A_500 : vector<1x16xf32> to vector<16xf32>
        %swap3A_502 = vector.shape_cast %get3A_497 : vector<16xf32> to vector<1x16xf32>
        tpu.vector_store %arg17[%swap3A_498, %swap3A_499], %swap3A_502 {strides = array<i32>} : memref<200x128xf32, #tpu.memory_space<vmem>>, vector<1x16xf32>,
        %get3A_503 = arith.index_cast %squeeze3A_493 : i32 to index
        %get3A_504 = arith.constant 16 : index
        %get3A_505 = tpu.vector_load %arg18[%get3A_503, %get3A_504] {strides = array<i32>} : memref<64x32xf32, #tpu.memory_space<vmem>>, vector<1x16xf32>,
        %get3A_506 = vector.shape_cast %get3A_505 : vector<1x16xf32> to vector<16xf32>
        %swap3A_507 = arith.index_cast %add3A_491 : i32 to index
        %swap3A_508 = arith.constant 16 : index
        %swap3A_509 = tpu.vector_load %arg17[%swap3A_507, %swap3A_508] {strides = array<i32>} : memref<200x128xf32, #tpu.memory_space<vmem>>, vector<1x16xf32>,
        %swap3A_510 = vector.shape_cast %swap3A_509 : vector<1x16xf32> to vector<16xf32>
        %swap3A_511 = vector.shape_cast %get3A_506 : vector<16xf32> to vector<1x16xf32>
        tpu.vector_store %arg17[%swap3A_507, %swap3A_508], %swap3A_511 {strides = array<i32>} : memref<200x128xf32, #tpu.memory_space<vmem>>, vector<1x16xf32>,
        %slice3A_512 = vector.extract_strided_slice %convert_element_type3A_193 {offsets = [10], sizes = [1], strides = [1]} : vector<16xf32> to vector<1xf32>
        %squeeze3A_513 = vector.extract %slice3A_512[0] : f32 from vector<1xf32>
        %broadcast_in_dim3A_514 = vector.broadcast %squeeze3A_513 : f32 to vector<16xf32>
        %swap3A_515 = arith.index_cast %add3A_491 : i32 to index
        %swap3A_516 = arith.constant 32 : index
        %swap3A_517 = tpu.vector_load %arg17[%swap3A_515, %swap3A_516] {strides = array<i32>} : memref<200x128xf32, #tpu.memory_space<vmem>>, vector<1x16xf32>,
        %swap3A_518 = vector.shape_cast %swap3A_517 : vector<1x16xf32> to vector<16xf32>
        %swap3A_519 = vector.shape_cast %broadcast_in_dim3A_514 : vector<16xf32> to vector<1x16xf32>
        tpu.vector_store %arg17[%swap3A_515, %swap3A_516], %swap3A_519 {strides = array<i32>} : memref<200x128xf32, #tpu.memory_space<vmem>>, vector<1x16xf32>,
        %add3A_520 = arith.constant 11 : i32
        %add3A_521 = arith.addi %min3A_187, %add3A_520 : i32
        %slice3A_522 = vector.extract_strided_slice %get3A_189 {offsets = [11], sizes = [1], strides = [1]} : vector<16xi32> to vector<1xi32>
        %squeeze3A_523 = vector.extract %slice3A_522[0] : i32 from vector<1xi32>
        %get3A_524 = arith.index_cast %squeeze3A_523 : i32 to index
        %get3A_525 = arith.constant 0 : index
        %get3A_526 = tpu.vector_load %arg18[%get3A_524, %get3A_525] {strides = array<i32>} : memref<64x32xf32, #tpu.memory_space<vmem>>, vector<1x16xf32>,
        %get3A_527 = vector.shape_cast %get3A_526 : vector<1x16xf32> to vector<16xf32>
        %swap3A_528 = arith.index_cast %add3A_521 : i32 to index
        %swap3A_529 = arith.constant 0 : index
        %swap3A_530 = tpu.vector_load %arg17[%swap3A_528, %swap3A_529] {strides = array<i32>} : memref<200x128xf32, #tpu.memory_space<vmem>>, vector<1x16xf32>,
        %swap3A_531 = vector.shape_cast %swap3A_530 : vector<1x16xf32> to vector<16xf32>
        %swap3A_532 = vector.shape_cast %get3A_527 : vector<16xf32> to vector<1x16xf32>
        tpu.vector_store %arg17[%swap3A_528, %swap3A_529], %swap3A_532 {strides = array<i32>} : memref<200x128xf32, #tpu.memory_space<vmem>>, vector<1x16xf32>,
        %get3A_533 = arith.index_cast %squeeze3A_523 : i32 to index
        %get3A_534 = arith.constant 16 : index
        %get3A_535 = tpu.vector_load %arg18[%get3A_533, %get3A_534] {strides = array<i32>} : memref<64x32xf32, #tpu.memory_space<vmem>>, vector<1x16xf32>,
        %get3A_536 = vector.shape_cast %get3A_535 : vector<1x16xf32> to vector<16xf32>
        %swap3A_537 = arith.index_cast %add3A_521 : i32 to index
        %swap3A_538 = arith.constant 16 : index
        %swap3A_539 = tpu.vector_load %arg17[%swap3A_537, %swap3A_538] {strides = array<i32>} : memref<200x128xf32, #tpu.memory_space<vmem>>, vector<1x16xf32>,
        %swap3A_540 = vector.shape_cast %swap3A_539 : vector<1x16xf32> to vector<16xf32>
        %swap3A_541 = vector.shape_cast %get3A_536 : vector<16xf32> to vector<1x16xf32>
        tpu.vector_store %arg17[%swap3A_537, %swap3A_538], %swap3A_541 {strides = array<i32>} : memref<200x128xf32, #tpu.memory_space<vmem>>, vector<1x16xf32>,
        %slice3A_542 = vector.extract_strided_slice %convert_element_type3A_193 {offsets = [11], sizes = [1], strides = [1]} : vector<16xf32> to vector<1xf32>
        %squeeze3A_543 = vector.extract %slice3A_542[0] : f32 from vector<1xf32>
        %broadcast_in_dim3A_544 = vector.broadcast %squeeze3A_543 : f32 to vector<16xf32>
        %swap3A_545 = arith.index_cast %add3A_521 : i32 to index
        %swap3A_546 = arith.constant 32 : index
        %swap3A_547 = tpu.vector_load %arg17[%swap3A_545, %swap3A_546] {strides = array<i32>} : memref<200x128xf32, #tpu.memory_space<vmem>>, vector<1x16xf32>,
        %swap3A_548 = vector.shape_cast %swap3A_547 : vector<1x16xf32> to vector<16xf32>
        %swap3A_549 = vector.shape_cast %broadcast_in_dim3A_544 : vector<16xf32> to vector<1x16xf32>
        tpu.vector_store %arg17[%swap3A_545, %swap3A_546], %swap3A_549 {strides = array<i32>} : memref<200x128xf32, #tpu.memory_space<vmem>>, vector<1x16xf32>,
        %add3A_550 = arith.constant 12 : i32
        %add3A_551 = arith.addi %min3A_187, %add3A_550 : i32
        %slice3A_552 = vector.extract_strided_slice %get3A_189 {offsets = [12], sizes = [1], strides = [1]} : vector<16xi32> to vector<1xi32>
        %squeeze3A_553 = vector.extract %slice3A_552[0] : i32 from vector<1xi32>
        %get3A_554 = arith.index_cast %squeeze3A_553 : i32 to index
        %get3A_555 = arith.constant 0 : index
        %get3A_556 = tpu.vector_load %arg18[%get3A_554, %get3A_555] {strides = array<i32>} : memref<64x32xf32, #tpu.memory_space<vmem>>, vector<1x16xf32>,
        %get3A_557 = vector.shape_cast %get3A_556 : vector<1x16xf32> to vector<16xf32>
        %swap3A_558 = arith.index_cast %add3A_551 : i32 to index
        %swap3A_559 = arith.constant 0 : index
        %swap3A_560 = tpu.vector_load %arg17[%swap3A_558, %swap3A_559] {strides = array<i32>} : memref<200x128xf32, #tpu.memory_space<vmem>>, vector<1x16xf32>,
        %swap3A_561 = vector.shape_cast %swap3A_560 : vector<1x16xf32> to vector<16xf32>
        %swap3A_562 = vector.shape_cast %get3A_557 : vector<16xf32> to vector<1x16xf32>
        tpu.vector_store %arg17[%swap3A_558, %swap3A_559], %swap3A_562 {strides = array<i32>} : memref<200x128xf32, #tpu.memory_space<vmem>>, vector<1x16xf32>,
        %get3A_563 = arith.index_cast %squeeze3A_553 : i32 to index
        %get3A_564 = arith.constant 16 : index
        %get3A_565 = tpu.vector_load %arg18[%get3A_563, %get3A_564] {strides = array<i32>} : memref<64x32xf32, #tpu.memory_space<vmem>>, vector<1x16xf32>,
        %get3A_566 = vector.shape_cast %get3A_565 : vector<1x16xf32> to vector<16xf32>
        %swap3A_567 = arith.index_cast %add3A_551 : i32 to index
        %swap3A_568 = arith.constant 16 : index
        %swap3A_569 = tpu.vector_load %arg17[%swap3A_567, %swap3A_568] {strides = array<i32>} : memref<200x128xf32, #tpu.memory_space<vmem>>, vector<1x16xf32>,
        %swap3A_570 = vector.shape_cast %swap3A_569 : vector<1x16xf32> to vector<16xf32>
        %swap3A_571 = vector.shape_cast %get3A_566 : vector<16xf32> to vector<1x16xf32>
        tpu.vector_store %arg17[%swap3A_567, %swap3A_568], %swap3A_571 {strides = array<i32>} : memref<200x128xf32, #tpu.memory_space<vmem>>, vector<1x16xf32>,
        %slice3A_572 = vector.extract_strided_slice %convert_element_type3A_193 {offsets = [12], sizes = [1], strides = [1]} : vector<16xf32> to vector<1xf32>
        %squeeze3A_573 = vector.extract %slice3A_572[0] : f32 from vector<1xf32>
        %broadcast_in_dim3A_574 = vector.broadcast %squeeze3A_573 : f32 to vector<16xf32>
        %swap3A_575 = arith.index_cast %add3A_551 : i32 to index
        %swap3A_576 = arith.constant 32 : index
        %swap3A_577 = tpu.vector_load %arg17[%swap3A_575, %swap3A_576] {strides = array<i32>} : memref<200x128xf32, #tpu.memory_space<vmem>>, vector<1x16xf32>,
        %swap3A_578 = vector.shape_cast %swap3A_577 : vector<1x16xf32> to vector<16xf32>
        %swap3A_579 = vector.shape_cast %broadcast_in_dim3A_574 : vector<16xf32> to vector<1x16xf32>
        tpu.vector_store %arg17[%swap3A_575, %swap3A_576], %swap3A_579 {strides = array<i32>} : memref<200x128xf32, #tpu.memory_space<vmem>>, vector<1x16xf32>,
        %add3A_580 = arith.constant 13 : i32
        %add3A_581 = arith.addi %min3A_187, %add3A_580 : i32
        %slice3A_582 = vector.extract_strided_slice %get3A_189 {offsets = [13], sizes = [1], strides = [1]} : vector<16xi32> to vector<1xi32>
        %squeeze3A_583 = vector.extract %slice3A_582[0] : i32 from vector<1xi32>
        %get3A_584 = arith.index_cast %squeeze3A_583 : i32 to index
        %get3A_585 = arith.constant 0 : index
        %get3A_586 = tpu.vector_load %arg18[%get3A_584, %get3A_585] {strides = array<i32>} : memref<64x32xf32, #tpu.memory_space<vmem>>, vector<1x16xf32>,
        %get3A_587 = vector.shape_cast %get3A_586 : vector<1x16xf32> to vector<16xf32>
        %swap3A_588 = arith.index_cast %add3A_581 : i32 to index
        %swap3A_589 = arith.constant 0 : index
        %swap3A_590 = tpu.vector_load %arg17[%swap3A_588, %swap3A_589] {strides = array<i32>} : memref<200x128xf32, #tpu.memory_space<vmem>>, vector<1x16xf32>,
        %swap3A_591 = vector.shape_cast %swap3A_590 : vector<1x16xf32> to vector<16xf32>
        %swap3A_592 = vector.shape_cast %get3A_587 : vector<16xf32> to vector<1x16xf32>
        tpu.vector_store %arg17[%swap3A_588, %swap3A_589], %swap3A_592 {strides = array<i32>} : memref<200x128xf32, #tpu.memory_space<vmem>>, vector<1x16xf32>,
        %get3A_593 = arith.index_cast %squeeze3A_583 : i32 to index
        %get3A_594 = arith.constant 16 : index
        %get3A_595 = tpu.vector_load %arg18[%get3A_593, %get3A_594] {strides = array<i32>} : memref<64x32xf32, #tpu.memory_space<vmem>>, vector<1x16xf32>,
        %get3A_596 = vector.shape_cast %get3A_595 : vector<1x16xf32> to vector<16xf32>
        %swap3A_597 = arith.index_cast %add3A_581 : i32 to index
        %swap3A_598 = arith.constant 16 : index
        %swap3A_599 = tpu.vector_load %arg17[%swap3A_597, %swap3A_598] {strides = array<i32>} : memref<200x128xf32, #tpu.memory_space<vmem>>, vector<1x16xf32>,
        %swap3A_600 = vector.shape_cast %swap3A_599 : vector<1x16xf32> to vector<16xf32>
        %swap3A_601 = vector.shape_cast %get3A_596 : vector<16xf32> to vector<1x16xf32>
        tpu.vector_store %arg17[%swap3A_597, %swap3A_598], %swap3A_601 {strides = array<i32>} : memref<200x128xf32, #tpu.memory_space<vmem>>, vector<1x16xf32>,
        %slice3A_602 = vector.extract_strided_slice %convert_element_type3A_193 {offsets = [13], sizes = [1], strides = [1]} : vector<16xf32> to vector<1xf32>
        %squeeze3A_603 = vector.extract %slice3A_602[0] : f32 from vector<1xf32>
        %broadcast_in_dim3A_604 = vector.broadcast %squeeze3A_603 : f32 to vector<16xf32>
        %swap3A_605 = arith.index_cast %add3A_581 : i32 to index
        %swap3A_606 = arith.constant 32 : index
        %swap3A_607 = tpu.vector_load %arg17[%swap3A_605, %swap3A_606] {strides = array<i32>} : memref<200x128xf32, #tpu.memory_space<vmem>>, vector<1x16xf32>,
        %swap3A_608 = vector.shape_cast %swap3A_607 : vector<1x16xf32> to vector<16xf32>
        %swap3A_609 = vector.shape_cast %broadcast_in_dim3A_604 : vector<16xf32> to vector<1x16xf32>
        tpu.vector_store %arg17[%swap3A_605, %swap3A_606], %swap3A_609 {strides = array<i32>} : memref<200x128xf32, #tpu.memory_space<vmem>>, vector<1x16xf32>,
        %add3A_610 = arith.constant 14 : i32
        %add3A_611 = arith.addi %min3A_187, %add3A_610 : i32
        %slice3A_612 = vector.extract_strided_slice %get3A_189 {offsets = [14], sizes = [1], strides = [1]} : vector<16xi32> to vector<1xi32>
        %squeeze3A_613 = vector.extract %slice3A_612[0] : i32 from vector<1xi32>
        %get3A_614 = arith.index_cast %squeeze3A_613 : i32 to index
        %get3A_615 = arith.constant 0 : index
        %get3A_616 = tpu.vector_load %arg18[%get3A_614, %get3A_615] {strides = array<i32>} : memref<64x32xf32, #tpu.memory_space<vmem>>, vector<1x16xf32>,
        %get3A_617 = vector.shape_cast %get3A_616 : vector<1x16xf32> to vector<16xf32>
        %swap3A_618 = arith.index_cast %add3A_611 : i32 to index
        %swap3A_619 = arith.constant 0 : index
        %swap3A_620 = tpu.vector_load %arg17[%swap3A_618, %swap3A_619] {strides = array<i32>} : memref<200x128xf32, #tpu.memory_space<vmem>>, vector<1x16xf32>,
        %swap3A_621 = vector.shape_cast %swap3A_620 : vector<1x16xf32> to vector<16xf32>
        %swap3A_622 = vector.shape_cast %get3A_617 : vector<16xf32> to vector<1x16xf32>
        tpu.vector_store %arg17[%swap3A_618, %swap3A_619], %swap3A_622 {strides = array<i32>} : memref<200x128xf32, #tpu.memory_space<vmem>>, vector<1x16xf32>,
        %get3A_623 = arith.index_cast %squeeze3A_613 : i32 to index
        %get3A_624 = arith.constant 16 : index
        %get3A_625 = tpu.vector_load %arg18[%get3A_623, %get3A_624] {strides = array<i32>} : memref<64x32xf32, #tpu.memory_space<vmem>>, vector<1x16xf32>,
        %get3A_626 = vector.shape_cast %get3A_625 : vector<1x16xf32> to vector<16xf32>
        %swap3A_627 = arith.index_cast %add3A_611 : i32 to index
        %swap3A_628 = arith.constant 16 : index
        %swap3A_629 = tpu.vector_load %arg17[%swap3A_627, %swap3A_628] {strides = array<i32>} : memref<200x128xf32, #tpu.memory_space<vmem>>, vector<1x16xf32>,
        %swap3A_630 = vector.shape_cast %swap3A_629 : vector<1x16xf32> to vector<16xf32>
        %swap3A_631 = vector.shape_cast %get3A_626 : vector<16xf32> to vector<1x16xf32>
        tpu.vector_store %arg17[%swap3A_627, %swap3A_628], %swap3A_631 {strides = array<i32>} : memref<200x128xf32, #tpu.memory_space<vmem>>, vector<1x16xf32>,
        %slice3A_632 = vector.extract_strided_slice %convert_element_type3A_193 {offsets = [14], sizes = [1], strides = [1]} : vector<16xf32> to vector<1xf32>
        %squeeze3A_633 = vector.extract %slice3A_632[0] : f32 from vector<1xf32>
        %broadcast_in_dim3A_634 = vector.broadcast %squeeze3A_633 : f32 to vector<16xf32>
        %swap3A_635 = arith.index_cast %add3A_611 : i32 to index
        %swap3A_636 = arith.constant 32 : index
        %swap3A_637 = tpu.vector_load %arg17[%swap3A_635, %swap3A_636] {strides = array<i32>} : memref<200x128xf32, #tpu.memory_space<vmem>>, vector<1x16xf32>,
        %swap3A_638 = vector.shape_cast %swap3A_637 : vector<1x16xf32> to vector<16xf32>
        %swap3A_639 = vector.shape_cast %broadcast_in_dim3A_634 : vector<16xf32> to vector<1x16xf32>
        tpu.vector_store %arg17[%swap3A_635, %swap3A_636], %swap3A_639 {strides = array<i32>} : memref<200x128xf32, #tpu.memory_space<vmem>>, vector<1x16xf32>,
        %add3A_640 = arith.constant 15 : i32
        %add3A_641 = arith.addi %min3A_187, %add3A_640 : i32
        %slice3A_642 = vector.extract_strided_slice %get3A_189 {offsets = [15], sizes = [1], strides = [1]} : vector<16xi32> to vector<1xi32>
        %squeeze3A_643 = vector.extract %slice3A_642[0] : i32 from vector<1xi32>
        %get3A_644 = arith.index_cast %squeeze3A_643 : i32 to index
        %get3A_645 = arith.constant 0 : index
        %get3A_646 = tpu.vector_load %arg18[%get3A_644, %get3A_645] {strides = array<i32>} : memref<64x32xf32, #tpu.memory_space<vmem>>, vector<1x16xf32>,
        %get3A_647 = vector.shape_cast %get3A_646 : vector<1x16xf32> to vector<16xf32>
        %swap3A_648 = arith.index_cast %add3A_641 : i32 to index
        %swap3A_649 = arith.constant 0 : index
        %swap3A_650 = tpu.vector_load %arg17[%swap3A_648, %swap3A_649] {strides = array<i32>} : memref<200x128xf32, #tpu.memory_space<vmem>>, vector<1x16xf32>,
        %swap3A_651 = vector.shape_cast %swap3A_650 : vector<1x16xf32> to vector<16xf32>
        %swap3A_652 = vector.shape_cast %get3A_647 : vector<16xf32> to vector<1x16xf32>
        tpu.vector_store %arg17[%swap3A_648, %swap3A_649], %swap3A_652 {strides = array<i32>} : memref<200x128xf32, #tpu.memory_space<vmem>>, vector<1x16xf32>,
        %get3A_653 = arith.index_cast %squeeze3A_643 : i32 to index
        %get3A_654 = arith.constant 16 : index
        %get3A_655 = tpu.vector_load %arg18[%get3A_653, %get3A_654] {strides = array<i32>} : memref<64x32xf32, #tpu.memory_space<vmem>>, vector<1x16xf32>,
        %get3A_656 = vector.shape_cast %get3A_655 : vector<1x16xf32> to vector<16xf32>
        %swap3A_657 = arith.index_cast %add3A_641 : i32 to index
        %swap3A_658 = arith.constant 16 : index
        %swap3A_659 = tpu.vector_load %arg17[%swap3A_657, %swap3A_658] {strides = array<i32>} : memref<200x128xf32, #tpu.memory_space<vmem>>, vector<1x16xf32>,
        %swap3A_660 = vector.shape_cast %swap3A_659 : vector<1x16xf32> to vector<16xf32>
        %swap3A_661 = vector.shape_cast %get3A_656 : vector<16xf32> to vector<1x16xf32>
        tpu.vector_store %arg17[%swap3A_657, %swap3A_658], %swap3A_661 {strides = array<i32>} : memref<200x128xf32, #tpu.memory_space<vmem>>, vector<1x16xf32>,
        %slice3A_662 = vector.extract_strided_slice %convert_element_type3A_193 {offsets = [15], sizes = [1], strides = [1]} : vector<16xf32> to vector<1xf32>
        %squeeze3A_663 = vector.extract %slice3A_662[0] : f32 from vector<1xf32>
        %broadcast_in_dim3A_664 = vector.broadcast %squeeze3A_663 : f32 to vector<16xf32>
        %swap3A_665 = arith.index_cast %add3A_641 : i32 to index
        %swap3A_666 = arith.constant 32 : index
        %swap3A_667 = tpu.vector_load %arg17[%swap3A_665, %swap3A_666] {strides = array<i32>} : memref<200x128xf32, #tpu.memory_space<vmem>>, vector<1x16xf32>,
        %swap3A_668 = vector.shape_cast %swap3A_667 : vector<1x16xf32> to vector<16xf32>
        %swap3A_669 = vector.shape_cast %broadcast_in_dim3A_664 : vector<16xf32> to vector<1x16xf32>
        tpu.vector_store %arg17[%swap3A_665, %swap3A_666], %swap3A_669 {strides = array<i32>} : memref<200x128xf32, #tpu.memory_space<vmem>>, vector<1x16xf32>,
      }
      %scan3A_178 = arith.constant 13 : i32
      %ge3A_179 = arith.constant 1 : i32
      %ge3A_180 = arith.cmpi sge, %add3A_140, %ge3A_179 : i32
      %convert_element_type3A_181 = arith.extui %ge3A_180 : i1 to i32
      %cond3A_182 = arith.constant 0 : i32
      %cond3A_183 = arith.cmpi ne, %convert_element_type3A_181, %cond3A_182 : i32
      scf.if %cond3A_183 {
        %dma_wait3A_184 = arith.constant 0 : i32
        %dma_wait3A_185 = arith.constant 0 : i32
        %dma_wait3A_186 = tpu.memref_slice %arg14[%dma_wait3A_184, %dma_wait3A_185] : memref<200x128xf32, #tpu.memory_space<vmem>> -> memref<104x128xf32, #tpu.memory_space<vmem>>
        %dma_wait3A_187 = arith.constant 0 : i32
        %dma_wait3A_188 = tpu.memref_slice %arg8[%dma_wait3A_187] : memref<200xi32, #tpu.memory_space<vmem>> -> memref<104xi32, #tpu.memory_space<vmem>>
        %dma_wait3A_189 = arith.constant 0 : i32
        %dma_wait3A_190 = arith.constant 0 : i32
        %dma_wait3A_191 = tpu.memref_slice %arg5[%dma_wait3A_189, %dma_wait3A_190] : memref<100000x128xf32, #tpu.memory_space<hbm>> -> memref<100000x128xf32, #tpu.memory_space<hbm>>
        tpu.wait_indirect_dma semaphore(%arg21 : memref<!tpu.dma_semaphore, #tpu.memory_space<semaphore_mem>>) src(%dma_wait3A_191 : memref<100000x128xf32, #tpu.memory_space<hbm>>) dst(%dma_wait3A_186 : memref<104x128xf32, #tpu.memory_space<vmem>>)
        %dma_wait3A_192 = arith.constant 104 : i32
        %dma_wait3A_193 = arith.constant 0 : i32
        %dma_wait3A_194 = tpu.memref_slice %arg14[%dma_wait3A_192, %dma_wait3A_193] : memref<200x128xf32, #tpu.memory_space<vmem>> -> memref<96x128xf32, #tpu.memory_space<vmem>>
        %dma_wait3A_195 = arith.constant 104 : i32
        %dma_wait3A_196 = tpu.memref_slice %arg8[%dma_wait3A_195] : memref<200xi32, #tpu.memory_space<vmem>> -> memref<96xi32, #tpu.memory_space<vmem>>
        %dma_wait3A_197 = arith.constant 0 : i32
        %dma_wait3A_198 = arith.constant 0 : i32
        %dma_wait3A_199 = tpu.memref_slice %arg5[%dma_wait3A_197, %dma_wait3A_198] : memref<100000x128xf32, #tpu.memory_space<hbm>> -> memref<100000x128xf32, #tpu.memory_space<hbm>>
        tpu.wait_indirect_dma semaphore(%arg21 : memref<!tpu.dma_semaphore, #tpu.memory_space<semaphore_mem>>) src(%dma_wait3A_199 : memref<100000x128xf32, #tpu.memory_space<hbm>>) dst(%dma_wait3A_194 : memref<96x128xf32, #tpu.memory_space<vmem>>)
        %sub3A = arith.constant 1 : i32
        %sub3A_200 = arith.subi %add3A_140, %sub3A : i32
        %mul3A_201 = arith.constant 32 : i32
        %mul3A_202 = arith.muli %sub3A_200, %mul3A_201 : i32
        %add3A_203 = arith.addi %mul3A_202, %add3A : i32
        %dma_start3A_204 = arith.constant 0 : i32
        %dma_start3A_205 = arith.constant 0 : i32
        %dma_start3A_206 = tpu.memref_slice %arg7[%add3A_203, %dma_start3A_204, %dma_start3A_205] : memref<4096x200x256xf32, #tpu.memory_space<hbm>> -> memref<1x200x128xf32, #tpu.memory_space<hbm>>
        %dma_start3A_207 = tpu.memref_squeeze %dma_start3A_206 : memref<1x200x128xf32, #tpu.memory_space<hbm>> -> memref<200x128xf32, #tpu.memory_space<hbm>>
        %dma_start3A_208 = arith.constant 0 : i32
        %dma_start3A_209 = arith.constant 0 : i32
        %dma_start3A_210 = tpu.memref_slice %arg7[%add3A_203, %dma_start3A_208, %dma_start3A_209] : memref<4096x200x256xf32, #tpu.memory_space<hbm>> -> memref<1x200x128xf32, #tpu.memory_space<hbm>>
        %dma_start3A_211 = tpu.memref_squeeze %dma_start3A_210 : memref<1x200x128xf32, #tpu.memory_space<hbm>> -> memref<200x128xf32, #tpu.memory_space<hbm>>
        tpu.enqueue_dma source(%arg14 : memref<200x128xf32, #tpu.memory_space<vmem>>) target(%dma_start3A_211 : memref<200x128xf32, #tpu.memory_space<hbm>>) target_semaphore(%arg23 : memref<!tpu.dma_semaphore, #tpu.memory_space<semaphore_mem>>)
        %dma_start3A_212 = arith.constant 0 : i32
        %dma_start3A_213 = arith.constant 128 : i32
        %dma_start3A_214 = tpu.memref_slice %arg7[%add3A_203, %dma_start3A_212, %dma_start3A_213] : memref<4096x200x256xf32, #tpu.memory_space<hbm>> -> memref<1x200x128xf32, #tpu.memory_space<hbm>>
        %dma_start3A_215 = tpu.memref_squeeze %dma_start3A_214 : memref<1x200x128xf32, #tpu.memory_space<hbm>> -> memref<200x128xf32, #tpu.memory_space<hbm>>
        %dma_start3A_216 = arith.constant 0 : i32
        %dma_start3A_217 = arith.constant 128 : i32
        %dma_start3A_218 = tpu.memref_slice %arg7[%add3A_203, %dma_start3A_216, %dma_start3A_217] : memref<4096x200x256xf32, #tpu.memory_space<hbm>> -> memref<1x200x128xf32, #tpu.memory_space<hbm>>
        %dma_start3A_219 = tpu.memref_squeeze %dma_start3A_218 : memref<1x200x128xf32, #tpu.memory_space<hbm>> -> memref<200x128xf32, #tpu.memory_space<hbm>>
        tpu.enqueue_dma source(%arg16 : memref<200x128xf32, #tpu.memory_space<vmem>>) target(%dma_start3A_219 : memref<200x128xf32, #tpu.memory_space<hbm>>) target_semaphore(%arg23 : memref<!tpu.dma_semaphore, #tpu.memory_space<semaphore_mem>>)
        %add3A_220 = arith.constant 1 : i32
        %add3A_221 = arith.addi %add3A_140, %add3A_220 : i32
        %lt3A = arith.constant 128 : i32
        %lt3A_222 = arith.cmpi slt, %add3A_221, %lt3A : i32
        %convert_element_type3A_223 = arith.extui %lt3A_222 : i1 to i32
        %cond3A_224 = arith.constant 0 : i32
        %cond3A_225 = arith.cmpi ne, %convert_element_type3A_223, %cond3A_224 : i32
        scf.if %cond3A_225 {
          %add3A_226 = arith.constant 1 : i32
          %add3A_227 = arith.addi %add3A_140, %add3A_226 : i32
          %mul3A_228 = arith.constant 32 : i32
          %mul3A_229 = arith.muli %add3A_227, %mul3A_228 : i32
          %add3A_230 = arith.addi %mul3A_229, %add3A : i32
          %mul3A_231 = arith.constant 200 : i32
          %mul3A_232 = arith.muli %add3A_230, %mul3A_231 : i32
          %dma_start3A_233 = tpu.memref_slice %arg2[%mul3A_232] : memref<819200xi32, #tpu.memory_space<hbm>> -> memref<200xi32, #tpu.memory_space<hbm>>
          %dma_start3A_234 = tpu.memref_slice %arg2[%mul3A_232] : memref<819200xi32, #tpu.memory_space<hbm>> -> memref<200xi32, #tpu.memory_space<hbm>>
          tpu.enqueue_dma source(%dma_start3A_234 : memref<200xi32, #tpu.memory_space<hbm>>) target(%arg8 : memref<200xi32, #tpu.memory_space<vmem>>) target_semaphore(%arg19 : memref<!tpu.dma_semaphore, #tpu.memory_space<semaphore_mem>>)
          %dma_start3A_235 = tpu.memref_slice %arg3[%mul3A_232] : memref<819200xi32, #tpu.memory_space<hbm>> -> memref<200xi32, #tpu.memory_space<hbm>>
          %dma_start3A_236 = tpu.memref_slice %arg3[%mul3A_232] : memref<819200xi32, #tpu.memory_space<hbm>> -> memref<200xi32, #tpu.memory_space<hbm>>
          tpu.enqueue_dma source(%dma_start3A_236 : memref<200xi32, #tpu.memory_space<hbm>>) target(%arg10 : memref<200xi32, #tpu.memory_space<vmem>>) target_semaphore(%arg19 : memref<!tpu.dma_semaphore, #tpu.memory_space<semaphore_mem>>)
          %dma_start3A_237 = tpu.memref_slice %arg4[%mul3A_232] : memref<819200xi32, #tpu.memory_space<hbm>> -> memref<200xi32, #tpu.memory_space<hbm>>
          %dma_start3A_238 = tpu.memref_slice %arg4[%mul3A_232] : memref<819200xi32, #tpu.memory_space<hbm>> -> memref<200xi32, #tpu.memory_space<hbm>>
          tpu.enqueue_dma source(%dma_start3A_238 : memref<200xi32, #tpu.memory_space<hbm>>) target(%arg12 : memref<200xi32, #tpu.memory_space<vmem>>) target_semaphore(%arg19 : memref<!tpu.dma_semaphore, #tpu.memory_space<semaphore_mem>>)
        } else {
        }
      } else {
      }
    }
    %scan3A_24 = arith.constant 64 : i32
    %dma_wait3A = arith.constant 0 : i32
    %dma_wait3A_25 = arith.constant 0 : i32
    %dma_wait3A_26 = tpu.memref_slice %arg15[%dma_wait3A, %dma_wait3A_25] : memref<200x128xf32, #tpu.memory_space<vmem>> -> memref<104x128xf32, #tpu.memory_space<vmem>>
    %dma_wait3A_27 = arith.constant 0 : i32
    %dma_wait3A_28 = tpu.memref_slice %arg9[%dma_wait3A_27] : memref<200xi32, #tpu.memory_space<vmem>> -> memref<104xi32, #tpu.memory_space<vmem>>
    %dma_wait3A_29 = arith.constant 0 : i32
    %dma_wait3A_30 = arith.constant 0 : i32
    %dma_wait3A_31 = tpu.memref_slice %arg5[%dma_wait3A_29, %dma_wait3A_30] : memref<100000x128xf32, #tpu.memory_space<hbm>> -> memref<100000x128xf32, #tpu.memory_space<hbm>>
    tpu.wait_indirect_dma semaphore(%arg22 : memref<!tpu.dma_semaphore, #tpu.memory_space<semaphore_mem>>) src(%dma_wait3A_31 : memref<100000x128xf32, #tpu.memory_space<hbm>>) dst(%dma_wait3A_26 : memref<104x128xf32, #tpu.memory_space<vmem>>)
    %dma_wait3A_32 = arith.constant 104 : i32
    %dma_wait3A_33 = arith.constant 0 : i32
    %dma_wait3A_34 = tpu.memref_slice %arg15[%dma_wait3A_32, %dma_wait3A_33] : memref<200x128xf32, #tpu.memory_space<vmem>> -> memref<96x128xf32, #tpu.memory_space<vmem>>
    %dma_wait3A_35 = arith.constant 104 : i32
    %dma_wait3A_36 = tpu.memref_slice %arg9[%dma_wait3A_35] : memref<200xi32, #tpu.memory_space<vmem>> -> memref<96xi32, #tpu.memory_space<vmem>>
    %dma_wait3A_37 = arith.constant 0 : i32
    %dma_wait3A_38 = arith.constant 0 : i32
    %dma_wait3A_39 = tpu.memref_slice %arg5[%dma_wait3A_37, %dma_wait3A_38] : memref<100000x128xf32, #tpu.memory_space<hbm>> -> memref<100000x128xf32, #tpu.memory_space<hbm>>
    tpu.wait_indirect_dma semaphore(%arg22 : memref<!tpu.dma_semaphore, #tpu.memory_space<semaphore_mem>>) src(%dma_wait3A_39 : memref<100000x128xf32, #tpu.memory_space<hbm>>) dst(%dma_wait3A_34 : memref<96x128xf32, #tpu.memory_space<vmem>>)
    %add3A_40 = arith.constant 4064 : i32
    %add3A_41 = arith.addi %add3A_40, %add3A : i32
    %dma_start3A_42 = arith.constant 0 : i32
    %dma_start3A_43 = arith.constant 0 : i32
    %dma_start3A_44 = tpu.memref_slice %arg7[%add3A_41, %dma_start3A_42, %dma_start3A_43] : memref<4096x200x256xf32, #tpu.memory_space<hbm>> -> memref<1x200x128xf32, #tpu.memory_space<hbm>>
    %dma_start3A_45 = tpu.memref_squeeze %dma_start3A_44 : memref<1x200x128xf32, #tpu.memory_space<hbm>> -> memref<200x128xf32, #tpu.memory_space<hbm>>
    %dma_start3A_46 = arith.constant 0 : i32
    %dma_start3A_47 = arith.constant 0 : i32
    %dma_start3A_48 = tpu.memref_slice %arg7[%add3A_41, %dma_start3A_46, %dma_start3A_47] : memref<4096x200x256xf32, #tpu.memory_space<hbm>> -> memref<1x200x128xf32, #tpu.memory_space<hbm>>
    %dma_start3A_49 = tpu.memref_squeeze %dma_start3A_48 : memref<1x200x128xf32, #tpu.memory_space<hbm>> -> memref<200x128xf32, #tpu.memory_space<hbm>>
    tpu.enqueue_dma source(%arg15 : memref<200x128xf32, #tpu.memory_space<vmem>>) target(%dma_start3A_49 : memref<200x128xf32, #tpu.memory_space<hbm>>) target_semaphore(%arg24 : memref<!tpu.dma_semaphore, #tpu.memory_space<semaphore_mem>>)
    %dma_start3A_50 = arith.constant 0 : i32
    %dma_start3A_51 = arith.constant 128 : i32
    %dma_start3A_52 = tpu.memref_slice %arg7[%add3A_41, %dma_start3A_50, %dma_start3A_51] : memref<4096x200x256xf32, #tpu.memory_space<hbm>> -> memref<1x200x128xf32, #tpu.memory_space<hbm>>
    %dma_start3A_53 = tpu.memref_squeeze %dma_start3A_52 : memref<1x200x128xf32, #tpu.memory_space<hbm>> -> memref<200x128xf32, #tpu.memory_space<hbm>>
    %dma_start3A_54 = arith.constant 0 : i32
    %dma_start3A_55 = arith.constant 128 : i32
    %dma_start3A_56 = tpu.memref_slice %arg7[%add3A_41, %dma_start3A_54, %dma_start3A_55] : memref<4096x200x256xf32, #tpu.memory_space<hbm>> -> memref<1x200x128xf32, #tpu.memory_space<hbm>>
    %dma_start3A_57 = tpu.memref_squeeze %dma_start3A_56 : memref<1x200x128xf32, #tpu.memory_space<hbm>> -> memref<200x128xf32, #tpu.memory_space<hbm>>
    tpu.enqueue_dma source(%arg17 : memref<200x128xf32, #tpu.memory_space<vmem>>) target(%dma_start3A_57 : memref<200x128xf32, #tpu.memory_space<hbm>>) target_semaphore(%arg24 : memref<!tpu.dma_semaphore, #tpu.memory_space<semaphore_mem>>)
    %add3A_58 = arith.constant 4032 : i32
    %add3A_59 = arith.addi %add3A_58, %add3A : i32
    %dma_wait3A_60 = arith.constant 0 : i32
    %dma_wait3A_61 = arith.constant 0 : i32
    %dma_wait3A_62 = tpu.memref_slice %arg7[%add3A_59, %dma_wait3A_60, %dma_wait3A_61] : memref<4096x200x256xf32, #tpu.memory_space<hbm>> -> memref<1x200x128xf32, #tpu.memory_space<hbm>>
    %dma_wait3A_63 = tpu.memref_squeeze %dma_wait3A_62 : memref<1x200x128xf32, #tpu.memory_space<hbm>> -> memref<200x128xf32, #tpu.memory_space<hbm>>
    %dma_wait3A_64 = arith.constant 0 : i32
    %dma_wait3A_65 = arith.constant 0 : i32
    %dma_wait3A_66 = tpu.memref_slice %arg7[%add3A_59, %dma_wait3A_64, %dma_wait3A_65] : memref<4096x200x256xf32, #tpu.memory_space<hbm>> -> memref<1x200x128xf32, #tpu.memory_space<hbm>>
    %dma_wait3A_67 = tpu.memref_squeeze %dma_wait3A_66 : memref<1x200x128xf32, #tpu.memory_space<hbm>> -> memref<200x128xf32, #tpu.memory_space<hbm>>
    tpu.wait_dma2 semaphore(%arg23 : memref<!tpu.dma_semaphore, #tpu.memory_space<semaphore_mem>>) src(%arg14 : memref<200x128xf32, #tpu.memory_space<vmem>>) dst(%dma_wait3A_67 : memref<200x128xf32, #tpu.memory_space<hbm>>)
    %dma_wait3A_68 = arith.constant 0 : i32
    %dma_wait3A_69 = arith.constant 128 : i32
    %dma_wait3A_70 = tpu.memref_slice %arg7[%add3A_59, %dma_wait3A_68, %dma_wait3A_69] : memref<4096x200x256xf32, #tpu.memory_space<hbm>> -> memref<1x200x128xf32, #tpu.memory_space<hbm>>
    %dma_wait3A_71 = tpu.memref_squeeze %dma_wait3A_70 : memref<1x200x128xf32, #tpu.memory_space<hbm>> -> memref<200x128xf32, #tpu.memory_space<hbm>>
    %dma_wait3A_72 = arith.constant 0 : i32
    %dma_wait3A_73 = arith.constant 128 : i32
    %dma_wait3A_74 = tpu.memref_slice %arg7[%add3A_59, %dma_wait3A_72, %dma_wait3A_73] : memref<4096x200x256xf32, #tpu.memory_space<hbm>> -> memref<1x200x128xf32, #tpu.memory_space<hbm>>
    %dma_wait3A_75 = tpu.memref_squeeze %dma_wait3A_74 : memref<1x200x128xf32, #tpu.memory_space<hbm>> -> memref<200x128xf32, #tpu.memory_space<hbm>>
    tpu.wait_dma2 semaphore(%arg23 : memref<!tpu.dma_semaphore, #tpu.memory_space<semaphore_mem>>) src(%arg16 : memref<200x128xf32, #tpu.memory_space<vmem>>) dst(%dma_wait3A_75 : memref<200x128xf32, #tpu.memory_space<hbm>>)
    %add3A_76 = arith.constant 4064 : i32
    %add3A_77 = arith.addi %add3A_76, %add3A : i32
    %dma_wait3A_78 = arith.constant 0 : i32
    %dma_wait3A_79 = arith.constant 0 : i32
    %dma_wait3A_80 = tpu.memref_slice %arg7[%add3A_77, %dma_wait3A_78, %dma_wait3A_79] : memref<4096x200x256xf32, #tpu.memory_space<hbm>> -> memref<1x200x128xf32, #tpu.memory_space<hbm>>
    %dma_wait3A_81 = tpu.memref_squeeze %dma_wait3A_80 : memref<1x200x128xf32, #tpu.memory_space<hbm>> -> memref<200x128xf32, #tpu.memory_space<hbm>>
    %dma_wait3A_82 = arith.constant 0 : i32
    %dma_wait3A_83 = arith.constant 0 : i32
    %dma_wait3A_84 = tpu.memref_slice %arg7[%add3A_77, %dma_wait3A_82, %dma_wait3A_83] : memref<4096x200x256xf32, #tpu.memory_space<hbm>> -> memref<1x200x128xf32, #tpu.memory_space<hbm>>
    %dma_wait3A_85 = tpu.memref_squeeze %dma_wait3A_84 : memref<1x200x128xf32, #tpu.memory_space<hbm>> -> memref<200x128xf32, #tpu.memory_space<hbm>>
    tpu.wait_dma2 semaphore(%arg24 : memref<!tpu.dma_semaphore, #tpu.memory_space<semaphore_mem>>) src(%arg15 : memref<200x128xf32, #tpu.memory_space<vmem>>) dst(%dma_wait3A_85 : memref<200x128xf32, #tpu.memory_space<hbm>>)
    %dma_wait3A_86 = arith.constant 0 : i32
    %dma_wait3A_87 = arith.constant 128 : i32
    %dma_wait3A_88 = tpu.memref_slice %arg7[%add3A_77, %dma_wait3A_86, %dma_wait3A_87] : memref<4096x200x256xf32, #tpu.memory_space<hbm>> -> memref<1x200x128xf32, #tpu.memory_space<hbm>>
    %dma_wait3A_89 = tpu.memref_squeeze %dma_wait3A_88 : memref<1x200x128xf32, #tpu.memory_space<hbm>> -> memref<200x128xf32, #tpu.memory_space<hbm>>
    %dma_wait3A_90 = arith.constant 0 : i32
    %dma_wait3A_91 = arith.constant 128 : i32
    %dma_wait3A_92 = tpu.memref_slice %arg7[%add3A_77, %dma_wait3A_90, %dma_wait3A_91] : memref<4096x200x256xf32, #tpu.memory_space<hbm>> -> memref<1x200x128xf32, #tpu.memory_space<hbm>>
    %dma_wait3A_93 = tpu.memref_squeeze %dma_wait3A_92 : memref<1x200x128xf32, #tpu.memory_space<hbm>> -> memref<200x128xf32, #tpu.memory_space<hbm>>
    tpu.wait_dma2 semaphore(%arg24 : memref<!tpu.dma_semaphore, #tpu.memory_space<semaphore_mem>>) src(%arg17 : memref<200x128xf32, #tpu.memory_space<vmem>>) dst(%dma_wait3A_93 : memref<200x128xf32, #tpu.memory_space<hbm>>)
    return
  }
}

</mosaic_0001>

<sc_bundles>
// kernel: _sc_embed.3.cloned.1.call-start
scs
__scs_entry_jumppad:
0x0: {  	(pc) =	sbr.rel $0x88, $3  }
0x1: {  	(tag) =	ssettag $0x0;
	lr =	simm.s32 $0x1  }
0x2: {  	[smem:$0x3F9C] =	sst lr;
	_ =	strace $0xD0000000  }
0x3: {  	_ = 	snop  }
0x4: {  	_ = 	snop  }
0x5: {  	_ = 	snop  }
0x6: {  	_ = 	snop  }
0x7: {  	_ = 	snop  }
__scs_overlays_trampoline_lowered:
0x8: {  	[smem:$0x3FAB] =	sst s0  }
0x9: {  	[smem:$0x3FAC] =	sst s1  }
0xa: {  	[smem:$0x3FAD] =	sst s2  }
0xb: {  	[smem:$0x3FAE] =	sst s3  }
0xc: {  	[smem:$0x3FAF] =	sst s4  }
0xd: {  	[smem:$0x3FB0] =	sst s5  }
0xe: {  	[smem:$0x3FB1] =	sst s6  }
0xf: {  	[smem:$0x3FB2] =	sst s7  }
0x10: {  	[smem:$0x3FB3] =	sst s8  }
0x11: {  	[smem:$0x3FB4] =	sst s9;
	s0 =	simm.s32 @!p0 $0x0  }
0x12: {  	s1 =	sld [smem:$0x3F9A];
	s0 =	simm.s32 @p0 $0x1  }
0x13: {  	[smem:$0x3FB5] =	sst s0;
	s0 =	simm.s32 @!p1 $0x0  }
0x14: {  	s2 =	sld [smem:$0x3F99];
	s0 =	simm.s32 @p1 $0x1  }
0x15: {  	[smem:$0x3FB6] =	sst s0;
	s0 =	simm.s32 @!p2 $0x0  }
0x16: {  	s3 =	sld [smem:$0x3FDB];
	s0 =	simm.s32 @p2 $0x1  }
0x17: {  	s4 =	simm.s32 $0x1BF5;
	[smem:$0x3FB8] =	sst s0  }
0x18: {  	s0 =	sld [smem:$0x3F9B];
	_ =	swait.ge [sflag:s4], $0x0  }
0x19: {  	s7 =	sld [smem:$0x3F9C]  }
0x1a: {  	s8 =	sadd.s32 $0xFFFFE003, lr  }
0x1b: {  	s9 =	sadd.s32 $0xFFFFFEF7, lr;
	s5 =	simm.s32 $0xFFFFFFFF;
	p2 =	slt.u32 s8, $0xFFFFF086  }
0x1c: {  	p1 =	slt.u32 s9, $0xF7A;
	s5 =	simm.s32 @!p2 $0x0  }
0x1d: {  	s5 =	simm.s32 @p1 $0x1;
	p0 =	seq.s32 s7, s2  }
0x1e: {  	s7 =	smul.u32 @!p0 $0xF7A, s2;
	p2 =	seq.s32 @!p0 s5, $0x0  }
0x1f: {  	s9 =	smul.u32 $0xF7A, s1;
	s8 =	simm.s32 @!p0 $0x1BF5;
	p2 =	por !p2, p0  }
0x20: {  	[sflag:s8] =	ssyncset.s32 @!p0 $0xFFFFF086;
	s6 =	sadd.s32 @!p0 s3, s7;
	s7 =	simm.s32 @!p0 $0x108  }
0x21: {  	s3 =	sadd.s32 s3, s9;
	s6 =	sadd.s32 @!p0 $0x88, s6;
	s7 =	simm.s32 @p2 $0x1082  }
0x22: {  	[simem:s7], [sflag:s8] =	dma.local @!p0 [hbm:s6], $0xF7A  }
0x23: {  	s9 =	sor.u32 $0xD0000000, s2;
	s6 =	simm.s32 $0x108;
	_ =	swait.ge @!p0 [sflag:s8], $0x0  }
0x24: {  	s3 =	sadd.s32 $0x88, s3;
	s6 =	simm.s32 @!p1 $0x1082;
	[sflag:s4] =	ssyncset.s32 $0xFFFFF086  }
0x25: {  	[simem:s6], [sflag:s4] =	dma.local [hbm:s3], $0xF7A  }
0x26: {  	[smem:$0x3F9C] =	sst s1;
	(tag) =	ssettag s2;
	_ =	strace s9  }
0x27: {  	s1 =	sld [smem:$0x3FAC]  }
0x28: {  	s2 =	sld [smem:$0x3FAD]  }
0x29: {  	s4 =	sld [smem:$0x3FAF]  }
0x2a: {  	p0 =	seq.s32 s5, $0x0;
	s5 =	sld [smem:$0x3FB0]  }
0x2b: {  	s6 =	sld [smem:$0x3FB1]  }
0x2c: {  	s7 =	sld [smem:$0x3FB2]  }
0x2d: {  	s3 =	simm.s32 $0x108;
	s8 =	sld [smem:$0x3FB3]  }
0x2e: {  	s3 =	simm.s32 @!p0 $0x1082;
	s9 =	sld [smem:$0x3FB4]  }
0x2f: {  	lr =	sadd.s32 s0, s3;
	s0 =	sld [smem:$0x3FAB]  }
0x30: {  	s3 =	sld [smem:$0x3FAE]  }
0x31: {  	[smem:$0x3FB7] =	sst s10  }
0x32: {  	s10 =	sld [smem:$0x3FB5];
	_ =	sdelay $0x3  }
0x33: {  	p0 =	seq.s32 s10, $0x1;
	s10 =	sld [smem:$0x3FB7];
	_ =	sdelay $0x3  }
0x34: {  	[smem:$0x3FB7] =	sst s10  }
0x35: {  	s10 =	sld [smem:$0x3FB6];
	_ =	sdelay $0x3  }
0x36: {  	p1 =	seq.s32 s10, $0x1;
	s10 =	sld [smem:$0x3FB7];
	_ =	sdelay $0x3  }
0x37: {  	[smem:$0x3FB7] =	sst s10  }
0x38: {  	s10 =	sld [smem:$0x3FB8]  }
0x39: {  	_ = 	snop;
	(pc) =	sbr.ind lr, $3  }
0x3a: {  	_ = 	snop  }
0x3b: {  	_ = 	snop  }
0x3c: {  	p2 =	seq.s32 s10, $0x1;
	s10 =	sld [smem:$0x3FB7]  }
0x3d: {  	_ =	shalt  }
0x3e: {  	_ =	shalt  }
0x3f: {  	_ =	shalt  }
0x40: {  	_ =	shalt  }
0x41: {  	_ =	shalt  }
0x42: {  	_ =	shalt  }
0x43: {  	_ =	shalt  }
0x44: {  	_ =	shalt  }
0x45: {  	_ =	shalt  }
0x46: {  	_ =	shalt  }
0x47: {  	_ =	shalt  }
0x48: {  	_ =	shalt  }
0x49: {  	_ =	shalt  }
0x4a: {  	_ =	shalt  }
0x4b: {  	_ =	shalt  }
0x4c: {  	_ =	shalt  }
0x4d: {  	_ =	shalt  }
0x4e: {  	_ =	shalt  }
0x4f: {  	_ =	shalt  }
0x50: {  	_ =	shalt  }
0x51: {  	_ =	shalt  }
0x52: {  	_ =	shalt  }
0x53: {  	_ =	shalt  }
0x54: {  	_ =	shalt  }
0x55: {  	_ =	shalt  }
0x56: {  	_ =	shalt  }
0x57: {  	_ =	shalt  }
0x58: {  	_ =	shalt  }
0x59: {  	_ =	shalt  }
0x5a: {  	_ =	shalt  }
0x5b: {  	_ =	shalt  }
0x5c: {  	_ =	shalt  }
0x5d: {  	_ =	shalt  }
0x5e: {  	_ =	shalt  }
0x5f: {  	_ =	shalt  }
0x60: {  	_ =	shalt  }
0x61: {  	_ =	shalt  }
0x62: {  	_ =	shalt  }
0x63: {  	_ =	shalt  }
0x64: {  	_ =	shalt  }
0x65: {  	_ =	shalt  }
0x66: {  	_ =	shalt  }
0x67: {  	_ =	shalt  }
0x68: {  	_ =	shalt  }
0x69: {  	_ =	shalt  }
0x6a: {  	_ =	shalt  }
0x6b: {  	_ =	shalt  }
0x6c: {  	_ =	shalt  }
0x6d: {  	_ =	shalt  }
0x6e: {  	_ =	shalt  }
0x6f: {  	_ =	shalt  }
0x70: {  	_ =	shalt  }
0x71: {  	_ =	shalt  }
0x72: {  	_ =	shalt  }
0x73: {  	_ =	shalt  }
0x74: {  	_ =	shalt  }
0x75: {  	_ =	shalt  }
0x76: {  	_ =	shalt  }
0x77: {  	_ =	shalt  }
0x78: {  	_ =	shalt  }
0x79: {  	_ =	shalt  }
0x7a: {  	_ =	shalt  }
0x7b: {  	_ =	shalt  }
0x7c: {  	_ =	shalt  }
0x7d: {  	_ =	shalt  }
0x7e: {  	_ =	shalt  }
0x7f: {  	_ =	shalt  }
0x80: {  	_ =	shalt  }
0x81: {  	_ =	shalt  }
0x82: {  	_ =	shalt  }
0x83: {  	_ =	shalt  }
0x84: {  	_ =	shalt  }
0x85: {  	_ =	shalt  }
0x86: {  	_ =	shalt  }
0x87: {  	_ =	shalt  }
.Lfunc_end0:
.L_simem_size_0:
called_computation_lowered:
.L_overlay_start_0:
0x88: {  	s2 =	sld [smem:$0x3FD9]  }
0x89: {  	s3 =	sld [smem:$0x3FFE];
	_ =	sdelay $0x1  }
0x8a: {  	s1 =	srdreg.scid  }
0x8b: {  	s0 =	sand.u32 $0x1, s1  }
0x8c: {  	s17 =	sshll.u32 s0, $0xA;
	s2 =	sadd.s32 s3, s2  }
0x8d: {  	s2 =	sadd.s32 s2, s17  }
0x8e: {  	[smem:$0x3FC3] =	sst s2  }
0x8f: {  	_ = 	snop  }
0x90: {  	s2 =	sld [smem:$0x3FC9]  }
0x91: {  	s18 =	sld [smem:$0x3FC8]  }
0x92: {  	s4 =	sld [smem:$0x3FC7]  }
0x93: {  	s5 =	sld [smem:$0x3FC6]  }
0x94: {  	s6 =	sld [smem:$0x3FD0];
	(tm) =	ssettm $0x1  }
0x95: {  	s7 =	sld [smem:$0x3FFB];
	_ =	sdelay $0x3  }
0x96: {  	_ =	strace s7  }
0x97: {  	s7 =	sld [smem:$0x3FFC];
	_ =	sdelay $0x3  }
0x98: {  	_ =	strace s7  }
0x99: {  	s7 =	sld [smem:$0x3FFD];
	_ =	sdelay $0x3  }
0x9a: {  	_ =	strace s7  }
0x9b: {  	_ =	strace $0x8FFFFFFF  }
0x9c: {  	s19 =	sld [smem:$0x3FDB];
	_ =	sdelay $0x1  }
0x9d: {  	s8 =	simm.s32 $_scs_section_size  }
0x9e: {  	s9 =	simm.s32 $_size__tile_overlayer_lowered;
	s10 =	simm.s32 $_tile_overlayer_lowered  }
0x9f: {  	s22 =	simm.s32 $0x1BFF;
	s21 =	sshll.u32 s10, $0x1;
	s7 =	sadd.s32 s8, s19  }
0xa0: {  	s11 =	simm.s32 $0x0;
	s20 =	sshll.u32 s9, $0x1;
	s9 =	sadd.s32 s21, s7  }
0xa1: {  	[timem:s11], [sflag:s22] =	dma.local [hbm:s9], s20  }
0xa2: {  	_ =	swait.ge [sflag:s22], s20  }
0xa3: {  	s8 =	ssub.s32 $0x0, s20;
	[sflag:s22] =	ssyncset.done $0x0  }
0xa4: {  	[sflag:s22] =	ssyncadd.s32 s8;
	_ =	sdelay $0x1  }
0xa5: {  	s23 =	simm.s32 $0x1B8B  }
0xa6: {  	_ =	swait.ge [sflag:s23], $0x1  }
0xa7: {  	[sflag:s23] =	ssyncset.done $0x0  }
0xa8: {  	s25 =	simm.s32 $0x1B8E;
	s24 =	sld [smem:$0x3FFE];
	[sflag:s23] =	ssyncadd.s32 $0xFFFFFFFF  }
0xa9: {  	s26 =	simm.s32 $execute0_lowered;
	[smem:$0x3FD2] =	sst s25  }
0xaa: {  	s9 =	sshll.u32 s26, $0x1;
	_ =	strace $0x80000046;
	[dreg:$0x1] =	wrdreg $0xFFFFFFFF  }
0xab: {  	s28 =	simm.s32 $_size_execute0_lowered;
	s7 =	sadd.s32 s7, s9;
	[dreg:$0x0] =	wrdreg $0x0  }
0xac: {  	s9 =	sshll.u32 s28, $0x1;
	[dreg:$0x2] =	wrdreg s7  }
0xad: {  	[dreg:$0x3] =	wrdreg s9  }
0xae: {  	[dreg:$0x4] =	wrdreg $0xC0  }
0xaf: {  	_ =	task [dreg:s11], $0x5FFFF  }
0xb0: {  	[dreg:$0x1] =	wrdreg $0xFFFFFFFF  }
0xb1: {  	[dreg:$0x0] =	wrdreg $0x60  }
0xb2: {  	[dreg:$0x2] =	wrdreg s2  }
0xb3: {  	[dreg:$0x3] =	wrdreg s18  }
0xb4: {  	[dreg:$0x4] =	wrdreg s4  }
0xb5: {  	[dreg:$0x5] =	wrdreg s5  }
0xb6: {  	[dreg:$0x6] =	wrdreg s24  }
0xb7: {  	[dreg:$0x7] =	wrdreg s6  }
0xb8: {  	[dreg:$0x8] =	wrdreg $0x9  }
0xb9: {  	_ =	task.clear_ibuf [dreg:s11], $0x9FFFF;
	_ =	strace $0x90000046  }
0xba: {  	s29 =	simm.s32 $0x9;
	_ =	strace $0x80000048  }
0xbb: {  	_ =	swait.ge [sflag:s29], $0x1  }
0xbc: {  	[sflag:s29] =	ssyncadd.s32 $0xFFFFFFFF  }
0xbd: {  	_ =	strace $0x90000048  }
0xbe: {  	_ =	sfence  }
0xbf: {  	s30 =	sld [smem:$0x0];
	_ =	sdelay $0x2  }
0xc0: {  	s31 =	sshll.u32 s1, $0xD;
	s1 =	sshrl.u32 s1, $0x2  }
0xc1: {  	s3 =	sand.u32 $0x4000, s31;
	s1 =	sadd.s32 s1, s30  }
0xc2: {  	s0 =	sor.u32 s3, s0;
	s1 =	sshll.u32 s1, $0x11  }
0xc3: {  	s0 =	sor.u32 s1, s0  }
0xc4: {  	s0 =	sadd.s32 $0x8F2B, s0  }
0xc5: {  	[sflag:s0] =	ssyncadd.remote.s32 $0x1  }
0xc6: {  	_ =	sfence.sel $0xFFFF  }
0xc7: {  	[dreg:$0x0] =	wrdreg $0xFFFFFFFF;
	(pc) =	sbr.abs _section_cstart, $3  }
0xc8: {  	[dreg:$0x1] =	wrdreg $0xFFFFFFFF  }
0xc9: {  	_ =	task.clear_ibuf [dreg:s11], $0x2FFFF;
	_ =	strace $0x9FFFFFFF  }
0xca: {  	(tm) =	ssettm $0x7FFFFFFF  }
0xcb: {  	_ =	shalt  }
tec
execute0_lowered:
.L_overlay_start_1:
0x0: {  	(tag) =	ssettag $0x1  }
0x1: {  	s0 =	rddreg [dreg:$0x0]  }
0x2: {  	s1 =	rddreg [dreg:$0x1]  }
0x3: {  	s3 =	rddreg [dreg:$0x2]  }
0x4: {  	s4 =	rddreg [dreg:$0x3]  }
0x5: {  	s2 =	rddreg [dreg:$0x4];
	s5 =	srdreg.scid  }
0x6: {  	s7 =	stileid.u32;
	s6 =	rddreg [dreg:$0x5]  }
0x7: {  	s30 =	simm.s32 $0x1;
	s31 =	simm.s32 $0x68;
	s28 =	simm.s32 $0x6A00  }
0x8: {  	s29 =	simm.s32 $0x168;
	s5 =	sand.u32 $0x1, s5;
	s8 =	sshll.u32 s7, $0x1  }
0x9: {  	s12 =	simm.s32 $0xCE00;
	s7 =	simm.s32 $0x0;
	s8 =	sor.u32 s5, s8  }
0xa: {  	s2 =	sadd.s32 $0x400, s2;
	[smem:$0x7FF] =	sst s7;
	s9 =	smul.u32 $0xC8, s8  }
0xb: {  	s5 =	ssub.s32 $0x2, s5;
	_ =	strace $0x80000047;
	s11 =	smul.u32 $0x19, s8  }
0xc: {  	s10 =	sshrl.u32 s5, $0x1;
	[dreg:$0x7] =	wrdreg s2;
	s20 =	smul.u32 $0xC800, s8  }
0xd: {  	s16 =	sor.u32 $0xFFFFFFE0, s8;
	s17 =	sor.u32 $0x40, s8;
	s15 =	ssub.s32 s5, s10  }
0xe: {  	s10 =	simm.s32 $0x3;
	s18 =	sshrl.u32 s9, $0x3;
	s19 =	sadd.s32 s0, s11  }
0xf: {  	s21 =	sadd.s32 s1, s11;
	s22 =	sadd.s32 s3, s11;
	s25 =	sshrl.u32 s20, $0x3  }
0x10: {  	s2 =	smax.u32 s15, $0x1;
	s9 =	simm.s32 $0x9E00;
	[dreg:$0x8] =	wrdreg s19  }
0x11: {  	s11 =	simm.s32 $0x800;
	s15 =	simm.s32 $0x0;
	[dreg:$0x9] =	wrdreg s21  }
0x12: {  	s5 =	sadd.s32 $0x320, s18;
	[dreg:$0xa] =	wrdreg s22;
	s18 =	sadd.s32 $0x80, s6  }
0x13: {  	[dreg:$0x10] =	wrdreg s2;
	s23 =	sadd.s32 s0, s5;
	s24 =	sadd.s32 s1, s5  }
.Ltmp0:
0x14: {  	s5 =	sadd.s32 s3, s5;
	[dreg:$0xb] =	wrdreg s23;
	(pc) =	sbr.rel .LBB2_1-.Ltmp0, $4  }
0x15: {  	s2 =	simm.s32 $0x60;
	[dreg:$0xd] =	wrdreg s5;
	s5 =	sadd.s32 s6, s25  }
0x16: {  	s22 =	simm.s32 $0x3A00;
	[dreg:$0xc] =	wrdreg s24;
	s26 =	sadd.s32 $0x18CE000, s5  }
0x17: {  	s25 =	simm.s32 $0x400;
	s5 =	sadd.s32 $0x18CE080, s5;
	[dreg:$0xe] =	wrdreg s26  }
0x18: {  	[dreg:$0xf] =	wrdreg s5;
	s26 =	simm.s32 $0x100;
	s5 =	simm.s32 $0x600  }
.LBB2_8:
0x19: {  	s13 =	simm.s32 $0x4  }
0x1a: {  	_ =	swait.ge [sflag:s13], $0x3400  }
0x1b: {  	[sflag:s13] =	ssyncset.done $0x0  }
0x1c: {  	[sflag:s13] =	ssyncadd.s32 $0xFFFFCC00  }
0x1d: {  	_ =	swait.ge [sflag:s13], $0x3000  }
0x1e: {  	[sflag:s13] =	ssyncset.done $0x0  }
0x1f: {  	s19 =	rddreg [dreg:$0xe];
	[sflag:s13] =	ssyncadd.s32 $0xFFFFD000  }
0x20: {  	[hbm4b:s19+s25] =	stream.strided.scatter [tilespmem:s28], [sflag:$0x6], $0x6400, s11, s25, $0x38;
	[tilespmem:$0x1B600] =	vst v63  }
0x21: {  	s14 =	simm.s32 $0x13200;
	s21 =	simm.s32 $0x5;
	s20 =	rddreg [dreg:$0xf]  }
0x22: {  	[hbm4b:s20+s25] =	stream.strided.scatter [tilespmem:s14], [sflag:$0x6], $0x6400, s11, s25, $0x38;
	[tilespmem:$0x1B600] =	vst v63  }
0x23: {  	_ =	swait.ge [sflag:s21], $0x6400  }
0x24: {  	[sflag:s21] =	ssyncset.done $0x0  }
0x25: {  	[sflag:s21] =	ssyncadd.s32 $0xFFFF9C00  }
0x26: {  	_ =	swait.ge [sflag:s21], $0x6400  }
0x27: {  	[sflag:s21] =	ssyncset.done $0x0  }
0x28: {  	s23 =	simm.s32 $0x6;
	[sflag:s21] =	ssyncadd.s32 $0xFFFF9C00  }
0x29: {  	_ =	swait.ge [sflag:s23], $0x6400  }
0x2a: {  	[sflag:s23] =	ssyncset.done $0x0  }
0x2b: {  	[sflag:s23] =	ssyncadd.s32 $0xFFFF9C00  }
0x2c: {  	_ =	swait.ge [sflag:s23], $0x6400  }
0x2d: {  	s15 =	rddreg [dreg:$0x11]  }
0x2e: {  	s24 =	rddreg [dreg:$0x10];
	s15 =	sadd.s32 $0x1, s15  }
0x2f: {  	p0 =	sne.s32 s15, s24  }
.Ltmp1:
0x30: {  	_ = 	snop;
	(pc) =	sbr.rel @!p0 .LBB2_9-.Ltmp1, $3  }
0x31: {  	_ =	sdelay $0x1  }
0x32: {  	[sflag:s23] =	ssyncset.done $0x0  }
0x33: {  	[sflag:s23] =	ssyncadd.s32 $0xFFFF9C00  }
.LBB2_1:
0x34: {  	[dreg:$0x11] =	wrdreg s15  }
0x35: {  	s13 =	rddreg [dreg:$0x7];
	s14 =	simm.s32 $0x19600;
	s20 =	simm.s32 $0x7  }
0x36: {  	[tilespmem:s14], [sflag:$0x7] =	stream.linear.gather [hbm4b:s13+s7], $0x2000, $0x38;
	[tilespmem:$0x1B600] =	vst v63  }
0x37: {  	_ =	swait.ge [sflag:s20], $0x2000  }
0x38: {  	[sflag:s20] =	ssyncset.done $0x0  }
0x39: {  	s21 =	rddreg [dreg:$0x8];
	[sflag:s20] =	ssyncadd.s32 $0xFFFFE000  }
0x3a: {  	[tilespmem:s7], [sflag:$0x1] =	stream.linear.gather [hbm4b:s21+s7], $0xC8, $0x38;
	[tilespmem:$0x1B600] =	vst v63  }
0x3b: {  	s24 =	simm.s32 $0x200;
	s23 =	rddreg [dreg:$0x9]  }
0x3c: {  	[tilespmem:s24], [sflag:$0x1] =	stream.linear.gather [hbm4b:s23+s7], $0xC8, $0x38;
	[tilespmem:$0x1B600] =	vst v63  }
0x3d: {  	s15 =	rddreg [dreg:$0xa]  }
0x3e: {  	[tilespmem:s25], [sflag:$0x1] =	stream.linear.gather [hbm4b:s15+s7], $0xC8, $0x38;
	[tilespmem:$0x1B600] =	vst v63  }
0x3f: {  	s19 =	rddreg [dreg:$0xb]  }
0x40: {  	[tilespmem:s26], [sflag:$0x2] =	stream.linear.gather [hbm4b:s19+s7], $0xC8, $0x38;
	[tilespmem:$0x1B600] =	vst v63  }
0x41: {  	s20 =	rddreg [dreg:$0xc];
	s21 =	simm.s32 $0x300  }
0x42: {  	[tilespmem:s21], [sflag:$0x2] =	stream.linear.gather [hbm4b:s20+s7], $0xC8, $0x38;
	[tilespmem:$0x1B600] =	vst v63  }
0x43: {  	s23 =	rddreg [dreg:$0xd];
	s24 =	simm.s32 $0x500;
	s20 =	simm.s32 $0x0  }
0x44: {  	[tilespmem:s24], [sflag:$0x2] =	stream.linear.gather [hbm4b:s23+s7], $0xC8, $0x38;
	[tilespmem:$0x1B600] =	vst v63  }
.LBB2_2:
0x45: {  	_ =	swait.ge [sflag:s30], $0xC8  }
0x46: {  	[sflag:s30] =	ssyncset.done $0x0  }
0x47: {  	[sflag:s30] =	ssyncadd.s32 $0xFFFFFF38  }
0x48: {  	_ =	swait.ge [sflag:s30], $0xC8  }
0x49: {  	[sflag:s30] =	ssyncset.done $0x0  }
0x4a: {  	[sflag:s30] =	ssyncadd.s32 $0xFFFFFF38  }
0x4b: {  	_ =	swait.ge [sflag:s30], $0xC8  }
0x4c: {  	p0 =	seq.s32 s20, $0x0;
	[sflag:s30] =	ssyncset.done $0x0  }
0x4d: {  	s13 =	simm.s32 @!p0 $0x5;
	[sflag:s30] =	ssyncadd.s32 $0xFFFFFF38  }
0x4e: {  	_ =	swait.ge @!p0 [sflag:s13], $0x6400  }
0x4f: {  	[sflag:s13] =	ssyncset.done @!p0 $0x0  }
0x50: {  	[sflag:s13] =	ssyncadd.s32 @!p0 $0xFFFF9C00  }
0x51: {  	_ =	swait.ge @!p0 [sflag:s13], $0x6400  }
0x52: {  	[sflag:s13] =	ssyncset.done @!p0 $0x0  }
0x53: {  	s14 =	simm.s32 $0x0;
	[sflag:s13] =	ssyncadd.s32 @!p0 $0xFFFF9C00  }
0x54: {  	[tilespmem:s5], [sflag:$0x3] =	stream.indirect.gather [hbm4b:s4+s31], $0x80, s14, s31, $0xb8;
	[tilespmem:$0x1B600] =	vst v63  }
0x55: {  	s13 =	smin.u32 s14, $0xB8  }
0x56: {  	[tilespmem:s22], [sflag:$0x3] =	stream.indirect.gather [hbm4b:s4+s2], $0x80, s31, s2, $0xb8;
	[tilespmem:$0x1B600] =	vst v63  }
0x57: {  	v0 =	vld [tilespmem:s13+$0x200];
	_ =	sdelay $0x4  }
0x58: {  	v0 =	vshll.u32 v0, $0x9  }
0x59: {  	v0 =	vshra.s32 v0, $0x2  }
0x5a: {  	(v2sf) =	vpush v0, $0x0;
	_ =	sdelay $0xb  }
0x5b: {  	(v2sf) =	vpush v0, $0x1;
	_ =	sdelay $0x2  }
0x5c: {  	s14 =	spop (v2sf)  }
0x5d: {  	v1 =	vld [tilespmem:s14+$0x19600]  }
0x5e: {  	v2 =	vld [tilespmem:s13+$0x400];
	_ =	sdelay $0x2  }
0x5f: {  	s13 =	sshll.u32 s13, $0x7  }
0x60: {  	[tilespmem:s13+$0xCE00] =	vst v1  }
0x61: {  	v1 =	vcvt.s32.f32 v2;
	v2 =	vld [tilespmem:s14+$0x19610];
	_ =	sdelay $0x1  }
0x62: {  	(v2sf) =	vpush v0, $0x2;
	v3 =	vbroadcast v1, $0x0;
	_ =	sdelay $0x1  }
0x63: {  	[tilespmem:s13+$0xCE20] =	vst v3  }
0x64: {  	s15 =	spop (v2sf);
	[tilespmem:s13+$0xCE10] =	vst v2  }
0x65: {  	v2 =	vld [tilespmem:s15+$0x19600];
	_ =	sdelay $0x4  }
0x66: {  	[tilespmem:s13+$0xCE80] =	vst v2  }
0x67: {  	v2 =	vld [tilespmem:s15+$0x19610];
	_ =	sdelay $0x1  }
0x68: {  	(v2sf) =	vpush v0, $0x3;
	v3 =	vbroadcast v1, $0x1;
	_ =	sdelay $0x1  }
0x69: {  	[tilespmem:s13+$0xCEA0] =	vst v3  }
0x6a: {  	s19 =	spop (v2sf);
	[tilespmem:s13+$0xCE90] =	vst v2  }
0x6b: {  	v2 =	vld [tilespmem:s19+$0x19600];
	_ =	sdelay $0x4  }
0x6c: {  	[tilespmem:s13+$0xCF00] =	vst v2  }
0x6d: {  	v2 =	vld [tilespmem:s19+$0x19610];
	_ =	sdelay $0x1  }
0x6e: {  	(v2sf) =	vpush v0, $0x4;
	v3 =	vbroadcast v1, $0x2;
	_ =	sdelay $0x1  }
0x6f: {  	[tilespmem:s13+$0xCF20] =	vst v3  }
0x70: {  	s21 =	spop (v2sf);
	[tilespmem:s13+$0xCF10] =	vst v2  }
0x71: {  	v2 =	vld [tilespmem:s21+$0x19600];
	_ =	sdelay $0x4  }
0x72: {  	[tilespmem:s13+$0xCF80] =	vst v2  }
0x73: {  	v2 =	vld [tilespmem:s21+$0x19610];
	_ =	sdelay $0x1  }
0x74: {  	(v2sf) =	vpush v0, $0x5;
	v3 =	vbroadcast v1, $0x3;
	_ =	sdelay $0x1  }
0x75: {  	[tilespmem:s13+$0xCFA0] =	vst v3  }
0x76: {  	s23 =	spop (v2sf);
	[tilespmem:s13+$0xCF90] =	vst v2  }
0x77: {  	v2 =	vld [tilespmem:s23+$0x19600];
	_ =	sdelay $0x4  }
0x78: {  	[tilespmem:s13+$0xD000] =	vst v2  }
0x79: {  	v2 =	vld [tilespmem:s23+$0x19610];
	_ =	sdelay $0x1  }
0x7a: {  	(v2sf) =	vpush v0, $0x6;
	v3 =	vbroadcast v1, $0x4;
	_ =	sdelay $0x1  }
0x7b: {  	[tilespmem:s13+$0xD020] =	vst v3  }
0x7c: {  	s24 =	spop (v2sf);
	[tilespmem:s13+$0xD010] =	vst v2  }
0x7d: {  	v2 =	vld [tilespmem:s24+$0x19600];
	_ =	sdelay $0x4  }
0x7e: {  	[tilespmem:s13+$0xD080] =	vst v2  }
0x7f: {  	v2 =	vld [tilespmem:s24+$0x19610];
	_ =	sdelay $0x1  }
0x80: {  	(v2sf) =	vpush v0, $0x7;
	v3 =	vbroadcast v1, $0x5;
	_ =	sdelay $0x1  }
0x81: {  	[tilespmem:s13+$0xD0A0] =	vst v3  }
0x82: {  	s15 =	spop (v2sf);
	[tilespmem:s13+$0xD090] =	vst v2  }
0x83: {  	v2 =	vld [tilespmem:s15+$0x19600];
	_ =	sdelay $0x4  }
0x84: {  	[tilespmem:s13+$0xD100] =	vst v2  }
0x85: {  	v2 =	vld [tilespmem:s15+$0x19610];
	_ =	sdelay $0x1  }
0x86: {  	(v2sf) =	vpush v0, $0x8;
	v3 =	vbroadcast v1, $0x6;
	_ =	sdelay $0x1  }
0x87: {  	[tilespmem:s13+$0xD120] =	vst v3  }
0x88: {  	s19 =	spop (v2sf);
	[tilespmem:s13+$0xD110] =	vst v2  }
0x89: {  	v2 =	vld [tilespmem:s19+$0x19600];
	_ =	sdelay $0x4  }
0x8a: {  	[tilespmem:s13+$0xD180] =	vst v2  }
0x8b: {  	v2 =	vld [tilespmem:s19+$0x19610];
	_ =	sdelay $0x1  }
0x8c: {  	(v2sf) =	vpush v0, $0x9;
	v3 =	vbroadcast v1, $0x7;
	_ =	sdelay $0x1  }
0x8d: {  	[tilespmem:s13+$0xD1A0] =	vst v3  }
0x8e: {  	s21 =	spop (v2sf);
	[tilespmem:s13+$0xD190] =	vst v2  }
0x8f: {  	v2 =	vld [tilespmem:s21+$0x19600];
	_ =	sdelay $0x4  }
0x90: {  	[tilespmem:s13+$0xD200] =	vst v2  }
0x91: {  	v2 =	vld [tilespmem:s21+$0x19610];
	_ =	sdelay $0x1  }
0x92: {  	(v2sf) =	vpush v0, $0xA;
	v3 =	vbroadcast v1, $0x8;
	_ =	sdelay $0x1  }
0x93: {  	[tilespmem:s13+$0xD220] =	vst v3  }
0x94: {  	s23 =	spop (v2sf);
	[tilespmem:s13+$0xD210] =	vst v2  }
0x95: {  	v2 =	vld [tilespmem:s23+$0x19600];
	_ =	sdelay $0x4  }
0x96: {  	[tilespmem:s13+$0xD280] =	vst v2  }
0x97: {  	v2 =	vld [tilespmem:s23+$0x19610];
	_ =	sdelay $0x1  }
0x98: {  	(v2sf) =	vpush v0, $0xB;
	v3 =	vbroadcast v1, $0x9;
	_ =	sdelay $0x1  }
0x99: {  	[tilespmem:s13+$0xD2A0] =	vst v3  }
0x9a: {  	s24 =	spop (v2sf);
	[tilespmem:s13+$0xD290] =	vst v2  }
0x9b: {  	v2 =	vld [tilespmem:s24+$0x19600];
	_ =	sdelay $0x4  }
0x9c: {  	[tilespmem:s13+$0xD300] =	vst v2  }
0x9d: {  	v2 =	vld [tilespmem:s24+$0x19610];
	_ =	sdelay $0x1  }
0x9e: {  	(v2sf) =	vpush v0, $0xC;
	v3 =	vbroadcast v1, $0xA;
	_ =	sdelay $0x1  }
0x9f: {  	[tilespmem:s13+$0xD320] =	vst v3  }
0xa0: {  	s15 =	spop (v2sf);
	[tilespmem:s13+$0xD310] =	vst v2  }
0xa1: {  	v2 =	vld [tilespmem:s15+$0x19600];
	_ =	sdelay $0x4  }
0xa2: {  	[tilespmem:s13+$0xD380] =	vst v2  }
0xa3: {  	v2 =	vld [tilespmem:s15+$0x19610];
	_ =	sdelay $0x1  }
0xa4: {  	(v2sf) =	vpush v0, $0xD;
	v3 =	vbroadcast v1, $0xB;
	_ =	sdelay $0x1  }
0xa5: {  	[tilespmem:s13+$0xD3A0] =	vst v3  }
0xa6: {  	s19 =	spop (v2sf);
	[tilespmem:s13+$0xD390] =	vst v2  }
0xa7: {  	v2 =	vld [tilespmem:s19+$0x19600];
	_ =	sdelay $0x4  }
0xa8: {  	[tilespmem:s13+$0xD400] =	vst v2  }
0xa9: {  	v2 =	vld [tilespmem:s19+$0x19610];
	_ =	sdelay $0x1  }
0xaa: {  	(v2sf) =	vpush v0, $0xE;
	v3 =	vbroadcast v1, $0xC;
	_ =	sdelay $0x1  }
0xab: {  	[tilespmem:s13+$0xD420] =	vst v3  }
0xac: {  	s21 =	spop (v2sf);
	[tilespmem:s13+$0xD410] =	vst v2  }
0xad: {  	v2 =	vld [tilespmem:s21+$0x19600];
	_ =	sdelay $0x4  }
0xae: {  	[tilespmem:s13+$0xD480] =	vst v2  }
0xaf: {  	v2 =	vld [tilespmem:s21+$0x19610];
	_ =	sdelay $0x1  }
0xb0: {  	(v2sf) =	vpush v0, $0xF;
	v3 =	vbroadcast v1, $0xD;
	_ =	sdelay $0x1  }
0xb1: {  	[tilespmem:s13+$0xD4A0] =	vst v3  }
0xb2: {  	s23 =	spop (v2sf);
	[tilespmem:s13+$0xD490] =	vst v2  }
0xb3: {  	v0 =	vld [tilespmem:s23+$0x19600];
	_ =	sdelay $0x4  }
0xb4: {  	[tilespmem:s13+$0xD500] =	vst v0  }
0xb5: {  	v0 =	vld [tilespmem:s23+$0x19610];
	_ =	sdelay $0x1  }
0xb6: {  	v2 =	vbroadcast v1, $0xE;
	_ =	sdelay $0x1  }
0xb7: {  	[tilespmem:s13+$0xD520] =	vst v2  }
0xb8: {  	s24 =	spop (v2sf);
	[tilespmem:s13+$0xD510] =	vst v0  }
0xb9: {  	v0 =	vld [tilespmem:s24+$0x19600];
	_ =	sdelay $0x4  }
0xba: {  	v1 =	vbroadcast v1, $0xF;
	[tilespmem:s13+$0xD580] =	vst v0  }
0xbb: {  	s21 =	sshll.u32 s20, $0x6;
	v0 =	vld [tilespmem:s24+$0x19610]  }
0xbc: {  	s14 =	simm.s32 $0x10;
	s15 =	simm.s32 $0x20;
	s23 =	sor.u32 s8, s21;
	[tilespmem:s13+$0xD5A0] =	vst v1  }
.LBB2_3:
0xbd: {  	_ =	sdelay $0x1  }
0xbe: {  	p1 =	sne.s32 s15, $0xC0  }
0xbf: {  	s19 =	smin.u32 s14, $0xB8;
	s14 =	smov.u32 s15;
	s15 =	sadd.s32 $0x10, s15;
	[tilespmem:s13+$0xD590] =	vst v0  }
0xc0: {  	v0 =	vld [tilespmem:s19+$0x200];
	_ =	sdelay $0x4  }
0xc1: {  	v0 =	vshll.u32 v0, $0x9  }
0xc2: {  	v1 =	vshra.s32 v0, $0x2  }
0xc3: {  	(v2sf) =	vpush v1, $0x0;
	_ =	sdelay $0xb  }
0xc4: {  	(v2sf) =	vpush v1, $0x1;
	_ =	sdelay $0x2  }
0xc5: {  	s24 =	spop (v2sf)  }
0xc6: {  	v0 =	vld [tilespmem:s24+$0x19600]  }
0xc7: {  	v2 =	vld [tilespmem:s19+$0x400];
	_ =	sdelay $0x2  }
0xc8: {  	s13 =	sshll.u32 s19, $0x7  }
0xc9: {  	[tilespmem:s13+$0xCE00] =	vst v0  }
0xca: {  	v0 =	vcvt.s32.f32 v2;
	v2 =	vld [tilespmem:s24+$0x19610];
	_ =	sdelay $0x1  }
0xcb: {  	v3 =	vbroadcast v0, $0x0;
	(v2sf) =	vpush v1, $0x2;
	_ =	sdelay $0x1  }
0xcc: {  	[tilespmem:s13+$0xCE20] =	vst v3  }
0xcd: {  	[tilespmem:s13+$0xCE10] =	vst v2;
	s19 =	spop (v2sf)  }
0xce: {  	v2 =	vld [tilespmem:s19+$0x19600];
	_ =	sdelay $0x4  }
0xcf: {  	[tilespmem:s13+$0xCE80] =	vst v2  }
0xd0: {  	v2 =	vld [tilespmem:s19+$0x19610];
	_ =	sdelay $0x1  }
0xd1: {  	v3 =	vbroadcast v0, $0x1;
	(v2sf) =	vpush v1, $0x3;
	_ =	sdelay $0x1  }
0xd2: {  	[tilespmem:s13+$0xCEA0] =	vst v3  }
0xd3: {  	[tilespmem:s13+$0xCE90] =	vst v2;
	s19 =	spop (v2sf)  }
0xd4: {  	v2 =	vld [tilespmem:s19+$0x19600];
	_ =	sdelay $0x4  }
0xd5: {  	[tilespmem:s13+$0xCF00] =	vst v2  }
0xd6: {  	v2 =	vld [tilespmem:s19+$0x19610];
	_ =	sdelay $0x1  }
0xd7: {  	v3 =	vbroadcast v0, $0x2;
	(v2sf) =	vpush v1, $0x4;
	_ =	sdelay $0x1  }
0xd8: {  	[tilespmem:s13+$0xCF20] =	vst v3  }
0xd9: {  	[tilespmem:s13+$0xCF10] =	vst v2;
	s19 =	spop (v2sf)  }
0xda: {  	v2 =	vld [tilespmem:s19+$0x19600];
	_ =	sdelay $0x4  }
0xdb: {  	[tilespmem:s13+$0xCF80] =	vst v2  }
0xdc: {  	v2 =	vld [tilespmem:s19+$0x19610];
	_ =	sdelay $0x1  }
0xdd: {  	v3 =	vbroadcast v0, $0x3;
	(v2sf) =	vpush v1, $0x5;
	_ =	sdelay $0x1  }
0xde: {  	[tilespmem:s13+$0xCFA0] =	vst v3  }
0xdf: {  	[tilespmem:s13+$0xCF90] =	vst v2;
	s19 =	spop (v2sf)  }
0xe0: {  	v2 =	vld [tilespmem:s19+$0x19600];
	_ =	sdelay $0x4  }
0xe1: {  	[tilespmem:s13+$0xD000] =	vst v2  }
0xe2: {  	v2 =	vld [tilespmem:s19+$0x19610];
	_ =	sdelay $0x1  }
0xe3: {  	v3 =	vbroadcast v0, $0x4;
	(v2sf) =	vpush v1, $0x6;
	_ =	sdelay $0x1  }
0xe4: {  	[tilespmem:s13+$0xD020] =	vst v3  }
0xe5: {  	[tilespmem:s13+$0xD010] =	vst v2;
	s19 =	spop (v2sf)  }
0xe6: {  	v2 =	vld [tilespmem:s19+$0x19600];
	_ =	sdelay $0x4  }
0xe7: {  	[tilespmem:s13+$0xD080] =	vst v2  }
0xe8: {  	v2 =	vld [tilespmem:s19+$0x19610];
	_ =	sdelay $0x1  }
0xe9: {  	v3 =	vbroadcast v0, $0x5;
	(v2sf) =	vpush v1, $0x7;
	_ =	sdelay $0x1  }
0xea: {  	[tilespmem:s13+$0xD0A0] =	vst v3  }
0xeb: {  	[tilespmem:s13+$0xD090] =	vst v2;
	s19 =	spop (v2sf)  }
0xec: {  	v2 =	vld [tilespmem:s19+$0x19600];
	_ =	sdelay $0x4  }
0xed: {  	[tilespmem:s13+$0xD100] =	vst v2  }
0xee: {  	v2 =	vld [tilespmem:s19+$0x19610];
	_ =	sdelay $0x1  }
0xef: {  	v3 =	vbroadcast v0, $0x6;
	(v2sf) =	vpush v1, $0x8;
	_ =	sdelay $0x1  }
0xf0: {  	[tilespmem:s13+$0xD120] =	vst v3  }
0xf1: {  	[tilespmem:s13+$0xD110] =	vst v2;
	s19 =	spop (v2sf)  }
0xf2: {  	v2 =	vld [tilespmem:s19+$0x19600];
	_ =	sdelay $0x4  }
0xf3: {  	[tilespmem:s13+$0xD180] =	vst v2;
	v2 =	vbroadcast v0, $0x7  }
0xf4: {  	v3 =	vld [tilespmem:s19+$0x19610]  }
0xf5: {  	[tilespmem:s13+$0xD1A0] =	vst v2  }
0xf6: {  	(v2sf) =	vpush v1, $0x9;
	_ =	sdelay $0x2  }
0xf7: {  	[tilespmem:s13+$0xD190] =	vst v3;
	s19 =	spop (v2sf)  }
0xf8: {  	v2 =	vld [tilespmem:s19+$0x19600];
	_ =	sdelay $0x4  }
0xf9: {  	[tilespmem:s13+$0xD200] =	vst v2;
	v2 =	vbroadcast v0, $0x8  }
0xfa: {  	v3 =	vld [tilespmem:s19+$0x19610]  }
0xfb: {  	[tilespmem:s13+$0xD220] =	vst v2  }
0xfc: {  	(v2sf) =	vpush v1, $0xA;
	_ =	sdelay $0x2  }
0xfd: {  	[tilespmem:s13+$0xD210] =	vst v3;
	s19 =	spop (v2sf)  }
0xfe: {  	v2 =	vld [tilespmem:s19+$0x19600];
	_ =	sdelay $0x4  }
0xff: {  	[tilespmem:s13+$0xD280] =	vst v2;
	v2 =	vbroadcast v0, $0x9  }
0x100: {  	v3 =	vld [tilespmem:s19+$0x19610]  }
0x101: {  	[tilespmem:s13+$0xD2A0] =	vst v2  }
0x102: {  	(v2sf) =	vpush v1, $0xB;
	_ =	sdelay $0x2  }
0x103: {  	[tilespmem:s13+$0xD290] =	vst v3;
	s19 =	spop (v2sf)  }
0x104: {  	v2 =	vld [tilespmem:s19+$0x19600];
	_ =	sdelay $0x4  }
0x105: {  	[tilespmem:s13+$0xD300] =	vst v2;
	v2 =	vbroadcast v0, $0xA  }
0x106: {  	v3 =	vld [tilespmem:s19+$0x19610]  }
0x107: {  	[tilespmem:s13+$0xD320] =	vst v2  }
0x108: {  	(v2sf) =	vpush v1, $0xC;
	_ =	sdelay $0x2  }
0x109: {  	[tilespmem:s13+$0xD310] =	vst v3;
	s19 =	spop (v2sf)  }
0x10a: {  	v2 =	vld [tilespmem:s19+$0x19600];
	_ =	sdelay $0x4  }
0x10b: {  	[tilespmem:s13+$0xD380] =	vst v2;
	v2 =	vbroadcast v0, $0xB  }
0x10c: {  	v3 =	vld [tilespmem:s19+$0x19610]  }
0x10d: {  	[tilespmem:s13+$0xD3A0] =	vst v2  }
0x10e: {  	(v2sf) =	vpush v1, $0xD;
	_ =	sdelay $0x2  }
0x10f: {  	[tilespmem:s13+$0xD390] =	vst v3;
	s19 =	spop (v2sf)  }
0x110: {  	v2 =	vld [tilespmem:s19+$0x19600];
	_ =	sdelay $0x4  }
0x111: {  	[tilespmem:s13+$0xD400] =	vst v2;
	v2 =	vbroadcast v0, $0xC  }
0x112: {  	v3 =	vld [tilespmem:s19+$0x19610]  }
0x113: {  	[tilespmem:s13+$0xD420] =	vst v2  }
0x114: {  	(v2sf) =	vpush v1, $0xE;
	_ =	sdelay $0x2  }
0x115: {  	[tilespmem:s13+$0xD410] =	vst v3;
	s19 =	spop (v2sf)  }
0x116: {  	v2 =	vld [tilespmem:s19+$0x19600];
	_ =	sdelay $0x4  }
0x117: {  	[tilespmem:s13+$0xD480] =	vst v2;
	v2 =	vbroadcast v0, $0xD  }
0x118: {  	v3 =	vld [tilespmem:s19+$0x19610]  }
0x119: {  	[tilespmem:s13+$0xD4A0] =	vst v2  }
0x11a: {  	(v2sf) =	vpush v1, $0xF;
	_ =	sdelay $0x2  }
0x11b: {  	[tilespmem:s13+$0xD490] =	vst v3;
	s19 =	spop (v2sf)  }
0x11c: {  	v1 =	vld [tilespmem:s19+$0x19600];
	_ =	sdelay $0x4  }
0x11d: {  	[tilespmem:s13+$0xD500] =	vst v1;
	v1 =	vbroadcast v0, $0xE  }
0x11e: {  	v2 =	vld [tilespmem:s19+$0x19610]  }
0x11f: {  	[tilespmem:s13+$0xD520] =	vst v1;
	_ =	sdelay $0x3  }
0x120: {  	[tilespmem:s13+$0xD510] =	vst v2;
	s19 =	spop (v2sf)  }
0x121: {  	v1 =	vld [tilespmem:s19+$0x19600];
	_ =	sdelay $0x2  }
.Ltmp2:
0x122: {  	(pc) =	sbr.rel @p1 .LBB2_3-.Ltmp2, $4  }
0x123: {  	_ = 	snop  }
0x124: {  	[tilespmem:s13+$0xD580] =	vst v1;
	v1 =	vbroadcast v0, $0xF  }
0x125: {  	v0 =	vld [tilespmem:s19+$0x19610]  }
0x126: {  	[tilespmem:s13+$0xD5A0] =	vst v1  }
0x127: {  	_ =	sdelay $0x2  }
0x128: {  	s14 =	smin.u32 s14, $0xB8;
	[tilespmem:s13+$0xD590] =	vst v0  }
0x129: {  	v0 =	vld [tilespmem:s14+$0x200];
	_ =	sdelay $0x4  }
0x12a: {  	v0 =	vshll.u32 v0, $0x9  }
0x12b: {  	v0 =	vshra.s32 v0, $0x2  }
0x12c: {  	(v2sf) =	vpush v0, $0x0;
	_ =	sdelay $0xb  }
0x12d: {  	(v2sf) =	vpush v0, $0x1;
	_ =	sdelay $0x2  }
0x12e: {  	s15 =	spop (v2sf)  }
0x12f: {  	v1 =	vld [tilespmem:s15+$0x19600]  }
0x130: {  	v2 =	vld [tilespmem:s14+$0x400];
	_ =	sdelay $0x2  }
0x131: {  	s13 =	sshll.u32 s14, $0x7  }
0x132: {  	[tilespmem:s13+$0xCE00] =	vst v1  }
0x133: {  	v1 =	vcvt.s32.f32 v2;
	v2 =	vld [tilespmem:s15+$0x19610];
	_ =	sdelay $0x1  }
0x134: {  	(v2sf) =	vpush v0, $0x2;
	v3 =	vbroadcast v1, $0x0;
	_ =	sdelay $0x1  }
0x135: {  	[tilespmem:s13+$0xCE20] =	vst v3  }
0x136: {  	s19 =	spop (v2sf);
	[tilespmem:s13+$0xCE10] =	vst v2  }
0x137: {  	v2 =	vld [tilespmem:s19+$0x19600];
	_ =	sdelay $0x4  }
0x138: {  	[tilespmem:s13+$0xCE80] =	vst v2  }
0x139: {  	v2 =	vld [tilespmem:s19+$0x19610];
	_ =	sdelay $0x1  }
0x13a: {  	(v2sf) =	vpush v0, $0x3;
	v3 =	vbroadcast v1, $0x1;
	_ =	sdelay $0x1  }
0x13b: {  	[tilespmem:s13+$0xCEA0] =	vst v3  }
0x13c: {  	s24 =	spop (v2sf);
	[tilespmem:s13+$0xCE90] =	vst v2  }
0x13d: {  	v2 =	vld [tilespmem:s24+$0x19600];
	_ =	sdelay $0x4  }
0x13e: {  	[tilespmem:s13+$0xCF00] =	vst v2  }
0x13f: {  	v2 =	vld [tilespmem:s24+$0x19610];
	_ =	sdelay $0x1  }
0x140: {  	(v2sf) =	vpush v0, $0x4;
	v3 =	vbroadcast v1, $0x2;
	_ =	sdelay $0x1  }
0x141: {  	[tilespmem:s13+$0xCF20] =	vst v3  }
0x142: {  	s15 =	spop (v2sf);
	[tilespmem:s13+$0xCF10] =	vst v2  }
0x143: {  	v2 =	vld [tilespmem:s15+$0x19600];
	_ =	sdelay $0x4  }
0x144: {  	[tilespmem:s13+$0xCF80] =	vst v2  }
0x145: {  	v2 =	vld [tilespmem:s15+$0x19610];
	_ =	sdelay $0x1  }
0x146: {  	(v2sf) =	vpush v0, $0x5;
	v3 =	vbroadcast v1, $0x3;
	_ =	sdelay $0x1  }
0x147: {  	[tilespmem:s13+$0xCFA0] =	vst v3  }
0x148: {  	s19 =	spop (v2sf);
	[tilespmem:s13+$0xCF90] =	vst v2  }
0x149: {  	v2 =	vld [tilespmem:s19+$0x19600];
	_ =	sdelay $0x4  }
0x14a: {  	[tilespmem:s13+$0xD000] =	vst v2  }
0x14b: {  	v2 =	vld [tilespmem:s19+$0x19610];
	_ =	sdelay $0x1  }
0x14c: {  	(v2sf) =	vpush v0, $0x6;
	v3 =	vbroadcast v1, $0x4;
	_ =	sdelay $0x1  }
0x14d: {  	[tilespmem:s13+$0xD020] =	vst v3  }
0x14e: {  	s24 =	spop (v2sf);
	[tilespmem:s13+$0xD010] =	vst v2  }
0x14f: {  	v2 =	vld [tilespmem:s24+$0x19600];
	_ =	sdelay $0x4  }
0x150: {  	[tilespmem:s13+$0xD080] =	vst v2  }
0x151: {  	v2 =	vld [tilespmem:s24+$0x19610];
	_ =	sdelay $0x1  }
0x152: {  	(v2sf) =	vpush v0, $0x7;
	v3 =	vbroadcast v1, $0x5;
	_ =	sdelay $0x1  }
0x153: {  	[tilespmem:s13+$0xD0A0] =	vst v3  }
0x154: {  	s15 =	spop (v2sf);
	[tilespmem:s13+$0xD090] =	vst v2  }
0x155: {  	v2 =	vld [tilespmem:s15+$0x19600];
	_ =	sdelay $0x4  }
0x156: {  	[tilespmem:s13+$0xD100] =	vst v2  }
0x157: {  	v2 =	vld [tilespmem:s15+$0x19610];
	_ =	sdelay $0x1  }
0x158: {  	(v2sf) =	vpush v0, $0x8;
	v3 =	vbroadcast v1, $0x6;
	_ =	sdelay $0x1  }
0x159: {  	[tilespmem:s13+$0xD120] =	vst v3  }
0x15a: {  	s19 =	spop (v2sf);
	[tilespmem:s13+$0xD110] =	vst v2  }
0x15b: {  	v2 =	vld [tilespmem:s19+$0x19600];
	_ =	sdelay $0x4  }
0x15c: {  	[tilespmem:s13+$0xD180] =	vst v2  }
0x15d: {  	v2 =	vld [tilespmem:s19+$0x19610];
	_ =	sdelay $0x1  }
0x15e: {  	(v2sf) =	vpush v0, $0x9;
	v3 =	vbroadcast v1, $0x7;
	_ =	sdelay $0x1  }
0x15f: {  	[tilespmem:s13+$0xD1A0] =	vst v3  }
0x160: {  	s24 =	spop (v2sf);
	[tilespmem:s13+$0xD190] =	vst v2  }
0x161: {  	v2 =	vld [tilespmem:s24+$0x19600];
	_ =	sdelay $0x4  }
0x162: {  	[tilespmem:s13+$0xD200] =	vst v2  }
0x163: {  	v2 =	vld [tilespmem:s24+$0x19610];
	_ =	sdelay $0x1  }
0x164: {  	(v2sf) =	vpush v0, $0xA;
	v3 =	vbroadcast v1, $0x8;
	_ =	sdelay $0x1  }
0x165: {  	[tilespmem:s13+$0xD220] =	vst v3  }
0x166: {  	s15 =	spop (v2sf);
	[tilespmem:s13+$0xD210] =	vst v2  }
0x167: {  	v2 =	vld [tilespmem:s15+$0x19600];
	_ =	sdelay $0x4  }
0x168: {  	[tilespmem:s13+$0xD280] =	vst v2  }
0x169: {  	v2 =	vld [tilespmem:s15+$0x19610];
	_ =	sdelay $0x1  }
0x16a: {  	(v2sf) =	vpush v0, $0xB;
	v3 =	vbroadcast v1, $0x9;
	_ =	sdelay $0x1  }
0x16b: {  	[tilespmem:s13+$0xD2A0] =	vst v3  }
0x16c: {  	s19 =	spop (v2sf);
	[tilespmem:s13+$0xD290] =	vst v2  }
0x16d: {  	v2 =	vld [tilespmem:s19+$0x19600];
	_ =	sdelay $0x4  }
0x16e: {  	[tilespmem:s13+$0xD300] =	vst v2  }
0x16f: {  	v2 =	vld [tilespmem:s19+$0x19610];
	_ =	sdelay $0x1  }
0x170: {  	(v2sf) =	vpush v0, $0xC;
	v3 =	vbroadcast v1, $0xA;
	_ =	sdelay $0x1  }
0x171: {  	[tilespmem:s13+$0xD320] =	vst v3  }
0x172: {  	s24 =	spop (v2sf);
	[tilespmem:s13+$0xD310] =	vst v2  }
0x173: {  	v2 =	vld [tilespmem:s24+$0x19600];
	_ =	sdelay $0x4  }
0x174: {  	[tilespmem:s13+$0xD380] =	vst v2  }
0x175: {  	v2 =	vld [tilespmem:s24+$0x19610];
	_ =	sdelay $0x1  }
0x176: {  	(v2sf) =	vpush v0, $0xD;
	v3 =	vbroadcast v1, $0xB;
	_ =	sdelay $0x1  }
0x177: {  	[tilespmem:s13+$0xD3A0] =	vst v3  }
0x178: {  	s15 =	spop (v2sf);
	[tilespmem:s13+$0xD390] =	vst v2  }
0x179: {  	v2 =	vld [tilespmem:s15+$0x19600];
	_ =	sdelay $0x4  }
0x17a: {  	[tilespmem:s13+$0xD400] =	vst v2  }
0x17b: {  	v2 =	vld [tilespmem:s15+$0x19610];
	_ =	sdelay $0x1  }
0x17c: {  	(v2sf) =	vpush v0, $0xE;
	v3 =	vbroadcast v1, $0xC;
	_ =	sdelay $0x1  }
0x17d: {  	[tilespmem:s13+$0xD420] =	vst v3  }
0x17e: {  	s19 =	spop (v2sf);
	[tilespmem:s13+$0xD410] =	vst v2  }
0x17f: {  	v2 =	vld [tilespmem:s19+$0x19600];
	_ =	sdelay $0x4  }
0x180: {  	[tilespmem:s13+$0xD480] =	vst v2  }
0x181: {  	v2 =	vld [tilespmem:s19+$0x19610];
	_ =	sdelay $0x1  }
0x182: {  	(v2sf) =	vpush v0, $0xF;
	v3 =	vbroadcast v1, $0xD;
	_ =	sdelay $0x1  }
0x183: {  	[tilespmem:s13+$0xD4A0] =	vst v3  }
0x184: {  	s24 =	spop (v2sf);
	[tilespmem:s13+$0xD490] =	vst v2  }
0x185: {  	v0 =	vld [tilespmem:s24+$0x19600];
	_ =	sdelay $0x4  }
0x186: {  	[tilespmem:s13+$0xD500] =	vst v0  }
0x187: {  	v0 =	vld [tilespmem:s24+$0x19610];
	_ =	sdelay $0x1  }
0x188: {  	v2 =	vbroadcast v1, $0xE;
	_ =	sdelay $0x1  }
0x189: {  	[tilespmem:s13+$0xD520] =	vst v2  }
0x18a: {  	s15 =	spop (v2sf);
	[tilespmem:s13+$0xD510] =	vst v0  }
0x18b: {  	v0 =	vld [tilespmem:s15+$0x19600];
	_ =	sdelay $0x4  }
0x18c: {  	[tilespmem:s13+$0xD580] =	vst v0  }
0x18d: {  	v0 =	vld [tilespmem:s15+$0x19610];
	_ =	sdelay $0x1  }
0x18e: {  	v1 =	vbroadcast v1, $0xF;
	_ =	sdelay $0x1  }
0x18f: {  	[tilespmem:s13+$0xD5A0] =	vst v1  }
0x190: {  	[tilespmem:s13+$0xD590] =	vst v0;
	s13 =	simm.s32 @p0 $0x2  }
0x191: {  	_ =	swait.ge @p0 [sflag:s13], $0xC8  }
0x192: {  	[sflag:s13] =	ssyncset.done @p0 $0x0  }
0x193: {  	[sflag:s13] =	ssyncadd.s32 @p0 $0xFFFFFF38  }
0x194: {  	_ =	swait.ge @p0 [sflag:s13], $0xC8  }
0x195: {  	[sflag:s13] =	ssyncset.done @p0 $0x0  }
0x196: {  	[sflag:s13] =	ssyncadd.s32 @p0 $0xFFFFFF38  }
0x197: {  	_ =	swait.ge @p0 [sflag:s13], $0xC8  }
0x198: {  	[sflag:s13] =	ssyncset.done @p0 $0x0  }
0x199: {  	[sflag:s13] =	ssyncadd.s32 @p0 $0xFFFFFF38;
	s13 =	simm.s32 @!p0 $0x4  }
0x19a: {  	s14 =	sadd.s32 @!p0 s16, s21;
	_ =	swait.ge @!p0 [sflag:s13], $0x3400  }
0x19b: {  	s14 =	smul.u32 @!p0 $0xC800, s14;
	[sflag:s13] =	ssyncset.done @!p0 $0x0  }
0x19c: {  	[sflag:s13] =	ssyncadd.s32 @!p0 $0xFFFFCC00  }
0x19d: {  	s14 =	sshrl.u32 @!p0 s14, $0x3;
	_ =	swait.ge @!p0 [sflag:s13], $0x3000  }
0x19e: {  	s19 =	simm.s32 @!p0 $0x800;
	s24 =	simm.s32 @!p0 $0x6A00;
	[sflag:s13] =	ssyncset.done @!p0 $0x0  }
0x19f: {  	s15 =	simm.s32 @!p0 $0x400;
	[sflag:s13] =	ssyncadd.s32 @!p0 $0xFFFFD000;
	s13 =	sadd.s32 @!p0 s6, s14  }
0x1a0: {  	[hbm4b:s13+s15] =	stream.strided.scatter @!p0 [tilespmem:s24], [sflag:$0x6], $0x6400, s19, s15, $0x38;
	[tilespmem:$0x1B600] =	vst v63  }
0x1a1: {  	s13 =	sadd.s32 @!p0 s14, s18;
	s14 =	simm.s32 @!p0 $0x13200;
	s24 =	smul.u32 @!p0 $0xC8, s23  }
0x1a2: {  	[hbm4b:s13+s15] =	stream.strided.scatter @!p0 [tilespmem:s14], [sflag:$0x6], $0x6400, s19, s15, $0x38;
	[tilespmem:$0x1B600] =	vst v63  }
0x1a3: {  	s13 =	sshrl.u32 @!p0 s24, $0x3  }
0x1a4: {  	s13 =	sadd.s32 @!p0 $0x320, s13  }
0x1a5: {  	s15 =	simm.s32 @!p0 $0x0;
	s19 =	simm.s32 @!p0 $0x100;
	s14 =	sadd.s32 @!p0 s0, s13  }
0x1a6: {  	[tilespmem:s19], [sflag:$0x2] =	stream.linear.gather @!p0 [hbm4b:s14+s15], $0xC8, $0x38;
	[tilespmem:$0x1B600] =	vst v63  }
0x1a7: {  	s14 =	sadd.s32 @!p0 s1, s13;
	s19 =	simm.s32 @!p0 $0x300  }
0x1a8: {  	[tilespmem:s19], [sflag:$0x2] =	stream.linear.gather @!p0 [hbm4b:s14+s15], $0xC8, $0x38;
	[tilespmem:$0x1B600] =	vst v63  }
0x1a9: {  	s13 =	sadd.s32 @!p0 s3, s13;
	s14 =	simm.s32 @!p0 $0x500  }
0x1aa: {  	[tilespmem:s14], [sflag:$0x2] =	stream.linear.gather @!p0 [hbm4b:s13+s15], $0xC8, $0x38;
	[tilespmem:$0x1B600] =	vst v63  }
0x1ab: {  	s13 =	simm.s32 @!p0 $0x2  }
0x1ac: {  	_ =	swait.ge @!p0 [sflag:s13], $0xC8  }
0x1ad: {  	[sflag:s13] =	ssyncset.done @!p0 $0x0  }
0x1ae: {  	[sflag:s13] =	ssyncadd.s32 @!p0 $0xFFFFFF38  }
0x1af: {  	_ =	swait.ge @!p0 [sflag:s13], $0xC8  }
0x1b0: {  	[sflag:s13] =	ssyncset.done @!p0 $0x0  }
0x1b1: {  	[sflag:s13] =	ssyncadd.s32 @!p0 $0xFFFFFF38  }
0x1b2: {  	_ =	swait.ge @!p0 [sflag:s13], $0xC8  }
0x1b3: {  	[sflag:s13] =	ssyncset.done @!p0 $0x0  }
0x1b4: {  	[sflag:s13] =	ssyncadd.s32 @!p0 $0xFFFFFF38;
	s13 =	simm.s32 @!p0 $0x6  }
0x1b5: {  	_ =	swait.ge @!p0 [sflag:s13], $0x6400  }
0x1b6: {  	[sflag:s13] =	ssyncset.done @!p0 $0x0  }
0x1b7: {  	[sflag:s13] =	ssyncadd.s32 @!p0 $0xFFFF9C00  }
0x1b8: {  	_ =	swait.ge @!p0 [sflag:s13], $0x6400  }
0x1b9: {  	[sflag:s13] =	ssyncset.done @!p0 $0x0  }
0x1ba: {  	s19 =	simm.s32 $0x0;
	[sflag:s13] =	ssyncadd.s32 @!p0 $0xFFFF9C00  }
0x1bb: {  	[tilespmem:s28], [sflag:$0x4] =	stream.indirect.gather [hbm4b:s4+s31], $0x80, s26, s31, $0xb8;
	[tilespmem:$0x1B600] =	vst v63  }
0x1bc: {  	s13 =	smin.u32 s19, $0xB8  }
0x1bd: {  	[tilespmem:s9], [sflag:$0x4] =	stream.indirect.gather [hbm4b:s4+s2], $0x80, s29, s2, $0xb8;
	[tilespmem:$0x1B600] =	vst v63  }
0x1be: {  	v0 =	vld [tilespmem:s13+$0x300];
	_ =	sdelay $0x4  }
0x1bf: {  	v0 =	vshll.u32 v0, $0x9  }
0x1c0: {  	v0 =	vshra.s32 v0, $0x2  }
0x1c1: {  	(v2sf) =	vpush v0, $0x0;
	_ =	sdelay $0xb  }
0x1c2: {  	(v2sf) =	vpush v0, $0x1;
	_ =	sdelay $0x2  }
0x1c3: {  	s24 =	spop (v2sf)  }
0x1c4: {  	v1 =	vld [tilespmem:s24+$0x19600]  }
0x1c5: {  	v2 =	vld [tilespmem:s13+$0x500];
	_ =	sdelay $0x2  }
0x1c6: {  	s13 =	sshll.u32 s13, $0x7  }
0x1c7: {  	[tilespmem:s13+$0x13200] =	vst v1  }
0x1c8: {  	v1 =	vcvt.s32.f32 v2;
	v2 =	vld [tilespmem:s24+$0x19610];
	_ =	sdelay $0x1  }
0x1c9: {  	(v2sf) =	vpush v0, $0x2;
	v3 =	vbroadcast v1, $0x0;
	_ =	sdelay $0x1  }
0x1ca: {  	[tilespmem:s13+$0x13220] =	vst v3  }
0x1cb: {  	s15 =	spop (v2sf);
	[tilespmem:s13+$0x13210] =	vst v2  }
0x1cc: {  	v2 =	vld [tilespmem:s15+$0x19600];
	_ =	sdelay $0x4  }
0x1cd: {  	[tilespmem:s13+$0x13280] =	vst v2  }
0x1ce: {  	v2 =	vld [tilespmem:s15+$0x19610];
	_ =	sdelay $0x1  }
0x1cf: {  	(v2sf) =	vpush v0, $0x3;
	v3 =	vbroadcast v1, $0x1;
	_ =	sdelay $0x1  }
0x1d0: {  	[tilespmem:s13+$0x132A0] =	vst v3  }
0x1d1: {  	s19 =	spop (v2sf);
	[tilespmem:s13+$0x13290] =	vst v2  }
0x1d2: {  	v2 =	vld [tilespmem:s19+$0x19600];
	_ =	sdelay $0x4  }
0x1d3: {  	[tilespmem:s13+$0x13300] =	vst v2  }
0x1d4: {  	v2 =	vld [tilespmem:s19+$0x19610];
	_ =	sdelay $0x1  }
0x1d5: {  	(v2sf) =	vpush v0, $0x4;
	v3 =	vbroadcast v1, $0x2;
	_ =	sdelay $0x1  }
0x1d6: {  	[tilespmem:s13+$0x13320] =	vst v3  }
0x1d7: {  	s24 =	spop (v2sf);
	[tilespmem:s13+$0x13310] =	vst v2  }
0x1d8: {  	v2 =	vld [tilespmem:s24+$0x19600];
	_ =	sdelay $0x4  }
0x1d9: {  	[tilespmem:s13+$0x13380] =	vst v2  }
0x1da: {  	v2 =	vld [tilespmem:s24+$0x19610];
	_ =	sdelay $0x1  }
0x1db: {  	(v2sf) =	vpush v0, $0x5;
	v3 =	vbroadcast v1, $0x3;
	_ =	sdelay $0x1  }
0x1dc: {  	[tilespmem:s13+$0x133A0] =	vst v3  }
0x1dd: {  	s15 =	spop (v2sf);
	[tilespmem:s13+$0x13390] =	vst v2  }
0x1de: {  	v2 =	vld [tilespmem:s15+$0x19600];
	_ =	sdelay $0x4  }
0x1df: {  	[tilespmem:s13+$0x13400] =	vst v2  }
0x1e0: {  	v2 =	vld [tilespmem:s15+$0x19610];
	_ =	sdelay $0x1  }
0x1e1: {  	(v2sf) =	vpush v0, $0x6;
	v3 =	vbroadcast v1, $0x4;
	_ =	sdelay $0x1  }
0x1e2: {  	[tilespmem:s13+$0x13420] =	vst v3  }
0x1e3: {  	s19 =	spop (v2sf);
	[tilespmem:s13+$0x13410] =	vst v2  }
0x1e4: {  	v2 =	vld [tilespmem:s19+$0x19600];
	_ =	sdelay $0x4  }
0x1e5: {  	[tilespmem:s13+$0x13480] =	vst v2  }
0x1e6: {  	v2 =	vld [tilespmem:s19+$0x19610];
	_ =	sdelay $0x1  }
0x1e7: {  	(v2sf) =	vpush v0, $0x7;
	v3 =	vbroadcast v1, $0x5;
	_ =	sdelay $0x1  }
0x1e8: {  	[tilespmem:s13+$0x134A0] =	vst v3  }
0x1e9: {  	s24 =	spop (v2sf);
	[tilespmem:s13+$0x13490] =	vst v2  }
0x1ea: {  	v2 =	vld [tilespmem:s24+$0x19600];
	_ =	sdelay $0x4  }
0x1eb: {  	[tilespmem:s13+$0x13500] =	vst v2  }
0x1ec: {  	v2 =	vld [tilespmem:s24+$0x19610];
	_ =	sdelay $0x1  }
0x1ed: {  	(v2sf) =	vpush v0, $0x8;
	v3 =	vbroadcast v1, $0x6;
	_ =	sdelay $0x1  }
0x1ee: {  	[tilespmem:s13+$0x13520] =	vst v3  }
0x1ef: {  	s15 =	spop (v2sf);
	[tilespmem:s13+$0x13510] =	vst v2  }
0x1f0: {  	v2 =	vld [tilespmem:s15+$0x19600];
	_ =	sdelay $0x4  }
0x1f1: {  	[tilespmem:s13+$0x13580] =	vst v2  }
0x1f2: {  	v2 =	vld [tilespmem:s15+$0x19610];
	_ =	sdelay $0x1  }
0x1f3: {  	(v2sf) =	vpush v0, $0x9;
	v3 =	vbroadcast v1, $0x7;
	_ =	sdelay $0x1  }
0x1f4: {  	[tilespmem:s13+$0x135A0] =	vst v3  }
0x1f5: {  	s19 =	spop (v2sf);
	[tilespmem:s13+$0x13590] =	vst v2  }
0x1f6: {  	v2 =	vld [tilespmem:s19+$0x19600];
	_ =	sdelay $0x4  }
0x1f7: {  	[tilespmem:s13+$0x13600] =	vst v2  }
0x1f8: {  	v2 =	vld [tilespmem:s19+$0x19610];
	_ =	sdelay $0x1  }
0x1f9: {  	(v2sf) =	vpush v0, $0xA;
	v3 =	vbroadcast v1, $0x8;
	_ =	sdelay $0x1  }
0x1fa: {  	[tilespmem:s13+$0x13620] =	vst v3  }
0x1fb: {  	s24 =	spop (v2sf);
	[tilespmem:s13+$0x13610] =	vst v2  }
0x1fc: {  	v2 =	vld [tilespmem:s24+$0x19600];
	_ =	sdelay $0x4  }
0x1fd: {  	[tilespmem:s13+$0x13680] =	vst v2  }
0x1fe: {  	v2 =	vld [tilespmem:s24+$0x19610];
	_ =	sdelay $0x1  }
0x1ff: {  	(v2sf) =	vpush v0, $0xB;
	v3 =	vbroadcast v1, $0x9;
	_ =	sdelay $0x1  }
0x200: {  	[tilespmem:s13+$0x136A0] =	vst v3  }
0x201: {  	s15 =	spop (v2sf);
	[tilespmem:s13+$0x13690] =	vst v2  }
0x202: {  	v2 =	vld [tilespmem:s15+$0x19600];
	_ =	sdelay $0x4  }
0x203: {  	[tilespmem:s13+$0x13700] =	vst v2  }
0x204: {  	v2 =	vld [tilespmem:s15+$0x19610];
	_ =	sdelay $0x1  }
0x205: {  	(v2sf) =	vpush v0, $0xC;
	v3 =	vbroadcast v1, $0xA;
	_ =	sdelay $0x1  }
0x206: {  	[tilespmem:s13+$0x13720] =	vst v3  }
0x207: {  	s19 =	spop (v2sf);
	[tilespmem:s13+$0x13710] =	vst v2  }
0x208: {  	v2 =	vld [tilespmem:s19+$0x19600];
	_ =	sdelay $0x4  }
0x209: {  	[tilespmem:s13+$0x13780] =	vst v2  }
0x20a: {  	v2 =	vld [tilespmem:s19+$0x19610];
	_ =	sdelay $0x1  }
0x20b: {  	(v2sf) =	vpush v0, $0xD;
	v3 =	vbroadcast v1, $0xB;
	_ =	sdelay $0x1  }
0x20c: {  	[tilespmem:s13+$0x137A0] =	vst v3  }
0x20d: {  	s24 =	spop (v2sf);
	[tilespmem:s13+$0x13790] =	vst v2  }
0x20e: {  	v2 =	vld [tilespmem:s24+$0x19600];
	_ =	sdelay $0x4  }
0x20f: {  	[tilespmem:s13+$0x13800] =	vst v2  }
0x210: {  	v2 =	vld [tilespmem:s24+$0x19610];
	_ =	sdelay $0x1  }
0x211: {  	(v2sf) =	vpush v0, $0xE;
	v3 =	vbroadcast v1, $0xC;
	_ =	sdelay $0x1  }
0x212: {  	[tilespmem:s13+$0x13820] =	vst v3  }
0x213: {  	s15 =	spop (v2sf);
	[tilespmem:s13+$0x13810] =	vst v2  }
0x214: {  	v2 =	vld [tilespmem:s15+$0x19600];
	_ =	sdelay $0x4  }
0x215: {  	[tilespmem:s13+$0x13880] =	vst v2  }
0x216: {  	v2 =	vld [tilespmem:s15+$0x19610];
	_ =	sdelay $0x1  }
0x217: {  	(v2sf) =	vpush v0, $0xF;
	v3 =	vbroadcast v1, $0xD;
	_ =	sdelay $0x1  }
0x218: {  	[tilespmem:s13+$0x138A0] =	vst v3  }
0x219: {  	s19 =	spop (v2sf);
	[tilespmem:s13+$0x13890] =	vst v2  }
0x21a: {  	v0 =	vld [tilespmem:s19+$0x19600];
	_ =	sdelay $0x4  }
0x21b: {  	[tilespmem:s13+$0x13900] =	vst v0  }
0x21c: {  	v0 =	vld [tilespmem:s19+$0x19610];
	_ =	sdelay $0x1  }
0x21d: {  	v2 =	vbroadcast v1, $0xE;
	_ =	sdelay $0x1  }
0x21e: {  	[tilespmem:s13+$0x13920] =	vst v2  }
0x21f: {  	s24 =	spop (v2sf);
	[tilespmem:s13+$0x13910] =	vst v0  }
0x220: {  	v0 =	vld [tilespmem:s24+$0x19600];
	_ =	sdelay $0x4  }
0x221: {  	v1 =	vbroadcast v1, $0xF;
	[tilespmem:s13+$0x13980] =	vst v0  }
0x222: {  	v0 =	vld [tilespmem:s24+$0x19610]  }
0x223: {  	s14 =	simm.s32 $0x10;
	s15 =	simm.s32 $0x20;
	[tilespmem:s13+$0x139A0] =	vst v1  }
.LBB2_5:
0x224: {  	_ =	sdelay $0x1  }
0x225: {  	p0 =	sne.s32 s15, $0xC0  }
0x226: {  	s19 =	smin.u32 s14, $0xB8;
	s14 =	smov.u32 s15;
	s15 =	sadd.s32 $0x10, s15;
	[tilespmem:s13+$0x13990] =	vst v0  }
0x227: {  	v0 =	vld [tilespmem:s19+$0x300];
	_ =	sdelay $0x4  }
0x228: {  	v0 =	vshll.u32 v0, $0x9  }
0x229: {  	v1 =	vshra.s32 v0, $0x2  }
0x22a: {  	(v2sf) =	vpush v1, $0x0;
	_ =	sdelay $0xb  }
0x22b: {  	(v2sf) =	vpush v1, $0x1;
	_ =	sdelay $0x2  }
0x22c: {  	s24 =	spop (v2sf)  }
0x22d: {  	v0 =	vld [tilespmem:s24+$0x19600]  }
0x22e: {  	v2 =	vld [tilespmem:s19+$0x500];
	_ =	sdelay $0x2  }
0x22f: {  	s13 =	sshll.u32 s19, $0x7  }
0x230: {  	[tilespmem:s13+$0x13200] =	vst v0  }
0x231: {  	v0 =	vcvt.s32.f32 v2;
	v2 =	vld [tilespmem:s24+$0x19610];
	_ =	sdelay $0x1  }
0x232: {  	v3 =	vbroadcast v0, $0x0;
	(v2sf) =	vpush v1, $0x2;
	_ =	sdelay $0x1  }
0x233: {  	[tilespmem:s13+$0x13220] =	vst v3  }
0x234: {  	[tilespmem:s13+$0x13210] =	vst v2;
	s19 =	spop (v2sf)  }
0x235: {  	v2 =	vld [tilespmem:s19+$0x19600];
	_ =	sdelay $0x4  }
0x236: {  	[tilespmem:s13+$0x13280] =	vst v2  }
0x237: {  	v2 =	vld [tilespmem:s19+$0x19610];
	_ =	sdelay $0x1  }
0x238: {  	v3 =	vbroadcast v0, $0x1;
	(v2sf) =	vpush v1, $0x3;
	_ =	sdelay $0x1  }
0x239: {  	[tilespmem:s13+$0x132A0] =	vst v3  }
0x23a: {  	[tilespmem:s13+$0x13290] =	vst v2;
	s19 =	spop (v2sf)  }
0x23b: {  	v2 =	vld [tilespmem:s19+$0x19600];
	_ =	sdelay $0x4  }
0x23c: {  	[tilespmem:s13+$0x13300] =	vst v2  }
0x23d: {  	v2 =	vld [tilespmem:s19+$0x19610];
	_ =	sdelay $0x1  }
0x23e: {  	v3 =	vbroadcast v0, $0x2;
	(v2sf) =	vpush v1, $0x4;
	_ =	sdelay $0x1  }
0x23f: {  	[tilespmem:s13+$0x13320] =	vst v3  }
0x240: {  	[tilespmem:s13+$0x13310] =	vst v2;
	s19 =	spop (v2sf)  }
0x241: {  	v2 =	vld [tilespmem:s19+$0x19600];
	_ =	sdelay $0x4  }
0x242: {  	[tilespmem:s13+$0x13380] =	vst v2  }
0x243: {  	v2 =	vld [tilespmem:s19+$0x19610];
	_ =	sdelay $0x1  }
0x244: {  	v3 =	vbroadcast v0, $0x3;
	(v2sf) =	vpush v1, $0x5;
	_ =	sdelay $0x1  }
0x245: {  	[tilespmem:s13+$0x133A0] =	vst v3  }
0x246: {  	[tilespmem:s13+$0x13390] =	vst v2;
	s19 =	spop (v2sf)  }
0x247: {  	v2 =	vld [tilespmem:s19+$0x19600];
	_ =	sdelay $0x4  }
0x248: {  	[tilespmem:s13+$0x13400] =	vst v2  }
0x249: {  	v2 =	vld [tilespmem:s19+$0x19610];
	_ =	sdelay $0x1  }
0x24a: {  	v3 =	vbroadcast v0, $0x4;
	(v2sf) =	vpush v1, $0x6;
	_ =	sdelay $0x1  }
0x24b: {  	[tilespmem:s13+$0x13420] =	vst v3  }
0x24c: {  	[tilespmem:s13+$0x13410] =	vst v2;
	s19 =	spop (v2sf)  }
0x24d: {  	v2 =	vld [tilespmem:s19+$0x19600];
	_ =	sdelay $0x4  }
0x24e: {  	[tilespmem:s13+$0x13480] =	vst v2  }
0x24f: {  	v2 =	vld [tilespmem:s19+$0x19610];
	_ =	sdelay $0x1  }
0x250: {  	v3 =	vbroadcast v0, $0x5;
	(v2sf) =	vpush v1, $0x7;
	_ =	sdelay $0x1  }
0x251: {  	[tilespmem:s13+$0x134A0] =	vst v3  }
0x252: {  	[tilespmem:s13+$0x13490] =	vst v2;
	s19 =	spop (v2sf)  }
0x253: {  	v2 =	vld [tilespmem:s19+$0x19600];
	_ =	sdelay $0x4  }
0x254: {  	[tilespmem:s13+$0x13500] =	vst v2  }
0x255: {  	v2 =	vld [tilespmem:s19+$0x19610];
	_ =	sdelay $0x1  }
0x256: {  	v3 =	vbroadcast v0, $0x6;
	(v2sf) =	vpush v1, $0x8;
	_ =	sdelay $0x1  }
0x257: {  	[tilespmem:s13+$0x13520] =	vst v3  }
0x258: {  	[tilespmem:s13+$0x13510] =	vst v2;
	s19 =	spop (v2sf)  }
0x259: {  	v2 =	vld [tilespmem:s19+$0x19600];
	_ =	sdelay $0x4  }
0x25a: {  	[tilespmem:s13+$0x13580] =	vst v2;
	v2 =	vbroadcast v0, $0x7  }
0x25b: {  	v3 =	vld [tilespmem:s19+$0x19610]  }
0x25c: {  	[tilespmem:s13+$0x135A0] =	vst v2  }
0x25d: {  	(v2sf) =	vpush v1, $0x9;
	_ =	sdelay $0x2  }
0x25e: {  	[tilespmem:s13+$0x13590] =	vst v3;
	s19 =	spop (v2sf)  }
0x25f: {  	v2 =	vld [tilespmem:s19+$0x19600];
	_ =	sdelay $0x4  }
0x260: {  	[tilespmem:s13+$0x13600] =	vst v2;
	v2 =	vbroadcast v0, $0x8  }
0x261: {  	v3 =	vld [tilespmem:s19+$0x19610]  }
0x262: {  	[tilespmem:s13+$0x13620] =	vst v2  }
0x263: {  	(v2sf) =	vpush v1, $0xA;
	_ =	sdelay $0x2  }
0x264: {  	[tilespmem:s13+$0x13610] =	vst v3;
	s19 =	spop (v2sf)  }
0x265: {  	v2 =	vld [tilespmem:s19+$0x19600];
	_ =	sdelay $0x4  }
0x266: {  	[tilespmem:s13+$0x13680] =	vst v2;
	v2 =	vbroadcast v0, $0x9  }
0x267: {  	v3 =	vld [tilespmem:s19+$0x19610]  }
0x268: {  	[tilespmem:s13+$0x136A0] =	vst v2  }
0x269: {  	(v2sf) =	vpush v1, $0xB;
	_ =	sdelay $0x2  }
0x26a: {  	[tilespmem:s13+$0x13690] =	vst v3;
	s19 =	spop (v2sf)  }
0x26b: {  	v2 =	vld [tilespmem:s19+$0x19600];
	_ =	sdelay $0x4  }
0x26c: {  	[tilespmem:s13+$0x13700] =	vst v2;
	v2 =	vbroadcast v0, $0xA  }
0x26d: {  	v3 =	vld [tilespmem:s19+$0x19610]  }
0x26e: {  	[tilespmem:s13+$0x13720] =	vst v2  }
0x26f: {  	(v2sf) =	vpush v1, $0xC;
	_ =	sdelay $0x2  }
0x270: {  	[tilespmem:s13+$0x13710] =	vst v3;
	s19 =	spop (v2sf)  }
0x271: {  	v2 =	vld [tilespmem:s19+$0x19600];
	_ =	sdelay $0x4  }
0x272: {  	[tilespmem:s13+$0x13780] =	vst v2;
	v2 =	vbroadcast v0, $0xB  }
0x273: {  	v3 =	vld [tilespmem:s19+$0x19610]  }
0x274: {  	[tilespmem:s13+$0x137A0] =	vst v2  }
0x275: {  	(v2sf) =	vpush v1, $0xD;
	_ =	sdelay $0x2  }
0x276: {  	[tilespmem:s13+$0x13790] =	vst v3;
	s19 =	spop (v2sf)  }
0x277: {  	v2 =	vld [tilespmem:s19+$0x19600];
	_ =	sdelay $0x4  }
0x278: {  	[tilespmem:s13+$0x13800] =	vst v2;
	v2 =	vbroadcast v0, $0xC  }
0x279: {  	v3 =	vld [tilespmem:s19+$0x19610]  }
0x27a: {  	[tilespmem:s13+$0x13820] =	vst v2  }
0x27b: {  	(v2sf) =	vpush v1, $0xE;
	_ =	sdelay $0x2  }
0x27c: {  	[tilespmem:s13+$0x13810] =	vst v3;
	s19 =	spop (v2sf)  }
0x27d: {  	v2 =	vld [tilespmem:s19+$0x19600];
	_ =	sdelay $0x4  }
0x27e: {  	[tilespmem:s13+$0x13880] =	vst v2;
	v2 =	vbroadcast v0, $0xD  }
0x27f: {  	v3 =	vld [tilespmem:s19+$0x19610]  }
0x280: {  	[tilespmem:s13+$0x138A0] =	vst v2  }
0x281: {  	(v2sf) =	vpush v1, $0xF;
	_ =	sdelay $0x2  }
0x282: {  	[tilespmem:s13+$0x13890] =	vst v3;
	s19 =	spop (v2sf)  }
0x283: {  	v1 =	vld [tilespmem:s19+$0x19600];
	_ =	sdelay $0x4  }
0x284: {  	[tilespmem:s13+$0x13900] =	vst v1;
	v1 =	vbroadcast v0, $0xE  }
0x285: {  	v2 =	vld [tilespmem:s19+$0x19610]  }
0x286: {  	[tilespmem:s13+$0x13920] =	vst v1;
	_ =	sdelay $0x3  }
0x287: {  	[tilespmem:s13+$0x13910] =	vst v2;
	s19 =	spop (v2sf)  }
0x288: {  	v1 =	vld [tilespmem:s19+$0x19600];
	_ =	sdelay $0x2  }
.Ltmp3:
0x289: {  	(pc) =	sbr.rel @p0 .LBB2_5-.Ltmp3, $4  }
0x28a: {  	_ = 	snop  }
0x28b: {  	[tilespmem:s13+$0x13980] =	vst v1;
	v1 =	vbroadcast v0, $0xF  }
0x28c: {  	v0 =	vld [tilespmem:s19+$0x19610]  }
0x28d: {  	[tilespmem:s13+$0x139A0] =	vst v1  }
0x28e: {  	_ =	sdelay $0x2  }
0x28f: {  	s14 =	smin.u32 s14, $0xB8;
	[tilespmem:s13+$0x13990] =	vst v0  }
0x290: {  	v0 =	vld [tilespmem:s14+$0x300];
	_ =	sdelay $0x4  }
0x291: {  	v0 =	vshll.u32 v0, $0x9  }
0x292: {  	v0 =	vshra.s32 v0, $0x2  }
0x293: {  	(v2sf) =	vpush v0, $0x0;
	_ =	sdelay $0xb  }
0x294: {  	(v2sf) =	vpush v0, $0x1;
	_ =	sdelay $0x2  }
0x295: {  	s15 =	spop (v2sf)  }
0x296: {  	v1 =	vld [tilespmem:s15+$0x19600]  }
0x297: {  	v2 =	vld [tilespmem:s14+$0x500];
	_ =	sdelay $0x2  }
0x298: {  	s13 =	sshll.u32 s14, $0x7  }
0x299: {  	[tilespmem:s13+$0x13200] =	vst v1  }
0x29a: {  	v47 =	vcvt.s32.f32 v2;
	v48 =	vld [tilespmem:s15+$0x19610];
	_ =	sdelay $0x1  }
0x29b: {  	v3 =	vbroadcast v47, $0x0;
	(v2sf) =	vpush v0, $0x2;
	_ =	sdelay $0x1  }
0x29c: {  	[tilespmem:s13+$0x13220] =	vst v3  }
0x29d: {  	s24 =	spop (v2sf);
	[tilespmem:s13+$0x13210] =	vst v48  }
0x29e: {  	v2 =	vld [tilespmem:s24+$0x19600];
	_ =	sdelay $0x4  }
0x29f: {  	[tilespmem:s13+$0x13280] =	vst v2  }
0x2a0: {  	v2 =	vld [tilespmem:s24+$0x19610];
	_ =	sdelay $0x1  }
0x2a1: {  	v49 =	vbroadcast v47, $0x1;
	(v2sf) =	vpush v0, $0x3;
	_ =	sdelay $0x1  }
0x2a2: {  	[tilespmem:s13+$0x132A0] =	vst v49  }
0x2a3: {  	s15 =	spop (v2sf);
	[tilespmem:s13+$0x13290] =	vst v2  }
0x2a4: {  	v2 =	vld [tilespmem:s15+$0x19600];
	_ =	sdelay $0x4  }
0x2a5: {  	[tilespmem:s13+$0x13300] =	vst v2  }
0x2a6: {  	v2 =	vld [tilespmem:s15+$0x19610];
	_ =	sdelay $0x1  }
0x2a7: {  	v50 =	vbroadcast v47, $0x2;
	(v2sf) =	vpush v0, $0x4;
	_ =	sdelay $0x1  }
0x2a8: {  	[tilespmem:s13+$0x13320] =	vst v50  }
0x2a9: {  	s19 =	spop (v2sf);
	[tilespmem:s13+$0x13310] =	vst v2  }
0x2aa: {  	v2 =	vld [tilespmem:s19+$0x19600];
	_ =	sdelay $0x4  }
0x2ab: {  	[tilespmem:s13+$0x13380] =	vst v2  }
0x2ac: {  	v2 =	vld [tilespmem:s19+$0x19610];
	_ =	sdelay $0x1  }
0x2ad: {  	v51 =	vbroadcast v47, $0x3;
	(v2sf) =	vpush v0, $0x5;
	_ =	sdelay $0x1  }
0x2ae: {  	[tilespmem:s13+$0x133A0] =	vst v51  }
0x2af: {  	s24 =	spop (v2sf);
	[tilespmem:s13+$0x13390] =	vst v2  }
0x2b0: {  	v2 =	vld [tilespmem:s24+$0x19600];
	_ =	sdelay $0x4  }
0x2b1: {  	[tilespmem:s13+$0x13400] =	vst v2  }
0x2b2: {  	v2 =	vld [tilespmem:s24+$0x19610];
	_ =	sdelay $0x1  }
0x2b3: {  	v52 =	vbroadcast v47, $0x4;
	(v2sf) =	vpush v0, $0x6;
	_ =	sdelay $0x1  }
0x2b4: {  	[tilespmem:s13+$0x13420] =	vst v52  }
0x2b5: {  	s15 =	spop (v2sf);
	[tilespmem:s13+$0x13410] =	vst v2  }
0x2b6: {  	v2 =	vld [tilespmem:s15+$0x19600];
	_ =	sdelay $0x4  }
0x2b7: {  	[tilespmem:s13+$0x13480] =	vst v2  }
0x2b8: {  	v2 =	vld [tilespmem:s15+$0x19610];
	_ =	sdelay $0x1  }
0x2b9: {  	v53 =	vbroadcast v47, $0x5;
	(v2sf) =	vpush v0, $0x7;
	_ =	sdelay $0x1  }
0x2ba: {  	[tilespmem:s13+$0x134A0] =	vst v53  }
0x2bb: {  	s19 =	spop (v2sf);
	[tilespmem:s13+$0x13490] =	vst v2  }
0x2bc: {  	v2 =	vld [tilespmem:s19+$0x19600];
	_ =	sdelay $0x4  }
0x2bd: {  	[tilespmem:s13+$0x13500] =	vst v2  }
0x2be: {  	v2 =	vld [tilespmem:s19+$0x19610];
	_ =	sdelay $0x1  }
0x2bf: {  	v54 =	vbroadcast v47, $0x6;
	(v2sf) =	vpush v0, $0x8;
	_ =	sdelay $0x1  }
0x2c0: {  	[tilespmem:s13+$0x13520] =	vst v54  }
0x2c1: {  	s24 =	spop (v2sf);
	[tilespmem:s13+$0x13510] =	vst v2  }
0x2c2: {  	v2 =	vld [tilespmem:s24+$0x19600];
	_ =	sdelay $0x4  }
0x2c3: {  	[tilespmem:s13+$0x13580] =	vst v2  }
0x2c4: {  	v2 =	vld [tilespmem:s24+$0x19610];
	_ =	sdelay $0x1  }
0x2c5: {  	v55 =	vbroadcast v47, $0x7;
	(v2sf) =	vpush v0, $0x9;
	_ =	sdelay $0x1  }
0x2c6: {  	[tilespmem:s13+$0x135A0] =	vst v55  }
0x2c7: {  	s15 =	spop (v2sf);
	[tilespmem:s13+$0x13590] =	vst v2  }
0x2c8: {  	v2 =	vld [tilespmem:s15+$0x19600];
	_ =	sdelay $0x4  }
0x2c9: {  	[tilespmem:s13+$0x13600] =	vst v2  }
0x2ca: {  	v2 =	vld [tilespmem:s15+$0x19610];
	_ =	sdelay $0x1  }
0x2cb: {  	v56 =	vbroadcast v47, $0x8;
	(v2sf) =	vpush v0, $0xA;
	_ =	sdelay $0x1  }
0x2cc: {  	[tilespmem:s13+$0x13620] =	vst v56  }
0x2cd: {  	s19 =	spop (v2sf);
	[tilespmem:s13+$0x13610] =	vst v2  }
0x2ce: {  	v2 =	vld [tilespmem:s19+$0x19600];
	_ =	sdelay $0x4  }
0x2cf: {  	[tilespmem:s13+$0x13680] =	vst v2  }
0x2d0: {  	v2 =	vld [tilespmem:s19+$0x19610];
	_ =	sdelay $0x1  }
0x2d1: {  	v57 =	vbroadcast v47, $0x9;
	(v2sf) =	vpush v0, $0xB;
	_ =	sdelay $0x1  }
0x2d2: {  	[tilespmem:s13+$0x136A0] =	vst v57  }
0x2d3: {  	s24 =	spop (v2sf);
	[tilespmem:s13+$0x13690] =	vst v2  }
0x2d4: {  	v2 =	vld [tilespmem:s24+$0x19600];
	_ =	sdelay $0x4  }
0x2d5: {  	[tilespmem:s13+$0x13700] =	vst v2  }
0x2d6: {  	v2 =	vld [tilespmem:s24+$0x19610];
	_ =	sdelay $0x1  }
0x2d7: {  	v58 =	vbroadcast v47, $0xA;
	(v2sf) =	vpush v0, $0xC;
	_ =	sdelay $0x1  }
0x2d8: {  	[tilespmem:s13+$0x13720] =	vst v58  }
0x2d9: {  	s15 =	spop (v2sf);
	[tilespmem:s13+$0x13710] =	vst v2  }
0x2da: {  	v2 =	vld [tilespmem:s15+$0x19600];
	_ =	sdelay $0x4  }
0x2db: {  	[tilespmem:s13+$0x13780] =	vst v2  }
0x2dc: {  	v2 =	vld [tilespmem:s15+$0x19610];
	_ =	sdelay $0x1  }
0x2dd: {  	v59 =	vbroadcast v47, $0xB;
	(v2sf) =	vpush v0, $0xD;
	_ =	sdelay $0x1  }
0x2de: {  	[tilespmem:s13+$0x137A0] =	vst v59  }
0x2df: {  	s19 =	spop (v2sf);
	[tilespmem:s13+$0x13790] =	vst v2  }
0x2e0: {  	v2 =	vld [tilespmem:s19+$0x19600];
	_ =	sdelay $0x4  }
0x2e1: {  	[tilespmem:s13+$0x13800] =	vst v2  }
0x2e2: {  	v2 =	vld [tilespmem:s19+$0x19610];
	_ =	sdelay $0x1  }
0x2e3: {  	v60 =	vbroadcast v47, $0xC;
	(v2sf) =	vpush v0, $0xE;
	_ =	sdelay $0x1  }
0x2e4: {  	[tilespmem:s13+$0x13820] =	vst v60  }
0x2e5: {  	s24 =	spop (v2sf);
	[tilespmem:s13+$0x13810] =	vst v2  }
0x2e6: {  	v2 =	vld [tilespmem:s24+$0x19600];
	_ =	sdelay $0x4  }
0x2e7: {  	[tilespmem:s13+$0x13880] =	vst v2  }
0x2e8: {  	v2 =	vld [tilespmem:s24+$0x19610];
	_ =	sdelay $0x1  }
0x2e9: {  	v61 =	vbroadcast v47, $0xD;
	(v2sf) =	vpush v0, $0xF;
	_ =	sdelay $0x1  }
0x2ea: {  	[tilespmem:s13+$0x138A0] =	vst v61  }
0x2eb: {  	s15 =	spop (v2sf);
	[tilespmem:s13+$0x13890] =	vst v2  }
0x2ec: {  	v62 =	vld [tilespmem:s15+$0x19600];
	_ =	sdelay $0x4  }
0x2ed: {  	[tilespmem:s13+$0x13900] =	vst v62  }
0x2ee: {  	v0 =	vld [tilespmem:s15+$0x19610];
	_ =	sdelay $0x1  }
0x2ef: {  	v63 =	vbroadcast v47, $0xE;
	_ =	sdelay $0x1  }
0x2f0: {  	[tilespmem:s13+$0x13920] =	vst v63  }
0x2f1: {  	s19 =	spop (v2sf);
	[tilespmem:s13+$0x13910] =	vst v0  }
0x2f2: {  	v0 =	vld [tilespmem:s19+$0x19600];
	_ =	sdelay $0x4  }
0x2f3: {  	[tilespmem:s13+$0x13980] =	vst v0  }
0x2f4: {  	v0 =	vld [tilespmem:s19+$0x19610];
	_ =	sdelay $0x1  }
0x2f5: {  	v1 =	vbroadcast v47, $0xF;
	_ =	sdelay $0x1  }
0x2f6: {  	[tilespmem:s13+$0x139A0] =	vst v1  }
0x2f7: {  	[tilespmem:s13+$0x13990] =	vst v0  }
0x2f8: {  	_ =	swait.ge [sflag:s10], $0x3400  }
0x2f9: {  	[sflag:s10] =	ssyncset.done $0x0  }
0x2fa: {  	[sflag:s10] =	ssyncadd.s32 $0xFFFFCC00  }
0x2fb: {  	s23 =	smul.u32 $0x1900, s23;
	p0 =	seq.s32 s20, $0x3F;
	_ =	swait.ge [sflag:s10], $0x3000  }
.Ltmp4:
0x2fc: {  	[sflag:s10] =	ssyncset.done $0x0;
	(pc) =	sbr.rel @p0 .LBB2_8-.Ltmp4, $4  }
0x2fd: {  	s24 =	sadd.s32 s6, s23;
	[sflag:s10] =	ssyncadd.s32 $0xFFFFD000  }
0x2fe: {  	[hbm4b:s24+s25] =	stream.strided.scatter [tilespmem:s5], [sflag:$0x5], $0x6400, s11, s25, $0x38;
	[tilespmem:$0x1B600] =	vst v63  }
0x2ff: {  	s13 =	sadd.s32 s23, s18  }
0x300: {  	[hbm4b:s13+s25] =	stream.strided.scatter [tilespmem:s12], [sflag:$0x5], $0x6400, s11, s25, $0x38;
	[tilespmem:$0x1B600] =	vst v63  }
0x301: {  	s13 =	sadd.s32 s17, s21  }
0x302: {  	s13 =	smul.u32 $0x19, s13;
	_ =	sdelay $0x1  }
0x303: {  	s14 =	sadd.s32 s0, s13  }
0x304: {  	[tilespmem:s7], [sflag:$0x1] =	stream.linear.gather [hbm4b:s14+s7], $0xC8, $0x38;
	[tilespmem:$0x1B600] =	vst v63  }
.Ltmp5:
0x305: {  	_ = 	snop;
	(pc) =	sbr.rel .LBB2_2-.Ltmp5, $4  }
0x306: {  	s15 =	simm.s32 $0x200;
	s24 =	sadd.s32 s1, s13  }
0x307: {  	[tilespmem:s15], [sflag:$0x1] =	stream.linear.gather [hbm4b:s24+s7], $0xC8, $0x38;
	[tilespmem:$0x1B600] =	vst v63  }
0x308: {  	s20 =	sadd.s32 $0x1, s20;
	s13 =	sadd.s32 s3, s13  }
0x309: {  	[tilespmem:s25], [sflag:$0x1] =	stream.linear.gather [hbm4b:s13+s7], $0xC8, $0x38;
	[tilespmem:$0x1B600] =	vst v63  }
.LBB2_9:
0x30a: {  	_ =	sfence.sel $0x180000  }
0x30b: {  	[bflag:$0x0] =	sbarrier.arrive $0xFFFF  }
0x30c: {  	_ =	strace $0x90000047  }
0x30d: {  	s0 =	stileid.u32;
	[bflag:$0x2] =	sbarrier.arrive $0xFFFF  }
0x30e: {  	p0 =	sne.s32 s0, $0x0;
	s0 =	rddreg [dreg:$0x6]  }
0x30f: {  	s0 =	sadd.s32 @!p0 $0x100000, s0  }
0x310: {  	[sflag:s0] =	ssyncadd.tile.s32 @!p0 $0x1;
	_ =	shalt  }
.Lfunc_end2:
_tile_overlayer_lowered:
.L_overlay_start_2:
0x311: {  	(tag) =	ssettag $0x2  }
0x312: {  	s0 =	rddreg [dreg:$0x0];
	s2 =	stileid.u32  }
0x313: {  	s1 =	rddreg [dreg:$0x1];
	p0 =	sne.s32 s2, $0x0  }
0x314: {  	s3 =	rddreg [dreg:$0x2];
	[bflag:$0x3] =	sbarrier.arrive $0xFFFF;
	s2 =	simm.s32 @!p0 $0x1C07  }
0x315: {  	[timem:s3], [sflag:s2] =	dma.local @!p0 [hbm:s0], s1  }
0x316: {  	s0 =	simm.s32 @!p0 $0x7  }
0x317: {  	_ =	swait.ge @!p0 [sflag:s0], s1  }
0x318: {  	s1 =	ssub.s32 @!p0 $0x0, s1;
	[sflag:s0] =	ssyncset.done @!p0 $0x0  }
0x319: {  	[sflag:s0] =	ssyncadd.s32 @!p0 s1  }
0x31a: {  	[bflag:$0x3] =	sbarrier.arrive $0xFFFF  }
0x31b: {  	_ =	shalt  }

</sc_bundles>
